<compile_context>
chip_gen: v7x
topology: tpu7x:2x2x1
jax: 0.10.2.dev20260603
libtpu: 0.0.44.dev20260713+nightly
codegen_flags: <defaults>
</compile_context>

<pallas_src>
import jax
import jax.numpy as jnp
from jax import lax
from jax.experimental import pallas as pl
from jax.experimental.pallas import tpu as pltpu
from jax.experimental.pallas import tpu_sc as plsc

_N = 6400000
_K = 100000
_B = 2000
_NBLK = _N // _B
_Q = _K // 4
_QPAD = 25600
_DUMP = _QPAD - 1
_RSC = _QPAD // 16
_FCH = _RSC // 2


def _make_sc_body(k):
    def body(crd_hbm, ids_hbm, firsts_hbm, lasts_hbm, cen_hbm, out_hbm,
             ids_ref, lids_ref, crd_ref, rows_ref, firsts_ref, lasts_ref,
             accv_ref, fin_ref, cen_ref, acc_ref):
        cid = lax.axis_index("c")
        sid = lax.axis_index("s")
        qlo = (2 * k + cid) * _Q
        qhi = qlo + _Q

        liota = lax.iota(jnp.int32, 16)
        lanemod = liota & 1
        zero16 = jnp.zeros((16,), jnp.float32)

        def _zrow(j, _):
            rows_ref[j, :] = zero16
            return 0

        lax.fori_loop(0, _B, _zrow, 0)
        pltpu.sync_copy(rows_ref.at[pl.ds(0, _RSC)],
                        acc_ref.at[pl.ds(sid * _RSC, _RSC)])

        pat = jnp.where(liota == 14, jnp.float32(1.0), jnp.float32(0.0))

        def _prow(j, _):
            rows_ref[j, :] = pat
            return 0

        lax.fori_loop(0, _B, _prow, 0)

        pltpu.sync_copy(firsts_hbm, firsts_ref.at[pl.ds(0, _NBLK)])
        pltpu.sync_copy(lasts_hbm, lasts_ref.at[pl.ds(0, _NBLK)])
        plsc.subcore_barrier()

        def _block(j, _):
            b = j * 16 + sid
            f = firsts_ref[pl.ds(b, 16)][0]
            l = lasts_ref[pl.ds(b, 16)][0]

            @pl.when(jnp.logical_and(f < qhi, l >= qlo))
            def _():
                base = pl.multiple_of(b * _B, 8)
                pltpu.sync_copy(ids_hbm.at[pl.ds(base, _B)], ids_ref)
                pltpu.sync_copy(crd_hbm.at[pl.ds(base * 2, 2 * _B)], crd_ref)

                def _lid(t, _c):
                    v = ids_ref[pl.ds(t * 16, 16)] - qlo
                    ok = jnp.logical_and(v >= 0, v < _Q)
                    lids_ref[pl.ds(t * 16, 16)] = jnp.where(ok, v, _DUMP)
                    return 0

                lax.fori_loop(0, _B // 16, _lid, 0)

                def _pair(ii):
                    d = crd_ref[pl.ds(ii * 16, 16)]
                    rowv = (liota >> 1) + ii * 8
                    p = d
                    plsc.store_scatter(rows_ref, [rowv, lanemod * 7], p)
                    for n in range(1, 7):
                        p = p * d
                        plsc.store_scatter(rows_ref, [rowv, lanemod * 7 + n], p)

                def _comp(i, _c):
                    _pair(i * 2)
                    _pair(i * 2 + 1)
                    return 0

                lax.fori_loop(0, _B // 16, _comp, 0)
                pltpu.sync_copy(rows_ref, acc_ref.at[lids_ref], add=True)

            return 0

        lax.fori_loop(0, _NBLK // 16, _block, 0)
        plsc.subcore_barrier()

        zero16i = liota * 0
        for chunk in range(2):
            rbase = sid * _RSC + chunk * _FCH
            pltpu.sync_copy(acc_ref.at[pl.ds(rbase, _FCH)], accv_ref)
            cbase = pl.multiple_of(qlo + rbase, 8)
            pltpu.sync_copy(cen_hbm.at[pl.ds(cbase, _FCH)], cen_ref)

            def _group(g, _c):
                rows = g * 16 + liota
                s_cols = [plsc.load_gather(accv_ref, [rows, zero16i + ch])
                          for ch in range(15)]
                m = s_cols[14]
                cx = plsc.load_gather(cen_ref, [rows, zero16i])
                cy = plsc.load_gather(cen_ref, [rows, zero16i + 1])
                dinv = 1.0 / jnp.maximum(m, 1.0)

                def shifted(c, s_rows):
                    u = [m] + s_rows
                    res = []
                    for _mm in range(1, 8):
                        u = [u[t + 1] - c * u[t] for t in range(len(u) - 1)]
                        res.append(u[0])
                    return res

                mx = shifted(cx, s_cols[0:7])
                my = shifted(cy, s_cols[7:14])
                for n in range(7):
                    plsc.store_scatter(fin_ref, [rows, zero16i + 2 * n],
                                       mx[n] * dinv)
                    plsc.store_scatter(fin_ref, [rows, zero16i + 2 * n + 1],
                                       my[n] * dinv)
                plsc.store_scatter(fin_ref, [rows, zero16i + 14],
                                   m * jnp.float32(1.0 / 400.0))
                return 0

            lax.fori_loop(0, _FCH // 16, _group, 0)
            pltpu.sync_copy(fin_ref,
                            out_hbm.at[cid, sid, pl.ds(chunk * _FCH, _FCH)])

    return body


def _make_call(k):
    return pl.kernel(
        _make_sc_body(k),
        out_type=jax.ShapeDtypeStruct((2, 16, _RSC, 15), jnp.float32),
        mesh=plsc.VectorSubcoreMesh(core_axis_name="c", subcore_axis_name="s"),
        compiler_params=pltpu.CompilerParams(
            needs_layout_passes=False, use_tc_tiling_on_sc=False),
        scratch_types=[
            pltpu.VMEM((_B,), jnp.int32),
            pltpu.VMEM((_B,), jnp.int32),
            pltpu.VMEM((2 * _B,), jnp.float32),
            pltpu.VMEM((_B, 16), jnp.float32),
            pltpu.VMEM((_NBLK + 16,), jnp.int32),
            pltpu.VMEM((_NBLK + 16,), jnp.int32),
            pltpu.VMEM((_FCH, 16), jnp.float32),
            pltpu.VMEM((_FCH, 15), jnp.float32),
            pltpu.VMEM((_FCH, 2), jnp.float32),
            pltpu.VMEM_SHARED((_QPAD, 16), jnp.float32),
        ],
    )


def kernel(coords, centers, clusters):
    ids = clusters.astype(jnp.int32)
    crd = coords.reshape(-1)
    ids2d = ids.reshape(_NBLK, _B)
    firsts = ids2d.min(axis=1)
    lasts = ids2d.max(axis=1)
    cen_pad = jnp.pad(centers, ((0, 4 * _QPAD - _K), (0, 0)))
    halves = []
    for k in range(2):
        o = _make_call(k)(crd, ids, firsts, lasts, cen_pad)
        o = o.reshape(2, _QPAD, 15)
        halves.append(o[:, :_Q])
    return jnp.concatenate(
        [halves[0][0], halves[0][1], halves[1][0], halves[1][1]], axis=0)

# --- scband reference (transcript-rebuilt; emitter-appended) ---
"""Pipeline reference for scband-mifafa-63900523430208 (READ-ONLY COPY).

The authoritative reference and input builder live on the scoring server;
editing this copy changes nothing except your own understanding.
"""

import jax, jax.numpy as jnp
import numpy as np

NUM_SEGMENTS = 100000
N_POINTS = 6400000


def setup_inputs(seed: int = 0) -> dict:
    key = jax.random.key(seed)
    k1, k2, k3 = jax.random.split(key, 3)
    coords = jax.random.normal(k1, (N_POINTS, 2), dtype=jnp.float32)
    centers = jax.random.normal(k2, (NUM_SEGMENTS, 2), dtype=jnp.float32)
    clusters = jnp.sort(jax.random.randint(k3, (N_POINTS,), 0, NUM_SEGMENTS, dtype=jnp.int32)).astype(jnp.int64)
    return {"coords": coords, "centers": centers, "clusters": clusters}


def reference(coords, centers, clusters):
    # Faithful jax translation of spatial_expansion's segment-reduce core:
    #   centers = centroids[clusters]; diff = coords - centers
    #   for n in 1..7: scatter_mean(diff**n[:, 0], clusters), scatter_mean(diff**n[:, 1], clusters)
    #   plus scatter_sum(ones, clusters) / 400
    K = centers.shape[0]
    gathered = jnp.take(centers, clusters, axis=0)            # gather (SparseCore)
    diff = coords - gathered
    ones = jnp.ones((coords.shape[0],), dtype=coords.dtype)
    counts = jax.ops.segment_sum(ones, clusters, num_segments=K)   # scatter-add
    denom = jnp.maximum(counts, 1.0)
    feats = []
    for n in range(7):
        pw = diff ** (n + 1)
        mx = jax.ops.segment_sum(pw[:, 0], clusters, num_segments=K) / denom  # scatter_mean x
        my = jax.ops.segment_sum(pw[:, 1], clusters, num_segments=K) / denom  # scatter_mean y
        feats.append(mx[:, None])
        feats.append(my[:, None])
    feats.append((counts / 400.0)[:, None])
    moments = jnp.concatenate(feats, axis=-1)  # [K, 15]
    return moments

if __name__ == "__main__":
    import jax
    _d = setup_inputs()
    print(jax.jit(kernel)(*tuple(_d.values())))

</pallas_src>

<mosaic_0001>
#map = affine_map<(d0, d1) -> (0)>
#map1 = affine_map<(d0, d1) -> (0, 0)>
#map2 = affine_map<(d0, d1) -> (0, 0, 0, 0)>
module attributes {stable_mosaic.version = 14 : i64} {
  func.func @body(%arg0: i32, %arg1: i32, %arg2: memref<12800000xf32, #tpu.memory_space<hbm>>, %arg3: memref<6400000xi32, #tpu.memory_space<hbm>>, %arg4: memref<3200xi32, #tpu.memory_space<hbm>>, %arg5: memref<3200xi32, #tpu.memory_space<hbm>>, %arg6: memref<102400x2xf32, #tpu.memory_space<hbm>>, %arg7: memref<2x16x1600x15xf32, #tpu.memory_space<hbm>>, %arg8: memref<2000xi32, #tpu.memory_space<vmem>>, %arg9: memref<2000xi32, #tpu.memory_space<vmem>>, %arg10: memref<4000xf32, #tpu.memory_space<vmem>>, %arg11: memref<2000x16xf32, #tpu.memory_space<vmem>>, %arg12: memref<3216xi32, #tpu.memory_space<vmem>>, %arg13: memref<3216xi32, #tpu.memory_space<vmem>>, %arg14: memref<800x16xf32, #tpu.memory_space<vmem>>, %arg15: memref<800x15xf32, #tpu.memory_space<vmem>>, %arg16: memref<800x2xf32, #tpu.memory_space<vmem>>, %arg17: memref<25600x16xf32, #tpu.memory_space<vmem_shared>>) attributes {dimension_semantics = [#tpu.dimension_semantics<core_parallel>, #tpu.dimension_semantics<subcore_parallel>], iteration_bounds = array<i64: 2, 16>, scalar_prefetch = 0 : i64, scratch_operands = 10 : i64, tpu.core_type = #tpu.core_type<sc_vector_subcore>, window_params = [{transform_indices = #map}, {transform_indices = #map}, {transform_indices = #map}, {transform_indices = #map}, {transform_indices = #map1}, {transform_indices = #map2}]} {
    %add3A = arith.constant 2 : i32
    %add3A_0 = arith.addi %add3A, %arg0 : i32
    %mul3A = arith.constant 25000 : i32
    %mul3A_1 = arith.muli %add3A_0, %mul3A : i32
    %add3A_2 = arith.constant 25000 : i32
    %add3A_3 = arith.addi %mul3A_1, %add3A_2 : i32
    %iota3A = tpu.iota {dimensions = array<i32: 0>} : vector<16xi32>
    %and3A = arith.constant 1 : i32
    %and3A_4 = vector.broadcast %and3A : i32 to vector<16xi32>
    %and3A_5 = arith.andi %iota3A, %and3A_4 : vector<16xi32>
    %broadcast_in_dim3A = arith.constant 0.000000e+00 : f32
    %broadcast_in_dim3A_6 = vector.broadcast %broadcast_in_dim3A : f32 to vector<16xf32>
    %scan3A = arith.constant 0 : i32
    %scan3A_7 = arith.constant 0 : i32
    %scan3A_8 = arith.constant 2000 : i32
    %scan3A_9 = arith.addi %scan3A_7, %scan3A_8 : i32
    %scan3A_10 = arith.constant 1 : i32
    %scan3A_11 = scf.for %scan3A_63 = %scan3A_7 to %scan3A_9 step %scan3A_10 iter_args(%scan3A_64 = %scan3A) -> (i32)  : i32 {
      %swap3A = arith.index_cast %scan3A_63 : i32 to index
      %swap3A_65 = arith.constant 0 : index
      %swap3A_66 = tpu.vector_load %arg11[%swap3A, %swap3A_65] {strides = array<i32>} : memref<2000x16xf32, #tpu.memory_space<vmem>>, vector<16xf32>,
      tpu.vector_store %arg11[%swap3A, %swap3A_65], %broadcast_in_dim3A_6 {strides = array<i32>} : memref<2000x16xf32, #tpu.memory_space<vmem>>, vector<16xf32>,
      %scan3A_67 = arith.constant 0 : i32
      scf.yield %scan3A_67 : i32
    }
    %scan3A_12 = arith.constant 2000 : i32
    %mul3A_13 = arith.constant 1600 : i32
    %mul3A_14 = arith.muli %arg1, %mul3A_13 : i32
    "tpu.region"() ({
      %run_scoped3A = tpu.sem_alloc : memref<!tpu.dma_semaphore, #tpu.memory_space<semaphore_mem>>
      %dma_start3A = arith.constant 0 : i32
      %dma_start3A_63 = arith.constant 0 : i32
      %dma_start3A_64 = tpu.memref_slice %arg11[%dma_start3A, %dma_start3A_63] : memref<2000x16xf32, #tpu.memory_space<vmem>> -> memref<1600x16xf32, #tpu.memory_space<vmem>>
      %dma_start3A_65 = arith.constant 0 : i32
      %dma_start3A_66 = tpu.memref_slice %arg17[%mul3A_14, %dma_start3A_65] : memref<25600x16xf32, #tpu.memory_space<vmem_shared>> -> memref<1600x16xf32, #tpu.memory_space<vmem_shared>>
      %dma_start3A_67 = arith.constant 0 : i32
      %dma_start3A_68 = tpu.memref_slice %arg17[%mul3A_14, %dma_start3A_67] : memref<25600x16xf32, #tpu.memory_space<vmem_shared>> -> memref<1600x16xf32, #tpu.memory_space<vmem_shared>>
      %dma_start3A_69 = arith.constant 0 : i32
      %dma_start3A_70 = arith.constant 0 : i32
      %dma_start3A_71 = tpu.memref_slice %arg11[%dma_start3A_69, %dma_start3A_70] : memref<2000x16xf32, #tpu.memory_space<vmem>> -> memref<1600x16xf32, #tpu.memory_space<vmem>>
      tpu.enqueue_dma source(%dma_start3A_71 : memref<1600x16xf32, #tpu.memory_space<vmem>>) target(%dma_start3A_68 : memref<1600x16xf32, #tpu.memory_space<vmem_shared>>) target_semaphore(%run_scoped3A : memref<!tpu.dma_semaphore, #tpu.memory_space<semaphore_mem>>)
      %dma_wait3A = arith.constant 0 : i32
      %dma_wait3A_72 = arith.constant 0 : i32
      %dma_wait3A_73 = tpu.memref_slice %arg11[%dma_wait3A, %dma_wait3A_72] : memref<2000x16xf32, #tpu.memory_space<vmem>> -> memref<1600x16xf32, #tpu.memory_space<vmem>>
      %dma_wait3A_74 = arith.constant 0 : i32
      %dma_wait3A_75 = tpu.memref_slice %arg17[%mul3A_14, %dma_wait3A_74] : memref<25600x16xf32, #tpu.memory_space<vmem_shared>> -> memref<1600x16xf32, #tpu.memory_space<vmem_shared>>
      %dma_wait3A_76 = arith.constant 0 : i32
      %dma_wait3A_77 = tpu.memref_slice %arg17[%mul3A_14, %dma_wait3A_76] : memref<25600x16xf32, #tpu.memory_space<vmem_shared>> -> memref<1600x16xf32, #tpu.memory_space<vmem_shared>>
      %dma_wait3A_78 = arith.constant 0 : i32
      %dma_wait3A_79 = arith.constant 0 : i32
      %dma_wait3A_80 = tpu.memref_slice %arg11[%dma_wait3A_78, %dma_wait3A_79] : memref<2000x16xf32, #tpu.memory_space<vmem>> -> memref<1600x16xf32, #tpu.memory_space<vmem>>
      tpu.wait_dma2 semaphore(%run_scoped3A : memref<!tpu.dma_semaphore, #tpu.memory_space<semaphore_mem>>) src(%dma_wait3A_80 : memref<1600x16xf32, #tpu.memory_space<vmem>>) dst(%dma_wait3A_77 : memref<1600x16xf32, #tpu.memory_space<vmem_shared>>)
      tpu.yield
    }) : () -> ()
    %eq3A = arith.constant 14 : i32
    %eq3A_15 = vector.broadcast %eq3A : i32 to vector<16xi32>
    %eq3A_16 = arith.cmpi eq, %iota3A, %eq3A_15 : vector<16xi32>
    %jit3A = arith.constant 1.000000e+00 : f32
    %jit3A_17 = arith.constant 0.000000e+00 : f32
    %broadcast_in_dim3A_18 = vector.broadcast %jit3A : f32 to vector<16xf32>
    %broadcast_in_dim3A_19 = vector.broadcast %jit3A_17 : f32 to vector<16xf32>
    %select_n3A = arith.select %eq3A_16, %broadcast_in_dim3A_18, %broadcast_in_dim3A_19 : vector<16xi1>, vector<16xf32>
    %scan3A_20 = arith.constant 0 : i32
    %scan3A_21 = arith.constant 0 : i32
    %scan3A_22 = arith.constant 2000 : i32
    %scan3A_23 = arith.addi %scan3A_21, %scan3A_22 : i32
    %scan3A_24 = arith.constant 1 : i32
    %scan3A_25 = scf.for %scan3A_63 = %scan3A_21 to %scan3A_23 step %scan3A_24 iter_args(%scan3A_64 = %scan3A_20) -> (i32)  : i32 {
      %swap3A = arith.index_cast %scan3A_63 : i32 to index
      %swap3A_65 = arith.constant 0 : index
      %swap3A_66 = tpu.vector_load %arg11[%swap3A, %swap3A_65] {strides = array<i32>} : memref<2000x16xf32, #tpu.memory_space<vmem>>, vector<16xf32>,
      tpu.vector_store %arg11[%swap3A, %swap3A_65], %select_n3A {strides = array<i32>} : memref<2000x16xf32, #tpu.memory_space<vmem>>, vector<16xf32>,
      %scan3A_67 = arith.constant 0 : i32
      scf.yield %scan3A_67 : i32
    }
    %scan3A_26 = arith.constant 2000 : i32
    "tpu.region"() ({
      %run_scoped3A = tpu.sem_alloc : memref<!tpu.dma_semaphore, #tpu.memory_space<semaphore_mem>>
      %dma_start3A = arith.constant 0 : i32
      %dma_start3A_63 = tpu.memref_slice %arg12[%dma_start3A] : memref<3216xi32, #tpu.memory_space<vmem>> -> memref<3200xi32, #tpu.memory_space<vmem>>
      %dma_start3A_64 = arith.constant 0 : i32
      %dma_start3A_65 = tpu.memref_slice %arg12[%dma_start3A_64] : memref<3216xi32, #tpu.memory_space<vmem>> -> memref<3200xi32, #tpu.memory_space<vmem>>
      tpu.enqueue_dma source(%arg4 : memref<3200xi32, #tpu.memory_space<hbm>>) target(%dma_start3A_65 : memref<3200xi32, #tpu.memory_space<vmem>>) target_semaphore(%run_scoped3A : memref<!tpu.dma_semaphore, #tpu.memory_space<semaphore_mem>>)
      %dma_wait3A = arith.constant 0 : i32
      %dma_wait3A_66 = tpu.memref_slice %arg12[%dma_wait3A] : memref<3216xi32, #tpu.memory_space<vmem>> -> memref<3200xi32, #tpu.memory_space<vmem>>
      %dma_wait3A_67 = arith.constant 0 : i32
      %dma_wait3A_68 = tpu.memref_slice %arg12[%dma_wait3A_67] : memref<3216xi32, #tpu.memory_space<vmem>> -> memref<3200xi32, #tpu.memory_space<vmem>>
      tpu.wait_dma2 semaphore(%run_scoped3A : memref<!tpu.dma_semaphore, #tpu.memory_space<semaphore_mem>>) src(%arg4 : memref<3200xi32, #tpu.memory_space<hbm>>) dst(%dma_wait3A_68 : memref<3200xi32, #tpu.memory_space<vmem>>)
      tpu.yield
    }) : () -> ()
    "tpu.region"() ({
      %run_scoped3A = tpu.sem_alloc : memref<!tpu.dma_semaphore, #tpu.memory_space<semaphore_mem>>
      %dma_start3A = arith.constant 0 : i32
      %dma_start3A_63 = tpu.memref_slice %arg13[%dma_start3A] : memref<3216xi32, #tpu.memory_space<vmem>> -> memref<3200xi32, #tpu.memory_space<vmem>>
      %dma_start3A_64 = arith.constant 0 : i32
      %dma_start3A_65 = tpu.memref_slice %arg13[%dma_start3A_64] : memref<3216xi32, #tpu.memory_space<vmem>> -> memref<3200xi32, #tpu.memory_space<vmem>>
      tpu.enqueue_dma source(%arg5 : memref<3200xi32, #tpu.memory_space<hbm>>) target(%dma_start3A_65 : memref<3200xi32, #tpu.memory_space<vmem>>) target_semaphore(%run_scoped3A : memref<!tpu.dma_semaphore, #tpu.memory_space<semaphore_mem>>)
      %dma_wait3A = arith.constant 0 : i32
      %dma_wait3A_66 = tpu.memref_slice %arg13[%dma_wait3A] : memref<3216xi32, #tpu.memory_space<vmem>> -> memref<3200xi32, #tpu.memory_space<vmem>>
      %dma_wait3A_67 = arith.constant 0 : i32
      %dma_wait3A_68 = tpu.memref_slice %arg13[%dma_wait3A_67] : memref<3216xi32, #tpu.memory_space<vmem>> -> memref<3200xi32, #tpu.memory_space<vmem>>
      tpu.wait_dma2 semaphore(%run_scoped3A : memref<!tpu.dma_semaphore, #tpu.memory_space<semaphore_mem>>) src(%arg5 : memref<3200xi32, #tpu.memory_space<hbm>>) dst(%dma_wait3A_68 : memref<3200xi32, #tpu.memory_space<vmem>>)
      tpu.yield
    }) : () -> ()
    %barrier3A = arith.constant 0 : index
    tpu.barrier barrier_id(%barrier3A)
    %scan3A_27 = arith.constant 0 : i32
    %scan3A_28 = arith.constant 0 : i32
    %scan3A_29 = arith.constant 200 : i32
    %scan3A_30 = arith.addi %scan3A_28, %scan3A_29 : i32
    %scan3A_31 = arith.constant 1 : i32
    %scan3A_32 = scf.for %scan3A_63 = %scan3A_28 to %scan3A_30 step %scan3A_31 iter_args(%scan3A_64 = %scan3A_27) -> (i32)  : i32 {
      %mul3A_65 = arith.constant 16 : i32
      %mul3A_66 = arith.muli %scan3A_63, %mul3A_65 : i32
      %add3A_67 = arith.addi %mul3A_66, %arg1 : i32
      %get3A = arith.index_cast %add3A_67 : i32 to index
      %get3A_68 = tpu.vector_load %arg12[%get3A] {strides = array<i32>} : memref<3216xi32, #tpu.memory_space<vmem>>, vector<16xi32>,
      %slice3A = vector.extract_strided_slice %get3A_68 {offsets = [0], sizes = [1], strides = [1]} : vector<16xi32> to vector<1xi32>
      %squeeze3A = vector.extract %slice3A[0] : i32 from vector<1xi32>
      %get3A_69 = arith.index_cast %add3A_67 : i32 to index
      %get3A_70 = tpu.vector_load %arg13[%get3A_69] {strides = array<i32>} : memref<3216xi32, #tpu.memory_space<vmem>>, vector<16xi32>,
      %slice3A_71 = vector.extract_strided_slice %get3A_70 {offsets = [0], sizes = [1], strides = [1]} : vector<16xi32> to vector<1xi32>
      %squeeze3A_72 = vector.extract %slice3A_71[0] : i32 from vector<1xi32>
      %lt3A = arith.cmpi slt, %squeeze3A, %add3A_3 : i32
      %ge3A = arith.cmpi sge, %squeeze3A_72, %mul3A_1 : i32
      %and3A_73 = arith.andi %lt3A, %ge3A : i1
      %convert_element_type3A = arith.extui %and3A_73 : i1 to i32
      %cond3A = arith.constant 0 : i32
      %cond3A_74 = arith.cmpi ne, %convert_element_type3A, %cond3A : i32
      scf.if %cond3A_74 {
        %mul3A_76 = arith.constant 2000 : i32
        %mul3A_77 = arith.muli %add3A_67, %mul3A_76 : i32
        %multiple_of3A_78 = tpu.assume_multiple %mul3A_77, 8 : i32
        "tpu.region"() ({
          %run_scoped3A = tpu.sem_alloc : memref<!tpu.dma_semaphore, #tpu.memory_space<semaphore_mem>>
          %dma_start3A = tpu.memref_slice %arg3[%multiple_of3A_78] : memref<6400000xi32, #tpu.memory_space<hbm>> -> memref<2000xi32, #tpu.memory_space<hbm>>
          %dma_start3A_95 = tpu.memref_slice %arg3[%multiple_of3A_78] : memref<6400000xi32, #tpu.memory_space<hbm>> -> memref<2000xi32, #tpu.memory_space<hbm>>
          tpu.enqueue_dma source(%dma_start3A_95 : memref<2000xi32, #tpu.memory_space<hbm>>) target(%arg8 : memref<2000xi32, #tpu.memory_space<vmem>>) target_semaphore(%run_scoped3A : memref<!tpu.dma_semaphore, #tpu.memory_space<semaphore_mem>>)
          %dma_wait3A = tpu.memref_slice %arg3[%multiple_of3A_78] : memref<6400000xi32, #tpu.memory_space<hbm>> -> memref<2000xi32, #tpu.memory_space<hbm>>
          %dma_wait3A_96 = tpu.memref_slice %arg3[%multiple_of3A_78] : memref<6400000xi32, #tpu.memory_space<hbm>> -> memref<2000xi32, #tpu.memory_space<hbm>>
          tpu.wait_dma2 semaphore(%run_scoped3A : memref<!tpu.dma_semaphore, #tpu.memory_space<semaphore_mem>>) src(%dma_wait3A_96 : memref<2000xi32, #tpu.memory_space<hbm>>) dst(%arg8 : memref<2000xi32, #tpu.memory_space<vmem>>)
          tpu.yield
        }) : () -> ()
        %mul3A_79 = arith.constant 2 : i32
        %mul3A_80 = arith.muli %multiple_of3A_78, %mul3A_79 : i32
        "tpu.region"() ({
          %run_scoped3A = tpu.sem_alloc : memref<!tpu.dma_semaphore, #tpu.memory_space<semaphore_mem>>
          %dma_start3A = tpu.memref_slice %arg2[%mul3A_80] : memref<12800000xf32, #tpu.memory_space<hbm>> -> memref<4000xf32, #tpu.memory_space<hbm>>
          %dma_start3A_95 = tpu.memref_slice %arg2[%mul3A_80] : memref<12800000xf32, #tpu.memory_space<hbm>> -> memref<4000xf32, #tpu.memory_space<hbm>>
          tpu.enqueue_dma source(%dma_start3A_95 : memref<4000xf32, #tpu.memory_space<hbm>>) target(%arg10 : memref<4000xf32, #tpu.memory_space<vmem>>) target_semaphore(%run_scoped3A : memref<!tpu.dma_semaphore, #tpu.memory_space<semaphore_mem>>)
          %dma_wait3A = tpu.memref_slice %arg2[%mul3A_80] : memref<12800000xf32, #tpu.memory_space<hbm>> -> memref<4000xf32, #tpu.memory_space<hbm>>
          %dma_wait3A_96 = tpu.memref_slice %arg2[%mul3A_80] : memref<12800000xf32, #tpu.memory_space<hbm>> -> memref<4000xf32, #tpu.memory_space<hbm>>
          tpu.wait_dma2 semaphore(%run_scoped3A : memref<!tpu.dma_semaphore, #tpu.memory_space<semaphore_mem>>) src(%dma_wait3A_96 : memref<4000xf32, #tpu.memory_space<hbm>>) dst(%arg10 : memref<4000xf32, #tpu.memory_space<vmem>>)
          tpu.yield
        }) : () -> ()
        %scan3A_81 = arith.constant 0 : i32
        %scan3A_82 = arith.constant 0 : i32
        %scan3A_83 = arith.constant 125 : i32
        %scan3A_84 = arith.addi %scan3A_82, %scan3A_83 : i32
        %scan3A_85 = arith.constant 1 : i32
        %scan3A_86 = scf.for %scan3A_95 = %scan3A_82 to %scan3A_84 step %scan3A_85 iter_args(%scan3A_96 = %scan3A_81) -> (i32)  : i32 {
          %mul3A_97 = arith.constant 16 : i32
          %mul3A_98 = arith.muli %scan3A_95, %mul3A_97 : i32
          %get3A_99 = arith.index_cast %mul3A_98 : i32 to index
          %get3A_100 = tpu.vector_load %arg8[%get3A_99] {strides = array<i32>} : memref<2000xi32, #tpu.memory_space<vmem>>, vector<16xi32>,
          %sub3A = vector.broadcast %mul3A_1 : i32 to vector<16xi32>
          %sub3A_101 = arith.subi %get3A_100, %sub3A : vector<16xi32>
          %ge3A_102 = arith.constant 0 : i32
          %ge3A_103 = vector.broadcast %ge3A_102 : i32 to vector<16xi32>
          %ge3A_104 = arith.cmpi sge, %sub3A_101, %ge3A_103 : vector<16xi32>
          %lt3A_105 = arith.constant 25000 : i32
          %lt3A_106 = vector.broadcast %lt3A_105 : i32 to vector<16xi32>
          %lt3A_107 = arith.cmpi slt, %sub3A_101, %lt3A_106 : vector<16xi32>
          %and3A_108 = arith.andi %ge3A_104, %lt3A_107 : vector<16xi1>
          %jit3A_109 = arith.constant 25599 : i32
          %broadcast_in_dim3A_110 = vector.broadcast %jit3A_109 : i32 to vector<16xi32>
          %select_n3A_111 = arith.select %and3A_108, %sub3A_101, %broadcast_in_dim3A_110 : vector<16xi1>, vector<16xi32>
          %mul3A_112 = arith.constant 16 : i32
          %mul3A_113 = arith.muli %scan3A_95, %mul3A_112 : i32
          %swap3A = arith.index_cast %mul3A_113 : i32 to index
          %swap3A_114 = tpu.vector_load %arg9[%swap3A] {strides = array<i32>} : memref<2000xi32, #tpu.memory_space<vmem>>, vector<16xi32>,
          tpu.vector_store %arg9[%swap3A], %select_n3A_111 {strides = array<i32>} : memref<2000xi32, #tpu.memory_space<vmem>>, vector<16xi32>,
          %scan3A_115 = arith.constant 0 : i32
          scf.yield %scan3A_115 : i32
        }
        %scan3A_87 = arith.constant 125 : i32
        %scan3A_88 = arith.constant 0 : i32
        %scan3A_89 = arith.constant 0 : i32
        %scan3A_90 = arith.constant 125 : i32
        %scan3A_91 = arith.addi %scan3A_89, %scan3A_90 : i32
        %scan3A_92 = arith.constant 1 : i32
        %scan3A_93 = scf.for %scan3A_95 = %scan3A_89 to %scan3A_91 step %scan3A_92 iter_args(%scan3A_96 = %scan3A_88) -> (i32)  : i32 {
          %mul3A_97 = arith.constant 2 : i32
          %mul3A_98 = arith.muli %scan3A_95, %mul3A_97 : i32
          %mul3A_99 = arith.constant 16 : i32
          %mul3A_100 = arith.muli %mul3A_98, %mul3A_99 : i32
          %get3A_101 = arith.index_cast %mul3A_100 : i32 to index
          %get3A_102 = tpu.vector_load %arg10[%get3A_101] {strides = array<i32>} : memref<4000xf32, #tpu.memory_space<vmem>>, vector<16xf32>,
          %shift_right_arithmetic3A = arith.constant 1 : i32
          %shift_right_arithmetic3A_103 = vector.broadcast %shift_right_arithmetic3A : i32 to vector<16xi32>
          %shift_right_arithmetic3A_104 = arith.shrsi %iota3A, %shift_right_arithmetic3A_103 : vector<16xi32>
          %mul3A_105 = arith.constant 8 : i32
          %mul3A_106 = arith.muli %mul3A_98, %mul3A_105 : i32
          %add3A_107 = vector.broadcast %mul3A_106 : i32 to vector<16xi32>
          %add3A_108 = arith.addi %shift_right_arithmetic3A_104, %add3A_107 : vector<16xi32>
          %mul3A_109 = arith.constant 7 : i32
          %mul3A_110 = vector.broadcast %mul3A_109 : i32 to vector<16xi32>
          %mul3A_111 = arith.muli %and3A_5, %mul3A_110 : vector<16xi32>
          tpu.vector_store_idx %arg11[%add3A_108, %mul3A_111], %get3A_102 : memref<2000x16xf32, #tpu.memory_space<vmem>>[vector<16xi32>, vector<16xi32>], vector<16xf32>,
          %mul3A_112 = arith.mulf %get3A_102, %get3A_102 : vector<16xf32>
          %mul3A_113 = arith.constant 7 : i32
          %mul3A_114 = vector.broadcast %mul3A_113 : i32 to vector<16xi32>
          %mul3A_115 = arith.muli %and3A_5, %mul3A_114 : vector<16xi32>
          %add3A_116 = arith.constant 1 : i32
          %add3A_117 = vector.broadcast %add3A_116 : i32 to vector<16xi32>
          %add3A_118 = arith.addi %mul3A_115, %add3A_117 : vector<16xi32>
          tpu.vector_store_idx %arg11[%add3A_108, %add3A_118], %mul3A_112 : memref<2000x16xf32, #tpu.memory_space<vmem>>[vector<16xi32>, vector<16xi32>], vector<16xf32>,
          %mul3A_119 = arith.mulf %mul3A_112, %get3A_102 : vector<16xf32>
          %mul3A_120 = arith.constant 7 : i32
          %mul3A_121 = vector.broadcast %mul3A_120 : i32 to vector<16xi32>
          %mul3A_122 = arith.muli %and3A_5, %mul3A_121 : vector<16xi32>
          %add3A_123 = arith.constant 2 : i32
          %add3A_124 = vector.broadcast %add3A_123 : i32 to vector<16xi32>
          %add3A_125 = arith.addi %mul3A_122, %add3A_124 : vector<16xi32>
          tpu.vector_store_idx %arg11[%add3A_108, %add3A_125], %mul3A_119 : memref<2000x16xf32, #tpu.memory_space<vmem>>[vector<16xi32>, vector<16xi32>], vector<16xf32>,
          %mul3A_126 = arith.mulf %mul3A_119, %get3A_102 : vector<16xf32>
          %mul3A_127 = arith.constant 7 : i32
          %mul3A_128 = vector.broadcast %mul3A_127 : i32 to vector<16xi32>
          %mul3A_129 = arith.muli %and3A_5, %mul3A_128 : vector<16xi32>
          %add3A_130 = arith.constant 3 : i32
          %add3A_131 = vector.broadcast %add3A_130 : i32 to vector<16xi32>
          %add3A_132 = arith.addi %mul3A_129, %add3A_131 : vector<16xi32>
          tpu.vector_store_idx %arg11[%add3A_108, %add3A_132], %mul3A_126 : memref<2000x16xf32, #tpu.memory_space<vmem>>[vector<16xi32>, vector<16xi32>], vector<16xf32>,
          %mul3A_133 = arith.mulf %mul3A_126, %get3A_102 : vector<16xf32>
          %mul3A_134 = arith.constant 7 : i32
          %mul3A_135 = vector.broadcast %mul3A_134 : i32 to vector<16xi32>
          %mul3A_136 = arith.muli %and3A_5, %mul3A_135 : vector<16xi32>
          %add3A_137 = arith.constant 4 : i32
          %add3A_138 = vector.broadcast %add3A_137 : i32 to vector<16xi32>
          %add3A_139 = arith.addi %mul3A_136, %add3A_138 : vector<16xi32>
          tpu.vector_store_idx %arg11[%add3A_108, %add3A_139], %mul3A_133 : memref<2000x16xf32, #tpu.memory_space<vmem>>[vector<16xi32>, vector<16xi32>], vector<16xf32>,
          %mul3A_140 = arith.mulf %mul3A_133, %get3A_102 : vector<16xf32>
          %mul3A_141 = arith.constant 7 : i32
          %mul3A_142 = vector.broadcast %mul3A_141 : i32 to vector<16xi32>
          %mul3A_143 = arith.muli %and3A_5, %mul3A_142 : vector<16xi32>
          %add3A_144 = arith.constant 5 : i32
          %add3A_145 = vector.broadcast %add3A_144 : i32 to vector<16xi32>
          %add3A_146 = arith.addi %mul3A_143, %add3A_145 : vector<16xi32>
          tpu.vector_store_idx %arg11[%add3A_108, %add3A_146], %mul3A_140 : memref<2000x16xf32, #tpu.memory_space<vmem>>[vector<16xi32>, vector<16xi32>], vector<16xf32>,
          %mul3A_147 = arith.mulf %mul3A_140, %get3A_102 : vector<16xf32>
          %mul3A_148 = arith.constant 7 : i32
          %mul3A_149 = vector.broadcast %mul3A_148 : i32 to vector<16xi32>
          %mul3A_150 = arith.muli %and3A_5, %mul3A_149 : vector<16xi32>
          %add3A_151 = arith.constant 6 : i32
          %add3A_152 = vector.broadcast %add3A_151 : i32 to vector<16xi32>
          %add3A_153 = arith.addi %mul3A_150, %add3A_152 : vector<16xi32>
          tpu.vector_store_idx %arg11[%add3A_108, %add3A_153], %mul3A_147 : memref<2000x16xf32, #tpu.memory_space<vmem>>[vector<16xi32>, vector<16xi32>], vector<16xf32>,
          %mul3A_154 = arith.constant 2 : i32
          %mul3A_155 = arith.muli %scan3A_95, %mul3A_154 : i32
          %add3A_156 = arith.constant 1 : i32
          %add3A_157 = arith.addi %mul3A_155, %add3A_156 : i32
          %mul3A_158 = arith.constant 16 : i32
          %mul3A_159 = arith.muli %add3A_157, %mul3A_158 : i32
          %get3A_160 = arith.index_cast %mul3A_159 : i32 to index
          %get3A_161 = tpu.vector_load %arg10[%get3A_160] {strides = array<i32>} : memref<4000xf32, #tpu.memory_space<vmem>>, vector<16xf32>,
          %shift_right_arithmetic3A_162 = arith.constant 1 : i32
          %shift_right_arithmetic3A_163 = vector.broadcast %shift_right_arithmetic3A_162 : i32 to vector<16xi32>
          %shift_right_arithmetic3A_164 = arith.shrsi %iota3A, %shift_right_arithmetic3A_163 : vector<16xi32>
          %mul3A_165 = arith.constant 8 : i32
          %mul3A_166 = arith.muli %add3A_157, %mul3A_165 : i32
          %add3A_167 = vector.broadcast %mul3A_166 : i32 to vector<16xi32>
          %add3A_168 = arith.addi %shift_right_arithmetic3A_164, %add3A_167 : vector<16xi32>
          %mul3A_169 = arith.constant 7 : i32
          %mul3A_170 = vector.broadcast %mul3A_169 : i32 to vector<16xi32>
          %mul3A_171 = arith.muli %and3A_5, %mul3A_170 : vector<16xi32>
          tpu.vector_store_idx %arg11[%add3A_168, %mul3A_171], %get3A_161 : memref<2000x16xf32, #tpu.memory_space<vmem>>[vector<16xi32>, vector<16xi32>], vector<16xf32>,
          %mul3A_172 = arith.mulf %get3A_161, %get3A_161 : vector<16xf32>
          %mul3A_173 = arith.constant 7 : i32
          %mul3A_174 = vector.broadcast %mul3A_173 : i32 to vector<16xi32>
          %mul3A_175 = arith.muli %and3A_5, %mul3A_174 : vector<16xi32>
          %add3A_176 = arith.constant 1 : i32
          %add3A_177 = vector.broadcast %add3A_176 : i32 to vector<16xi32>
          %add3A_178 = arith.addi %mul3A_175, %add3A_177 : vector<16xi32>
          tpu.vector_store_idx %arg11[%add3A_168, %add3A_178], %mul3A_172 : memref<2000x16xf32, #tpu.memory_space<vmem>>[vector<16xi32>, vector<16xi32>], vector<16xf32>,
          %mul3A_179 = arith.mulf %mul3A_172, %get3A_161 : vector<16xf32>
          %mul3A_180 = arith.constant 7 : i32
          %mul3A_181 = vector.broadcast %mul3A_180 : i32 to vector<16xi32>
          %mul3A_182 = arith.muli %and3A_5, %mul3A_181 : vector<16xi32>
          %add3A_183 = arith.constant 2 : i32
          %add3A_184 = vector.broadcast %add3A_183 : i32 to vector<16xi32>
          %add3A_185 = arith.addi %mul3A_182, %add3A_184 : vector<16xi32>
          tpu.vector_store_idx %arg11[%add3A_168, %add3A_185], %mul3A_179 : memref<2000x16xf32, #tpu.memory_space<vmem>>[vector<16xi32>, vector<16xi32>], vector<16xf32>,
          %mul3A_186 = arith.mulf %mul3A_179, %get3A_161 : vector<16xf32>
          %mul3A_187 = arith.constant 7 : i32
          %mul3A_188 = vector.broadcast %mul3A_187 : i32 to vector<16xi32>
          %mul3A_189 = arith.muli %and3A_5, %mul3A_188 : vector<16xi32>
          %add3A_190 = arith.constant 3 : i32
          %add3A_191 = vector.broadcast %add3A_190 : i32 to vector<16xi32>
          %add3A_192 = arith.addi %mul3A_189, %add3A_191 : vector<16xi32>
          tpu.vector_store_idx %arg11[%add3A_168, %add3A_192], %mul3A_186 : memref<2000x16xf32, #tpu.memory_space<vmem>>[vector<16xi32>, vector<16xi32>], vector<16xf32>,
          %mul3A_193 = arith.mulf %mul3A_186, %get3A_161 : vector<16xf32>
          %mul3A_194 = arith.constant 7 : i32
          %mul3A_195 = vector.broadcast %mul3A_194 : i32 to vector<16xi32>
          %mul3A_196 = arith.muli %and3A_5, %mul3A_195 : vector<16xi32>
          %add3A_197 = arith.constant 4 : i32
          %add3A_198 = vector.broadcast %add3A_197 : i32 to vector<16xi32>
          %add3A_199 = arith.addi %mul3A_196, %add3A_198 : vector<16xi32>
          tpu.vector_store_idx %arg11[%add3A_168, %add3A_199], %mul3A_193 : memref<2000x16xf32, #tpu.memory_space<vmem>>[vector<16xi32>, vector<16xi32>], vector<16xf32>,
          %mul3A_200 = arith.mulf %mul3A_193, %get3A_161 : vector<16xf32>
          %mul3A_201 = arith.constant 7 : i32
          %mul3A_202 = vector.broadcast %mul3A_201 : i32 to vector<16xi32>
          %mul3A_203 = arith.muli %and3A_5, %mul3A_202 : vector<16xi32>
          %add3A_204 = arith.constant 5 : i32
          %add3A_205 = vector.broadcast %add3A_204 : i32 to vector<16xi32>
          %add3A_206 = arith.addi %mul3A_203, %add3A_205 : vector<16xi32>
          tpu.vector_store_idx %arg11[%add3A_168, %add3A_206], %mul3A_200 : memref<2000x16xf32, #tpu.memory_space<vmem>>[vector<16xi32>, vector<16xi32>], vector<16xf32>,
          %mul3A_207 = arith.mulf %mul3A_200, %get3A_161 : vector<16xf32>
          %mul3A_208 = arith.constant 7 : i32
          %mul3A_209 = vector.broadcast %mul3A_208 : i32 to vector<16xi32>
          %mul3A_210 = arith.muli %and3A_5, %mul3A_209 : vector<16xi32>
          %add3A_211 = arith.constant 6 : i32
          %add3A_212 = vector.broadcast %add3A_211 : i32 to vector<16xi32>
          %add3A_213 = arith.addi %mul3A_210, %add3A_212 : vector<16xi32>
          tpu.vector_store_idx %arg11[%add3A_168, %add3A_213], %mul3A_207 : memref<2000x16xf32, #tpu.memory_space<vmem>>[vector<16xi32>, vector<16xi32>], vector<16xf32>,
          %scan3A_214 = arith.constant 0 : i32
          scf.yield %scan3A_214 : i32
        }
        %scan3A_94 = arith.constant 125 : i32
        "tpu.region"() ({
          %run_scoped3A = tpu.sem_alloc : memref<!tpu.dma_semaphore, #tpu.memory_space<semaphore_mem>>
          %dma_start3A = arith.constant 0 : i32
          %dma_start3A_95 = arith.constant 0 : i32
          %dma_start3A_96 = tpu.memref_slice %arg17[%dma_start3A, %dma_start3A_95] : memref<25600x16xf32, #tpu.memory_space<vmem_shared>> -> memref<25600x16xf32, #tpu.memory_space<vmem_shared>>
          tpu.enqueue_indirect_dma source(%arg11 : memref<2000x16xf32, #tpu.memory_space<vmem>>) target(%dma_start3A_96 : memref<25600x16xf32, #tpu.memory_space<vmem_shared>>) offsets(%arg9 : memref<2000xi32, #tpu.memory_space<vmem>>) semaphore(%run_scoped3A : memref<!tpu.dma_semaphore, #tpu.memory_space<semaphore_mem>>) {add = true}
          %dma_wait3A = arith.constant 0 : i32
          %dma_wait3A_97 = arith.constant 0 : i32
          %dma_wait3A_98 = tpu.memref_slice %arg17[%dma_wait3A, %dma_wait3A_97] : memref<25600x16xf32, #tpu.memory_space<vmem_shared>> -> memref<25600x16xf32, #tpu.memory_space<vmem_shared>>
          tpu.wait_indirect_dma semaphore(%run_scoped3A : memref<!tpu.dma_semaphore, #tpu.memory_space<semaphore_mem>>) src(%arg11 : memref<2000x16xf32, #tpu.memory_space<vmem>>) dst(%dma_wait3A_98 : memref<25600x16xf32, #tpu.memory_space<vmem_shared>>)
          tpu.yield
        }) : () -> ()
      } else {
      }
      %scan3A_75 = arith.constant 0 : i32
      scf.yield %scan3A_75 : i32
    }
    %scan3A_33 = arith.constant 200 : i32
    %barrier3A_34 = arith.constant 0 : index
    tpu.barrier barrier_id(%barrier3A_34)
    %mul3A_35 = arith.constant 0 : i32
    %mul3A_36 = vector.broadcast %mul3A_35 : i32 to vector<16xi32>
    %mul3A_37 = arith.muli %iota3A, %mul3A_36 : vector<16xi32>
    %mul3A_38 = arith.constant 1600 : i32
    %mul3A_39 = arith.muli %arg1, %mul3A_38 : i32
    %add3A_40 = arith.constant 0 : i32
    %add3A_41 = arith.addi %mul3A_39, %add3A_40 : i32
    "tpu.region"() ({
      %run_scoped3A = tpu.sem_alloc : memref<!tpu.dma_semaphore, #tpu.memory_space<semaphore_mem>>
      %dma_start3A = arith.constant 0 : i32
      %dma_start3A_63 = tpu.memref_slice %arg17[%add3A_41, %dma_start3A] : memref<25600x16xf32, #tpu.memory_space<vmem_shared>> -> memref<800x16xf32, #tpu.memory_space<vmem_shared>>
      %dma_start3A_64 = arith.constant 0 : i32
      %dma_start3A_65 = tpu.memref_slice %arg17[%add3A_41, %dma_start3A_64] : memref<25600x16xf32, #tpu.memory_space<vmem_shared>> -> memref<800x16xf32, #tpu.memory_space<vmem_shared>>
      tpu.enqueue_dma source(%dma_start3A_65 : memref<800x16xf32, #tpu.memory_space<vmem_shared>>) target(%arg14 : memref<800x16xf32, #tpu.memory_space<vmem>>) target_semaphore(%run_scoped3A : memref<!tpu.dma_semaphore, #tpu.memory_space<semaphore_mem>>)
      %dma_wait3A = arith.constant 0 : i32
      %dma_wait3A_66 = tpu.memref_slice %arg17[%add3A_41, %dma_wait3A] : memref<25600x16xf32, #tpu.memory_space<vmem_shared>> -> memref<800x16xf32, #tpu.memory_space<vmem_shared>>
      %dma_wait3A_67 = arith.constant 0 : i32
      %dma_wait3A_68 = tpu.memref_slice %arg17[%add3A_41, %dma_wait3A_67] : memref<25600x16xf32, #tpu.memory_space<vmem_shared>> -> memref<800x16xf32, #tpu.memory_space<vmem_shared>>
      tpu.wait_dma2 semaphore(%run_scoped3A : memref<!tpu.dma_semaphore, #tpu.memory_space<semaphore_mem>>) src(%dma_wait3A_68 : memref<800x16xf32, #tpu.memory_space<vmem_shared>>) dst(%arg14 : memref<800x16xf32, #tpu.memory_space<vmem>>)
      tpu.yield
    }) : () -> ()
    %add3A_42 = arith.addi %mul3A_1, %add3A_41 : i32
    %multiple_of3A = tpu.assume_multiple %add3A_42, 8 : i32
    "tpu.region"() ({
      %run_scoped3A = tpu.sem_alloc : memref<!tpu.dma_semaphore, #tpu.memory_space<semaphore_mem>>
      %dma_start3A = arith.constant 0 : i32
      %dma_start3A_63 = tpu.memref_slice %arg6[%multiple_of3A, %dma_start3A] : memref<102400x2xf32, #tpu.memory_space<hbm>> -> memref<800x2xf32, #tpu.memory_space<hbm>>
      %dma_start3A_64 = arith.constant 0 : i32
      %dma_start3A_65 = tpu.memref_slice %arg6[%multiple_of3A, %dma_start3A_64] : memref<102400x2xf32, #tpu.memory_space<hbm>> -> memref<800x2xf32, #tpu.memory_space<hbm>>
      tpu.enqueue_dma source(%dma_start3A_65 : memref<800x2xf32, #tpu.memory_space<hbm>>) target(%arg16 : memref<800x2xf32, #tpu.memory_space<vmem>>) target_semaphore(%run_scoped3A : memref<!tpu.dma_semaphore, #tpu.memory_space<semaphore_mem>>)
      %dma_wait3A = arith.constant 0 : i32
      %dma_wait3A_66 = tpu.memref_slice %arg6[%multiple_of3A, %dma_wait3A] : memref<102400x2xf32, #tpu.memory_space<hbm>> -> memref<800x2xf32, #tpu.memory_space<hbm>>
      %dma_wait3A_67 = arith.constant 0 : i32
      %dma_wait3A_68 = tpu.memref_slice %arg6[%multiple_of3A, %dma_wait3A_67] : memref<102400x2xf32, #tpu.memory_space<hbm>> -> memref<800x2xf32, #tpu.memory_space<hbm>>
      tpu.wait_dma2 semaphore(%run_scoped3A : memref<!tpu.dma_semaphore, #tpu.memory_space<semaphore_mem>>) src(%dma_wait3A_68 : memref<800x2xf32, #tpu.memory_space<hbm>>) dst(%arg16 : memref<800x2xf32, #tpu.memory_space<vmem>>)
      tpu.yield
    }) : () -> ()
    %scan3A_43 = arith.constant 0 : i32
    %scan3A_44 = arith.constant 0 : i32
    %scan3A_45 = arith.constant 50 : i32
    %scan3A_46 = arith.addi %scan3A_44, %scan3A_45 : i32
    %scan3A_47 = arith.constant 1 : i32
    %scan3A_48 = scf.for %scan3A_63 = %scan3A_44 to %scan3A_46 step %scan3A_47 iter_args(%scan3A_64 = %scan3A_43) -> (i32)  : i32 {
      %mul3A_65 = arith.constant 16 : i32
      %mul3A_66 = arith.muli %scan3A_63, %mul3A_65 : i32
      %add3A_67 = vector.broadcast %mul3A_66 : i32 to vector<16xi32>
      %add3A_68 = arith.addi %add3A_67, %iota3A : vector<16xi32>
      %add3A_69 = arith.constant 0 : i32
      %add3A_70 = vector.broadcast %add3A_69 : i32 to vector<16xi32>
      %add3A_71 = arith.addi %mul3A_37, %add3A_70 : vector<16xi32>
      %gather3A = tpu.vector_load_idx %arg14[%add3A_68, %add3A_71] : memref<800x16xf32, #tpu.memory_space<vmem>>[vector<16xi32>, vector<16xi32>], vector<16xf32>,
      %add3A_72 = arith.constant 1 : i32
      %add3A_73 = vector.broadcast %add3A_72 : i32 to vector<16xi32>
      %add3A_74 = arith.addi %mul3A_37, %add3A_73 : vector<16xi32>
      %gather3A_75 = tpu.vector_load_idx %arg14[%add3A_68, %add3A_74] : memref<800x16xf32, #tpu.memory_space<vmem>>[vector<16xi32>, vector<16xi32>], vector<16xf32>,
      %add3A_76 = arith.constant 2 : i32
      %add3A_77 = vector.broadcast %add3A_76 : i32 to vector<16xi32>
      %add3A_78 = arith.addi %mul3A_37, %add3A_77 : vector<16xi32>
      %gather3A_79 = tpu.vector_load_idx %arg14[%add3A_68, %add3A_78] : memref<800x16xf32, #tpu.memory_space<vmem>>[vector<16xi32>, vector<16xi32>], vector<16xf32>,
      %add3A_80 = arith.constant 3 : i32
      %add3A_81 = vector.broadcast %add3A_80 : i32 to vector<16xi32>
      %add3A_82 = arith.addi %mul3A_37, %add3A_81 : vector<16xi32>
      %gather3A_83 = tpu.vector_load_idx %arg14[%add3A_68, %add3A_82] : memref<800x16xf32, #tpu.memory_space<vmem>>[vector<16xi32>, vector<16xi32>], vector<16xf32>,
      %add3A_84 = arith.constant 4 : i32
      %add3A_85 = vector.broadcast %add3A_84 : i32 to vector<16xi32>
      %add3A_86 = arith.addi %mul3A_37, %add3A_85 : vector<16xi32>
      %gather3A_87 = tpu.vector_load_idx %arg14[%add3A_68, %add3A_86] : memref<800x16xf32, #tpu.memory_space<vmem>>[vector<16xi32>, vector<16xi32>], vector<16xf32>,
      %add3A_88 = arith.constant 5 : i32
      %add3A_89 = vector.broadcast %add3A_88 : i32 to vector<16xi32>
      %add3A_90 = arith.addi %mul3A_37, %add3A_89 : vector<16xi32>
      %gather3A_91 = tpu.vector_load_idx %arg14[%add3A_68, %add3A_90] : memref<800x16xf32, #tpu.memory_space<vmem>>[vector<16xi32>, vector<16xi32>], vector<16xf32>,
      %add3A_92 = arith.constant 6 : i32
      %add3A_93 = vector.broadcast %add3A_92 : i32 to vector<16xi32>
      %add3A_94 = arith.addi %mul3A_37, %add3A_93 : vector<16xi32>
      %gather3A_95 = tpu.vector_load_idx %arg14[%add3A_68, %add3A_94] : memref<800x16xf32, #tpu.memory_space<vmem>>[vector<16xi32>, vector<16xi32>], vector<16xf32>,
      %add3A_96 = arith.constant 7 : i32
      %add3A_97 = vector.broadcast %add3A_96 : i32 to vector<16xi32>
      %add3A_98 = arith.addi %mul3A_37, %add3A_97 : vector<16xi32>
      %gather3A_99 = tpu.vector_load_idx %arg14[%add3A_68, %add3A_98] : memref<800x16xf32, #tpu.memory_space<vmem>>[vector<16xi32>, vector<16xi32>], vector<16xf32>,
      %add3A_100 = arith.constant 8 : i32
      %add3A_101 = vector.broadcast %add3A_100 : i32 to vector<16xi32>
      %add3A_102 = arith.addi %mul3A_37, %add3A_101 : vector<16xi32>
      %gather3A_103 = tpu.vector_load_idx %arg14[%add3A_68, %add3A_102] : memref<800x16xf32, #tpu.memory_space<vmem>>[vector<16xi32>, vector<16xi32>], vector<16xf32>,
      %add3A_104 = arith.constant 9 : i32
      %add3A_105 = vector.broadcast %add3A_104 : i32 to vector<16xi32>
      %add3A_106 = arith.addi %mul3A_37, %add3A_105 : vector<16xi32>
      %gather3A_107 = tpu.vector_load_idx %arg14[%add3A_68, %add3A_106] : memref<800x16xf32, #tpu.memory_space<vmem>>[vector<16xi32>, vector<16xi32>], vector<16xf32>,
      %add3A_108 = arith.constant 10 : i32
      %add3A_109 = vector.broadcast %add3A_108 : i32 to vector<16xi32>
      %add3A_110 = arith.addi %mul3A_37, %add3A_109 : vector<16xi32>
      %gather3A_111 = tpu.vector_load_idx %arg14[%add3A_68, %add3A_110] : memref<800x16xf32, #tpu.memory_space<vmem>>[vector<16xi32>, vector<16xi32>], vector<16xf32>,
      %add3A_112 = arith.constant 11 : i32
      %add3A_113 = vector.broadcast %add3A_112 : i32 to vector<16xi32>
      %add3A_114 = arith.addi %mul3A_37, %add3A_113 : vector<16xi32>
      %gather3A_115 = tpu.vector_load_idx %arg14[%add3A_68, %add3A_114] : memref<800x16xf32, #tpu.memory_space<vmem>>[vector<16xi32>, vector<16xi32>], vector<16xf32>,
      %add3A_116 = arith.constant 12 : i32
      %add3A_117 = vector.broadcast %add3A_116 : i32 to vector<16xi32>
      %add3A_118 = arith.addi %mul3A_37, %add3A_117 : vector<16xi32>
      %gather3A_119 = tpu.vector_load_idx %arg14[%add3A_68, %add3A_118] : memref<800x16xf32, #tpu.memory_space<vmem>>[vector<16xi32>, vector<16xi32>], vector<16xf32>,
      %add3A_120 = arith.constant 13 : i32
      %add3A_121 = vector.broadcast %add3A_120 : i32 to vector<16xi32>
      %add3A_122 = arith.addi %mul3A_37, %add3A_121 : vector<16xi32>
      %gather3A_123 = tpu.vector_load_idx %arg14[%add3A_68, %add3A_122] : memref<800x16xf32, #tpu.memory_space<vmem>>[vector<16xi32>, vector<16xi32>], vector<16xf32>,
      %add3A_124 = arith.constant 14 : i32
      %add3A_125 = vector.broadcast %add3A_124 : i32 to vector<16xi32>
      %add3A_126 = arith.addi %mul3A_37, %add3A_125 : vector<16xi32>
      %gather3A_127 = tpu.vector_load_idx %arg14[%add3A_68, %add3A_126] : memref<800x16xf32, #tpu.memory_space<vmem>>[vector<16xi32>, vector<16xi32>], vector<16xf32>,
      %gather3A_128 = tpu.vector_load_idx %arg16[%add3A_68, %mul3A_37] : memref<800x2xf32, #tpu.memory_space<vmem>>[vector<16xi32>, vector<16xi32>], vector<16xf32>,
      %add3A_129 = arith.constant 1 : i32
      %add3A_130 = vector.broadcast %add3A_129 : i32 to vector<16xi32>
      %add3A_131 = arith.addi %mul3A_37, %add3A_130 : vector<16xi32>
      %gather3A_132 = tpu.vector_load_idx %arg16[%add3A_68, %add3A_131] : memref<800x2xf32, #tpu.memory_space<vmem>>[vector<16xi32>, vector<16xi32>], vector<16xf32>,
      %max3A = arith.constant 1.000000e+00 : f32
      %max3A_133 = vector.broadcast %max3A : f32 to vector<16xf32>
      %max3A_134 = arith.maximumf %gather3A_127, %max3A_133 : vector<16xf32>
      %div3A = arith.constant 1.000000e+00 : f32
      %div3A_135 = vector.broadcast %div3A : f32 to vector<16xf32>
      %div3A_136 = arith.divf %div3A_135, %max3A_134 : vector<16xf32>
      %mul3A_137 = arith.mulf %gather3A_128, %gather3A_127 : vector<16xf32>
      %sub3A = arith.subf %gather3A, %mul3A_137 : vector<16xf32>
      %mul3A_138 = arith.mulf %gather3A_128, %gather3A : vector<16xf32>
      %sub3A_139 = arith.subf %gather3A_75, %mul3A_138 : vector<16xf32>
      %mul3A_140 = arith.mulf %gather3A_128, %gather3A_75 : vector<16xf32>
      %sub3A_141 = arith.subf %gather3A_79, %mul3A_140 : vector<16xf32>
      %mul3A_142 = arith.mulf %gather3A_128, %gather3A_79 : vector<16xf32>
      %sub3A_143 = arith.subf %gather3A_83, %mul3A_142 : vector<16xf32>
      %mul3A_144 = arith.mulf %gather3A_128, %gather3A_83 : vector<16xf32>
      %sub3A_145 = arith.subf %gather3A_87, %mul3A_144 : vector<16xf32>
      %mul3A_146 = arith.mulf %gather3A_128, %gather3A_87 : vector<16xf32>
      %sub3A_147 = arith.subf %gather3A_91, %mul3A_146 : vector<16xf32>
      %mul3A_148 = arith.mulf %gather3A_128, %gather3A_91 : vector<16xf32>
      %sub3A_149 = arith.subf %gather3A_95, %mul3A_148 : vector<16xf32>
      %mul3A_150 = arith.mulf %gather3A_128, %sub3A : vector<16xf32>
      %sub3A_151 = arith.subf %sub3A_139, %mul3A_150 : vector<16xf32>
      %mul3A_152 = arith.mulf %gather3A_128, %sub3A_139 : vector<16xf32>
      %sub3A_153 = arith.subf %sub3A_141, %mul3A_152 : vector<16xf32>
      %mul3A_154 = arith.mulf %gather3A_128, %sub3A_141 : vector<16xf32>
      %sub3A_155 = arith.subf %sub3A_143, %mul3A_154 : vector<16xf32>
      %mul3A_156 = arith.mulf %gather3A_128, %sub3A_143 : vector<16xf32>
      %sub3A_157 = arith.subf %sub3A_145, %mul3A_156 : vector<16xf32>
      %mul3A_158 = arith.mulf %gather3A_128, %sub3A_145 : vector<16xf32>
      %sub3A_159 = arith.subf %sub3A_147, %mul3A_158 : vector<16xf32>
      %mul3A_160 = arith.mulf %gather3A_128, %sub3A_147 : vector<16xf32>
      %sub3A_161 = arith.subf %sub3A_149, %mul3A_160 : vector<16xf32>
      %mul3A_162 = arith.mulf %gather3A_128, %sub3A_151 : vector<16xf32>
      %sub3A_163 = arith.subf %sub3A_153, %mul3A_162 : vector<16xf32>
      %mul3A_164 = arith.mulf %gather3A_128, %sub3A_153 : vector<16xf32>
      %sub3A_165 = arith.subf %sub3A_155, %mul3A_164 : vector<16xf32>
      %mul3A_166 = arith.mulf %gather3A_128, %sub3A_155 : vector<16xf32>
      %sub3A_167 = arith.subf %sub3A_157, %mul3A_166 : vector<16xf32>
      %mul3A_168 = arith.mulf %gather3A_128, %sub3A_157 : vector<16xf32>
      %sub3A_169 = arith.subf %sub3A_159, %mul3A_168 : vector<16xf32>
      %mul3A_170 = arith.mulf %gather3A_128, %sub3A_159 : vector<16xf32>
      %sub3A_171 = arith.subf %sub3A_161, %mul3A_170 : vector<16xf32>
      %mul3A_172 = arith.mulf %gather3A_128, %sub3A_163 : vector<16xf32>
      %sub3A_173 = arith.subf %sub3A_165, %mul3A_172 : vector<16xf32>
      %mul3A_174 = arith.mulf %gather3A_128, %sub3A_165 : vector<16xf32>
      %sub3A_175 = arith.subf %sub3A_167, %mul3A_174 : vector<16xf32>
      %mul3A_176 = arith.mulf %gather3A_128, %sub3A_167 : vector<16xf32>
      %sub3A_177 = arith.subf %sub3A_169, %mul3A_176 : vector<16xf32>
      %mul3A_178 = arith.mulf %gather3A_128, %sub3A_169 : vector<16xf32>
      %sub3A_179 = arith.subf %sub3A_171, %mul3A_178 : vector<16xf32>
      %mul3A_180 = arith.mulf %gather3A_128, %sub3A_173 : vector<16xf32>
      %sub3A_181 = arith.subf %sub3A_175, %mul3A_180 : vector<16xf32>
      %mul3A_182 = arith.mulf %gather3A_128, %sub3A_175 : vector<16xf32>
      %sub3A_183 = arith.subf %sub3A_177, %mul3A_182 : vector<16xf32>
      %mul3A_184 = arith.mulf %gather3A_128, %sub3A_177 : vector<16xf32>
      %sub3A_185 = arith.subf %sub3A_179, %mul3A_184 : vector<16xf32>
      %mul3A_186 = arith.mulf %gather3A_128, %sub3A_181 : vector<16xf32>
      %sub3A_187 = arith.subf %sub3A_183, %mul3A_186 : vector<16xf32>
      %mul3A_188 = arith.mulf %gather3A_128, %sub3A_183 : vector<16xf32>
      %sub3A_189 = arith.subf %sub3A_185, %mul3A_188 : vector<16xf32>
      %mul3A_190 = arith.mulf %gather3A_128, %sub3A_187 : vector<16xf32>
      %sub3A_191 = arith.subf %sub3A_189, %mul3A_190 : vector<16xf32>
      %mul3A_192 = arith.mulf %gather3A_132, %gather3A_127 : vector<16xf32>
      %sub3A_193 = arith.subf %gather3A_99, %mul3A_192 : vector<16xf32>
      %mul3A_194 = arith.mulf %gather3A_132, %gather3A_99 : vector<16xf32>
      %sub3A_195 = arith.subf %gather3A_103, %mul3A_194 : vector<16xf32>
      %mul3A_196 = arith.mulf %gather3A_132, %gather3A_103 : vector<16xf32>
      %sub3A_197 = arith.subf %gather3A_107, %mul3A_196 : vector<16xf32>
      %mul3A_198 = arith.mulf %gather3A_132, %gather3A_107 : vector<16xf32>
      %sub3A_199 = arith.subf %gather3A_111, %mul3A_198 : vector<16xf32>
      %mul3A_200 = arith.mulf %gather3A_132, %gather3A_111 : vector<16xf32>
      %sub3A_201 = arith.subf %gather3A_115, %mul3A_200 : vector<16xf32>
      %mul3A_202 = arith.mulf %gather3A_132, %gather3A_115 : vector<16xf32>
      %sub3A_203 = arith.subf %gather3A_119, %mul3A_202 : vector<16xf32>
      %mul3A_204 = arith.mulf %gather3A_132, %gather3A_119 : vector<16xf32>
      %sub3A_205 = arith.subf %gather3A_123, %mul3A_204 : vector<16xf32>
      %mul3A_206 = arith.mulf %gather3A_132, %sub3A_193 : vector<16xf32>
      %sub3A_207 = arith.subf %sub3A_195, %mul3A_206 : vector<16xf32>
      %mul3A_208 = arith.mulf %gather3A_132, %sub3A_195 : vector<16xf32>
      %sub3A_209 = arith.subf %sub3A_197, %mul3A_208 : vector<16xf32>
      %mul3A_210 = arith.mulf %gather3A_132, %sub3A_197 : vector<16xf32>
      %sub3A_211 = arith.subf %sub3A_199, %mul3A_210 : vector<16xf32>
      %mul3A_212 = arith.mulf %gather3A_132, %sub3A_199 : vector<16xf32>
      %sub3A_213 = arith.subf %sub3A_201, %mul3A_212 : vector<16xf32>
      %mul3A_214 = arith.mulf %gather3A_132, %sub3A_201 : vector<16xf32>
      %sub3A_215 = arith.subf %sub3A_203, %mul3A_214 : vector<16xf32>
      %mul3A_216 = arith.mulf %gather3A_132, %sub3A_203 : vector<16xf32>
      %sub3A_217 = arith.subf %sub3A_205, %mul3A_216 : vector<16xf32>
      %mul3A_218 = arith.mulf %gather3A_132, %sub3A_207 : vector<16xf32>
      %sub3A_219 = arith.subf %sub3A_209, %mul3A_218 : vector<16xf32>
      %mul3A_220 = arith.mulf %gather3A_132, %sub3A_209 : vector<16xf32>
      %sub3A_221 = arith.subf %sub3A_211, %mul3A_220 : vector<16xf32>
      %mul3A_222 = arith.mulf %gather3A_132, %sub3A_211 : vector<16xf32>
      %sub3A_223 = arith.subf %sub3A_213, %mul3A_222 : vector<16xf32>
      %mul3A_224 = arith.mulf %gather3A_132, %sub3A_213 : vector<16xf32>
      %sub3A_225 = arith.subf %sub3A_215, %mul3A_224 : vector<16xf32>
      %mul3A_226 = arith.mulf %gather3A_132, %sub3A_215 : vector<16xf32>
      %sub3A_227 = arith.subf %sub3A_217, %mul3A_226 : vector<16xf32>
      %mul3A_228 = arith.mulf %gather3A_132, %sub3A_219 : vector<16xf32>
      %sub3A_229 = arith.subf %sub3A_221, %mul3A_228 : vector<16xf32>
      %mul3A_230 = arith.mulf %gather3A_132, %sub3A_221 : vector<16xf32>
      %sub3A_231 = arith.subf %sub3A_223, %mul3A_230 : vector<16xf32>
      %mul3A_232 = arith.mulf %gather3A_132, %sub3A_223 : vector<16xf32>
      %sub3A_233 = arith.subf %sub3A_225, %mul3A_232 : vector<16xf32>
      %mul3A_234 = arith.mulf %gather3A_132, %sub3A_225 : vector<16xf32>
      %sub3A_235 = arith.subf %sub3A_227, %mul3A_234 : vector<16xf32>
      %mul3A_236 = arith.mulf %gather3A_132, %sub3A_229 : vector<16xf32>
      %sub3A_237 = arith.subf %sub3A_231, %mul3A_236 : vector<16xf32>
      %mul3A_238 = arith.mulf %gather3A_132, %sub3A_231 : vector<16xf32>
      %sub3A_239 = arith.subf %sub3A_233, %mul3A_238 : vector<16xf32>
      %mul3A_240 = arith.mulf %gather3A_132, %sub3A_233 : vector<16xf32>
      %sub3A_241 = arith.subf %sub3A_235, %mul3A_240 : vector<16xf32>
      %mul3A_242 = arith.mulf %gather3A_132, %sub3A_237 : vector<16xf32>
      %sub3A_243 = arith.subf %sub3A_239, %mul3A_242 : vector<16xf32>
      %mul3A_244 = arith.mulf %gather3A_132, %sub3A_239 : vector<16xf32>
      %sub3A_245 = arith.subf %sub3A_241, %mul3A_244 : vector<16xf32>
      %mul3A_246 = arith.mulf %gather3A_132, %sub3A_243 : vector<16xf32>
      %sub3A_247 = arith.subf %sub3A_245, %mul3A_246 : vector<16xf32>
      %add3A_248 = arith.constant 0 : i32
      %add3A_249 = vector.broadcast %add3A_248 : i32 to vector<16xi32>
      %add3A_250 = arith.addi %mul3A_37, %add3A_249 : vector<16xi32>
      %mul3A_251 = arith.mulf %sub3A, %div3A_136 : vector<16xf32>
      tpu.vector_store_idx %arg15[%add3A_68, %add3A_250], %mul3A_251 : memref<800x15xf32, #tpu.memory_space<vmem>>[vector<16xi32>, vector<16xi32>], vector<16xf32>,
      %add3A_252 = arith.constant 0 : i32
      %add3A_253 = vector.broadcast %add3A_252 : i32 to vector<16xi32>
      %add3A_254 = arith.addi %mul3A_37, %add3A_253 : vector<16xi32>
      %add3A_255 = arith.constant 1 : i32
      %add3A_256 = vector.broadcast %add3A_255 : i32 to vector<16xi32>
      %add3A_257 = arith.addi %add3A_254, %add3A_256 : vector<16xi32>
      %mul3A_258 = arith.mulf %sub3A_193, %div3A_136 : vector<16xf32>
      tpu.vector_store_idx %arg15[%add3A_68, %add3A_257], %mul3A_258 : memref<800x15xf32, #tpu.memory_space<vmem>>[vector<16xi32>, vector<16xi32>], vector<16xf32>,
      %add3A_259 = arith.constant 2 : i32
      %add3A_260 = vector.broadcast %add3A_259 : i32 to vector<16xi32>
      %add3A_261 = arith.addi %mul3A_37, %add3A_260 : vector<16xi32>
      %mul3A_262 = arith.mulf %sub3A_151, %div3A_136 : vector<16xf32>
      tpu.vector_store_idx %arg15[%add3A_68, %add3A_261], %mul3A_262 : memref<800x15xf32, #tpu.memory_space<vmem>>[vector<16xi32>, vector<16xi32>], vector<16xf32>,
      %add3A_263 = arith.constant 2 : i32
      %add3A_264 = vector.broadcast %add3A_263 : i32 to vector<16xi32>
      %add3A_265 = arith.addi %mul3A_37, %add3A_264 : vector<16xi32>
      %add3A_266 = arith.constant 1 : i32
      %add3A_267 = vector.broadcast %add3A_266 : i32 to vector<16xi32>
      %add3A_268 = arith.addi %add3A_265, %add3A_267 : vector<16xi32>
      %mul3A_269 = arith.mulf %sub3A_207, %div3A_136 : vector<16xf32>
      tpu.vector_store_idx %arg15[%add3A_68, %add3A_268], %mul3A_269 : memref<800x15xf32, #tpu.memory_space<vmem>>[vector<16xi32>, vector<16xi32>], vector<16xf32>,
      %add3A_270 = arith.constant 4 : i32
      %add3A_271 = vector.broadcast %add3A_270 : i32 to vector<16xi32>
      %add3A_272 = arith.addi %mul3A_37, %add3A_271 : vector<16xi32>
      %mul3A_273 = arith.mulf %sub3A_163, %div3A_136 : vector<16xf32>
      tpu.vector_store_idx %arg15[%add3A_68, %add3A_272], %mul3A_273 : memref<800x15xf32, #tpu.memory_space<vmem>>[vector<16xi32>, vector<16xi32>], vector<16xf32>,
      %add3A_274 = arith.constant 4 : i32
      %add3A_275 = vector.broadcast %add3A_274 : i32 to vector<16xi32>
      %add3A_276 = arith.addi %mul3A_37, %add3A_275 : vector<16xi32>
      %add3A_277 = arith.constant 1 : i32
      %add3A_278 = vector.broadcast %add3A_277 : i32 to vector<16xi32>
      %add3A_279 = arith.addi %add3A_276, %add3A_278 : vector<16xi32>
      %mul3A_280 = arith.mulf %sub3A_219, %div3A_136 : vector<16xf32>
      tpu.vector_store_idx %arg15[%add3A_68, %add3A_279], %mul3A_280 : memref<800x15xf32, #tpu.memory_space<vmem>>[vector<16xi32>, vector<16xi32>], vector<16xf32>,
      %add3A_281 = arith.constant 6 : i32
      %add3A_282 = vector.broadcast %add3A_281 : i32 to vector<16xi32>
      %add3A_283 = arith.addi %mul3A_37, %add3A_282 : vector<16xi32>
      %mul3A_284 = arith.mulf %sub3A_173, %div3A_136 : vector<16xf32>
      tpu.vector_store_idx %arg15[%add3A_68, %add3A_283], %mul3A_284 : memref<800x15xf32, #tpu.memory_space<vmem>>[vector<16xi32>, vector<16xi32>], vector<16xf32>,
      %add3A_285 = arith.constant 6 : i32
      %add3A_286 = vector.broadcast %add3A_285 : i32 to vector<16xi32>
      %add3A_287 = arith.addi %mul3A_37, %add3A_286 : vector<16xi32>
      %add3A_288 = arith.constant 1 : i32
      %add3A_289 = vector.broadcast %add3A_288 : i32 to vector<16xi32>
      %add3A_290 = arith.addi %add3A_287, %add3A_289 : vector<16xi32>
      %mul3A_291 = arith.mulf %sub3A_229, %div3A_136 : vector<16xf32>
      tpu.vector_store_idx %arg15[%add3A_68, %add3A_290], %mul3A_291 : memref<800x15xf32, #tpu.memory_space<vmem>>[vector<16xi32>, vector<16xi32>], vector<16xf32>,
      %add3A_292 = arith.constant 8 : i32
      %add3A_293 = vector.broadcast %add3A_292 : i32 to vector<16xi32>
      %add3A_294 = arith.addi %mul3A_37, %add3A_293 : vector<16xi32>
      %mul3A_295 = arith.mulf %sub3A_181, %div3A_136 : vector<16xf32>
      tpu.vector_store_idx %arg15[%add3A_68, %add3A_294], %mul3A_295 : memref<800x15xf32, #tpu.memory_space<vmem>>[vector<16xi32>, vector<16xi32>], vector<16xf32>,
      %add3A_296 = arith.constant 8 : i32
      %add3A_297 = vector.broadcast %add3A_296 : i32 to vector<16xi32>
      %add3A_298 = arith.addi %mul3A_37, %add3A_297 : vector<16xi32>
      %add3A_299 = arith.constant 1 : i32
      %add3A_300 = vector.broadcast %add3A_299 : i32 to vector<16xi32>
      %add3A_301 = arith.addi %add3A_298, %add3A_300 : vector<16xi32>
      %mul3A_302 = arith.mulf %sub3A_237, %div3A_136 : vector<16xf32>
      tpu.vector_store_idx %arg15[%add3A_68, %add3A_301], %mul3A_302 : memref<800x15xf32, #tpu.memory_space<vmem>>[vector<16xi32>, vector<16xi32>], vector<16xf32>,
      %add3A_303 = arith.constant 10 : i32
      %add3A_304 = vector.broadcast %add3A_303 : i32 to vector<16xi32>
      %add3A_305 = arith.addi %mul3A_37, %add3A_304 : vector<16xi32>
      %mul3A_306 = arith.mulf %sub3A_187, %div3A_136 : vector<16xf32>
      tpu.vector_store_idx %arg15[%add3A_68, %add3A_305], %mul3A_306 : memref<800x15xf32, #tpu.memory_space<vmem>>[vector<16xi32>, vector<16xi32>], vector<16xf32>,
      %add3A_307 = arith.constant 10 : i32
      %add3A_308 = vector.broadcast %add3A_307 : i32 to vector<16xi32>
      %add3A_309 = arith.addi %mul3A_37, %add3A_308 : vector<16xi32>
      %add3A_310 = arith.constant 1 : i32
      %add3A_311 = vector.broadcast %add3A_310 : i32 to vector<16xi32>
      %add3A_312 = arith.addi %add3A_309, %add3A_311 : vector<16xi32>
      %mul3A_313 = arith.mulf %sub3A_243, %div3A_136 : vector<16xf32>
      tpu.vector_store_idx %arg15[%add3A_68, %add3A_312], %mul3A_313 : memref<800x15xf32, #tpu.memory_space<vmem>>[vector<16xi32>, vector<16xi32>], vector<16xf32>,
      %add3A_314 = arith.constant 12 : i32
      %add3A_315 = vector.broadcast %add3A_314 : i32 to vector<16xi32>
      %add3A_316 = arith.addi %mul3A_37, %add3A_315 : vector<16xi32>
      %mul3A_317 = arith.mulf %sub3A_191, %div3A_136 : vector<16xf32>
      tpu.vector_store_idx %arg15[%add3A_68, %add3A_316], %mul3A_317 : memref<800x15xf32, #tpu.memory_space<vmem>>[vector<16xi32>, vector<16xi32>], vector<16xf32>,
      %add3A_318 = arith.constant 12 : i32
      %add3A_319 = vector.broadcast %add3A_318 : i32 to vector<16xi32>
      %add3A_320 = arith.addi %mul3A_37, %add3A_319 : vector<16xi32>
      %add3A_321 = arith.constant 1 : i32
      %add3A_322 = vector.broadcast %add3A_321 : i32 to vector<16xi32>
      %add3A_323 = arith.addi %add3A_320, %add3A_322 : vector<16xi32>
      %mul3A_324 = arith.mulf %sub3A_247, %div3A_136 : vector<16xf32>
      tpu.vector_store_idx %arg15[%add3A_68, %add3A_323], %mul3A_324 : memref<800x15xf32, #tpu.memory_space<vmem>>[vector<16xi32>, vector<16xi32>], vector<16xf32>,
      %add3A_325 = arith.constant 14 : i32
      %add3A_326 = vector.broadcast %add3A_325 : i32 to vector<16xi32>
      %add3A_327 = arith.addi %mul3A_37, %add3A_326 : vector<16xi32>
      %mul3A_328 = arith.constant 2.500000e-03 : f32
      %mul3A_329 = vector.broadcast %mul3A_328 : f32 to vector<16xf32>
      %mul3A_330 = arith.mulf %gather3A_127, %mul3A_329 : vector<16xf32>
      tpu.vector_store_idx %arg15[%add3A_68, %add3A_327], %mul3A_330 : memref<800x15xf32, #tpu.memory_space<vmem>>[vector<16xi32>, vector<16xi32>], vector<16xf32>,
      %scan3A_331 = arith.constant 0 : i32
      scf.yield %scan3A_331 : i32
    }
    %scan3A_49 = arith.constant 50 : i32
    "tpu.region"() ({
      %run_scoped3A = tpu.sem_alloc : memref<!tpu.dma_semaphore, #tpu.memory_space<semaphore_mem>>
      %dma_start3A = arith.constant 0 : i32
      %dma_start3A_63 = arith.constant 0 : i32
      %dma_start3A_64 = tpu.memref_slice %arg7[%arg0, %arg1, %dma_start3A, %dma_start3A_63] : memref<2x16x1600x15xf32, #tpu.memory_space<hbm>> -> memref<1x1x800x15xf32, #tpu.memory_space<hbm>>
      %dma_start3A_65 = tpu.memref_squeeze %dma_start3A_64 : memref<1x1x800x15xf32, #tpu.memory_space<hbm>> -> memref<800x15xf32, #tpu.memory_space<hbm>>
      %dma_start3A_66 = arith.constant 0 : i32
      %dma_start3A_67 = arith.constant 0 : i32
      %dma_start3A_68 = tpu.memref_slice %arg7[%arg0, %arg1, %dma_start3A_66, %dma_start3A_67] : memref<2x16x1600x15xf32, #tpu.memory_space<hbm>> -> memref<1x1x800x15xf32, #tpu.memory_space<hbm>>
      %dma_start3A_69 = tpu.memref_squeeze %dma_start3A_68 : memref<1x1x800x15xf32, #tpu.memory_space<hbm>> -> memref<800x15xf32, #tpu.memory_space<hbm>>
      tpu.enqueue_dma source(%arg15 : memref<800x15xf32, #tpu.memory_space<vmem>>) target(%dma_start3A_69 : memref<800x15xf32, #tpu.memory_space<hbm>>) target_semaphore(%run_scoped3A : memref<!tpu.dma_semaphore, #tpu.memory_space<semaphore_mem>>)
      %dma_wait3A = arith.constant 0 : i32
      %dma_wait3A_70 = arith.constant 0 : i32
      %dma_wait3A_71 = tpu.memref_slice %arg7[%arg0, %arg1, %dma_wait3A, %dma_wait3A_70] : memref<2x16x1600x15xf32, #tpu.memory_space<hbm>> -> memref<1x1x800x15xf32, #tpu.memory_space<hbm>>
      %dma_wait3A_72 = tpu.memref_squeeze %dma_wait3A_71 : memref<1x1x800x15xf32, #tpu.memory_space<hbm>> -> memref<800x15xf32, #tpu.memory_space<hbm>>
      %dma_wait3A_73 = arith.constant 0 : i32
      %dma_wait3A_74 = arith.constant 0 : i32
      %dma_wait3A_75 = tpu.memref_slice %arg7[%arg0, %arg1, %dma_wait3A_73, %dma_wait3A_74] : memref<2x16x1600x15xf32, #tpu.memory_space<hbm>> -> memref<1x1x800x15xf32, #tpu.memory_space<hbm>>
      %dma_wait3A_76 = tpu.memref_squeeze %dma_wait3A_75 : memref<1x1x800x15xf32, #tpu.memory_space<hbm>> -> memref<800x15xf32, #tpu.memory_space<hbm>>
      tpu.wait_dma2 semaphore(%run_scoped3A : memref<!tpu.dma_semaphore, #tpu.memory_space<semaphore_mem>>) src(%arg15 : memref<800x15xf32, #tpu.memory_space<vmem>>) dst(%dma_wait3A_76 : memref<800x15xf32, #tpu.memory_space<hbm>>)
      tpu.yield
    }) : () -> ()
    %mul3A_50 = arith.constant 1600 : i32
    %mul3A_51 = arith.muli %arg1, %mul3A_50 : i32
    %add3A_52 = arith.constant 800 : i32
    %add3A_53 = arith.addi %mul3A_51, %add3A_52 : i32
    "tpu.region"() ({
      %run_scoped3A = tpu.sem_alloc : memref<!tpu.dma_semaphore, #tpu.memory_space<semaphore_mem>>
      %dma_start3A = arith.constant 0 : i32
      %dma_start3A_63 = tpu.memref_slice %arg17[%add3A_53, %dma_start3A] : memref<25600x16xf32, #tpu.memory_space<vmem_shared>> -> memref<800x16xf32, #tpu.memory_space<vmem_shared>>
      %dma_start3A_64 = arith.constant 0 : i32
      %dma_start3A_65 = tpu.memref_slice %arg17[%add3A_53, %dma_start3A_64] : memref<25600x16xf32, #tpu.memory_space<vmem_shared>> -> memref<800x16xf32, #tpu.memory_space<vmem_shared>>
      tpu.enqueue_dma source(%dma_start3A_65 : memref<800x16xf32, #tpu.memory_space<vmem_shared>>) target(%arg14 : memref<800x16xf32, #tpu.memory_space<vmem>>) target_semaphore(%run_scoped3A : memref<!tpu.dma_semaphore, #tpu.memory_space<semaphore_mem>>)
      %dma_wait3A = arith.constant 0 : i32
      %dma_wait3A_66 = tpu.memref_slice %arg17[%add3A_53, %dma_wait3A] : memref<25600x16xf32, #tpu.memory_space<vmem_shared>> -> memref<800x16xf32, #tpu.memory_space<vmem_shared>>
      %dma_wait3A_67 = arith.constant 0 : i32
      %dma_wait3A_68 = tpu.memref_slice %arg17[%add3A_53, %dma_wait3A_67] : memref<25600x16xf32, #tpu.memory_space<vmem_shared>> -> memref<800x16xf32, #tpu.memory_space<vmem_shared>>
      tpu.wait_dma2 semaphore(%run_scoped3A : memref<!tpu.dma_semaphore, #tpu.memory_space<semaphore_mem>>) src(%dma_wait3A_68 : memref<800x16xf32, #tpu.memory_space<vmem_shared>>) dst(%arg14 : memref<800x16xf32, #tpu.memory_space<vmem>>)
      tpu.yield
    }) : () -> ()
    %add3A_54 = arith.addi %mul3A_1, %add3A_53 : i32
    %multiple_of3A_55 = tpu.assume_multiple %add3A_54, 8 : i32
    "tpu.region"() ({
      %run_scoped3A = tpu.sem_alloc : memref<!tpu.dma_semaphore, #tpu.memory_space<semaphore_mem>>
      %dma_start3A = arith.constant 0 : i32
      %dma_start3A_63 = tpu.memref_slice %arg6[%multiple_of3A_55, %dma_start3A] : memref<102400x2xf32, #tpu.memory_space<hbm>> -> memref<800x2xf32, #tpu.memory_space<hbm>>
      %dma_start3A_64 = arith.constant 0 : i32
      %dma_start3A_65 = tpu.memref_slice %arg6[%multiple_of3A_55, %dma_start3A_64] : memref<102400x2xf32, #tpu.memory_space<hbm>> -> memref<800x2xf32, #tpu.memory_space<hbm>>
      tpu.enqueue_dma source(%dma_start3A_65 : memref<800x2xf32, #tpu.memory_space<hbm>>) target(%arg16 : memref<800x2xf32, #tpu.memory_space<vmem>>) target_semaphore(%run_scoped3A : memref<!tpu.dma_semaphore, #tpu.memory_space<semaphore_mem>>)
      %dma_wait3A = arith.constant 0 : i32
      %dma_wait3A_66 = tpu.memref_slice %arg6[%multiple_of3A_55, %dma_wait3A] : memref<102400x2xf32, #tpu.memory_space<hbm>> -> memref<800x2xf32, #tpu.memory_space<hbm>>
      %dma_wait3A_67 = arith.constant 0 : i32
      %dma_wait3A_68 = tpu.memref_slice %arg6[%multiple_of3A_55, %dma_wait3A_67] : memref<102400x2xf32, #tpu.memory_space<hbm>> -> memref<800x2xf32, #tpu.memory_space<hbm>>
      tpu.wait_dma2 semaphore(%run_scoped3A : memref<!tpu.dma_semaphore, #tpu.memory_space<semaphore_mem>>) src(%dma_wait3A_68 : memref<800x2xf32, #tpu.memory_space<hbm>>) dst(%arg16 : memref<800x2xf32, #tpu.memory_space<vmem>>)
      tpu.yield
    }) : () -> ()
    %scan3A_56 = arith.constant 0 : i32
    %scan3A_57 = arith.constant 0 : i32
    %scan3A_58 = arith.constant 50 : i32
    %scan3A_59 = arith.addi %scan3A_57, %scan3A_58 : i32
    %scan3A_60 = arith.constant 1 : i32
    %scan3A_61 = scf.for %scan3A_63 = %scan3A_57 to %scan3A_59 step %scan3A_60 iter_args(%scan3A_64 = %scan3A_56) -> (i32)  : i32 {
      %mul3A_65 = arith.constant 16 : i32
      %mul3A_66 = arith.muli %scan3A_63, %mul3A_65 : i32
      %add3A_67 = vector.broadcast %mul3A_66 : i32 to vector<16xi32>
      %add3A_68 = arith.addi %add3A_67, %iota3A : vector<16xi32>
      %add3A_69 = arith.constant 0 : i32
      %add3A_70 = vector.broadcast %add3A_69 : i32 to vector<16xi32>
      %add3A_71 = arith.addi %mul3A_37, %add3A_70 : vector<16xi32>
      %gather3A = tpu.vector_load_idx %arg14[%add3A_68, %add3A_71] : memref<800x16xf32, #tpu.memory_space<vmem>>[vector<16xi32>, vector<16xi32>], vector<16xf32>,
      %add3A_72 = arith.constant 1 : i32
      %add3A_73 = vector.broadcast %add3A_72 : i32 to vector<16xi32>
      %add3A_74 = arith.addi %mul3A_37, %add3A_73 : vector<16xi32>
      %gather3A_75 = tpu.vector_load_idx %arg14[%add3A_68, %add3A_74] : memref<800x16xf32, #tpu.memory_space<vmem>>[vector<16xi32>, vector<16xi32>], vector<16xf32>,
      %add3A_76 = arith.constant 2 : i32
      %add3A_77 = vector.broadcast %add3A_76 : i32 to vector<16xi32>
      %add3A_78 = arith.addi %mul3A_37, %add3A_77 : vector<16xi32>
      %gather3A_79 = tpu.vector_load_idx %arg14[%add3A_68, %add3A_78] : memref<800x16xf32, #tpu.memory_space<vmem>>[vector<16xi32>, vector<16xi32>], vector<16xf32>,
      %add3A_80 = arith.constant 3 : i32
      %add3A_81 = vector.broadcast %add3A_80 : i32 to vector<16xi32>
      %add3A_82 = arith.addi %mul3A_37, %add3A_81 : vector<16xi32>
      %gather3A_83 = tpu.vector_load_idx %arg14[%add3A_68, %add3A_82] : memref<800x16xf32, #tpu.memory_space<vmem>>[vector<16xi32>, vector<16xi32>], vector<16xf32>,
      %add3A_84 = arith.constant 4 : i32
      %add3A_85 = vector.broadcast %add3A_84 : i32 to vector<16xi32>
      %add3A_86 = arith.addi %mul3A_37, %add3A_85 : vector<16xi32>
      %gather3A_87 = tpu.vector_load_idx %arg14[%add3A_68, %add3A_86] : memref<800x16xf32, #tpu.memory_space<vmem>>[vector<16xi32>, vector<16xi32>], vector<16xf32>,
      %add3A_88 = arith.constant 5 : i32
      %add3A_89 = vector.broadcast %add3A_88 : i32 to vector<16xi32>
      %add3A_90 = arith.addi %mul3A_37, %add3A_89 : vector<16xi32>
      %gather3A_91 = tpu.vector_load_idx %arg14[%add3A_68, %add3A_90] : memref<800x16xf32, #tpu.memory_space<vmem>>[vector<16xi32>, vector<16xi32>], vector<16xf32>,
      %add3A_92 = arith.constant 6 : i32
      %add3A_93 = vector.broadcast %add3A_92 : i32 to vector<16xi32>
      %add3A_94 = arith.addi %mul3A_37, %add3A_93 : vector<16xi32>
      %gather3A_95 = tpu.vector_load_idx %arg14[%add3A_68, %add3A_94] : memref<800x16xf32, #tpu.memory_space<vmem>>[vector<16xi32>, vector<16xi32>], vector<16xf32>,
      %add3A_96 = arith.constant 7 : i32
      %add3A_97 = vector.broadcast %add3A_96 : i32 to vector<16xi32>
      %add3A_98 = arith.addi %mul3A_37, %add3A_97 : vector<16xi32>
      %gather3A_99 = tpu.vector_load_idx %arg14[%add3A_68, %add3A_98] : memref<800x16xf32, #tpu.memory_space<vmem>>[vector<16xi32>, vector<16xi32>], vector<16xf32>,
      %add3A_100 = arith.constant 8 : i32
      %add3A_101 = vector.broadcast %add3A_100 : i32 to vector<16xi32>
      %add3A_102 = arith.addi %mul3A_37, %add3A_101 : vector<16xi32>
      %gather3A_103 = tpu.vector_load_idx %arg14[%add3A_68, %add3A_102] : memref<800x16xf32, #tpu.memory_space<vmem>>[vector<16xi32>, vector<16xi32>], vector<16xf32>,
      %add3A_104 = arith.constant 9 : i32
      %add3A_105 = vector.broadcast %add3A_104 : i32 to vector<16xi32>
      %add3A_106 = arith.addi %mul3A_37, %add3A_105 : vector<16xi32>
      %gather3A_107 = tpu.vector_load_idx %arg14[%add3A_68, %add3A_106] : memref<800x16xf32, #tpu.memory_space<vmem>>[vector<16xi32>, vector<16xi32>], vector<16xf32>,
      %add3A_108 = arith.constant 10 : i32
      %add3A_109 = vector.broadcast %add3A_108 : i32 to vector<16xi32>
      %add3A_110 = arith.addi %mul3A_37, %add3A_109 : vector<16xi32>
      %gather3A_111 = tpu.vector_load_idx %arg14[%add3A_68, %add3A_110] : memref<800x16xf32, #tpu.memory_space<vmem>>[vector<16xi32>, vector<16xi32>], vector<16xf32>,
      %add3A_112 = arith.constant 11 : i32
      %add3A_113 = vector.broadcast %add3A_112 : i32 to vector<16xi32>
      %add3A_114 = arith.addi %mul3A_37, %add3A_113 : vector<16xi32>
      %gather3A_115 = tpu.vector_load_idx %arg14[%add3A_68, %add3A_114] : memref<800x16xf32, #tpu.memory_space<vmem>>[vector<16xi32>, vector<16xi32>], vector<16xf32>,
      %add3A_116 = arith.constant 12 : i32
      %add3A_117 = vector.broadcast %add3A_116 : i32 to vector<16xi32>
      %add3A_118 = arith.addi %mul3A_37, %add3A_117 : vector<16xi32>
      %gather3A_119 = tpu.vector_load_idx %arg14[%add3A_68, %add3A_118] : memref<800x16xf32, #tpu.memory_space<vmem>>[vector<16xi32>, vector<16xi32>], vector<16xf32>,
      %add3A_120 = arith.constant 13 : i32
      %add3A_121 = vector.broadcast %add3A_120 : i32 to vector<16xi32>
      %add3A_122 = arith.addi %mul3A_37, %add3A_121 : vector<16xi32>
      %gather3A_123 = tpu.vector_load_idx %arg14[%add3A_68, %add3A_122] : memref<800x16xf32, #tpu.memory_space<vmem>>[vector<16xi32>, vector<16xi32>], vector<16xf32>,
      %add3A_124 = arith.constant 14 : i32
      %add3A_125 = vector.broadcast %add3A_124 : i32 to vector<16xi32>
      %add3A_126 = arith.addi %mul3A_37, %add3A_125 : vector<16xi32>
      %gather3A_127 = tpu.vector_load_idx %arg14[%add3A_68, %add3A_126] : memref<800x16xf32, #tpu.memory_space<vmem>>[vector<16xi32>, vector<16xi32>], vector<16xf32>,
      %gather3A_128 = tpu.vector_load_idx %arg16[%add3A_68, %mul3A_37] : memref<800x2xf32, #tpu.memory_space<vmem>>[vector<16xi32>, vector<16xi32>], vector<16xf32>,
      %add3A_129 = arith.constant 1 : i32
      %add3A_130 = vector.broadcast %add3A_129 : i32 to vector<16xi32>
      %add3A_131 = arith.addi %mul3A_37, %add3A_130 : vector<16xi32>
      %gather3A_132 = tpu.vector_load_idx %arg16[%add3A_68, %add3A_131] : memref<800x2xf32, #tpu.memory_space<vmem>>[vector<16xi32>, vector<16xi32>], vector<16xf32>,
      %max3A = arith.constant 1.000000e+00 : f32
      %max3A_133 = vector.broadcast %max3A : f32 to vector<16xf32>
      %max3A_134 = arith.maximumf %gather3A_127, %max3A_133 : vector<16xf32>
      %div3A = arith.constant 1.000000e+00 : f32
      %div3A_135 = vector.broadcast %div3A : f32 to vector<16xf32>
      %div3A_136 = arith.divf %div3A_135, %max3A_134 : vector<16xf32>
      %mul3A_137 = arith.mulf %gather3A_128, %gather3A_127 : vector<16xf32>
      %sub3A = arith.subf %gather3A, %mul3A_137 : vector<16xf32>
      %mul3A_138 = arith.mulf %gather3A_128, %gather3A : vector<16xf32>
      %sub3A_139 = arith.subf %gather3A_75, %mul3A_138 : vector<16xf32>
      %mul3A_140 = arith.mulf %gather3A_128, %gather3A_75 : vector<16xf32>
      %sub3A_141 = arith.subf %gather3A_79, %mul3A_140 : vector<16xf32>
      %mul3A_142 = arith.mulf %gather3A_128, %gather3A_79 : vector<16xf32>
      %sub3A_143 = arith.subf %gather3A_83, %mul3A_142 : vector<16xf32>
      %mul3A_144 = arith.mulf %gather3A_128, %gather3A_83 : vector<16xf32>
      %sub3A_145 = arith.subf %gather3A_87, %mul3A_144 : vector<16xf32>
      %mul3A_146 = arith.mulf %gather3A_128, %gather3A_87 : vector<16xf32>
      %sub3A_147 = arith.subf %gather3A_91, %mul3A_146 : vector<16xf32>
      %mul3A_148 = arith.mulf %gather3A_128, %gather3A_91 : vector<16xf32>
      %sub3A_149 = arith.subf %gather3A_95, %mul3A_148 : vector<16xf32>
      %mul3A_150 = arith.mulf %gather3A_128, %sub3A : vector<16xf32>
      %sub3A_151 = arith.subf %sub3A_139, %mul3A_150 : vector<16xf32>
      %mul3A_152 = arith.mulf %gather3A_128, %sub3A_139 : vector<16xf32>
      %sub3A_153 = arith.subf %sub3A_141, %mul3A_152 : vector<16xf32>
      %mul3A_154 = arith.mulf %gather3A_128, %sub3A_141 : vector<16xf32>
      %sub3A_155 = arith.subf %sub3A_143, %mul3A_154 : vector<16xf32>
      %mul3A_156 = arith.mulf %gather3A_128, %sub3A_143 : vector<16xf32>
      %sub3A_157 = arith.subf %sub3A_145, %mul3A_156 : vector<16xf32>
      %mul3A_158 = arith.mulf %gather3A_128, %sub3A_145 : vector<16xf32>
      %sub3A_159 = arith.subf %sub3A_147, %mul3A_158 : vector<16xf32>
      %mul3A_160 = arith.mulf %gather3A_128, %sub3A_147 : vector<16xf32>
      %sub3A_161 = arith.subf %sub3A_149, %mul3A_160 : vector<16xf32>
      %mul3A_162 = arith.mulf %gather3A_128, %sub3A_151 : vector<16xf32>
      %sub3A_163 = arith.subf %sub3A_153, %mul3A_162 : vector<16xf32>
      %mul3A_164 = arith.mulf %gather3A_128, %sub3A_153 : vector<16xf32>
      %sub3A_165 = arith.subf %sub3A_155, %mul3A_164 : vector<16xf32>
      %mul3A_166 = arith.mulf %gather3A_128, %sub3A_155 : vector<16xf32>
      %sub3A_167 = arith.subf %sub3A_157, %mul3A_166 : vector<16xf32>
      %mul3A_168 = arith.mulf %gather3A_128, %sub3A_157 : vector<16xf32>
      %sub3A_169 = arith.subf %sub3A_159, %mul3A_168 : vector<16xf32>
      %mul3A_170 = arith.mulf %gather3A_128, %sub3A_159 : vector<16xf32>
      %sub3A_171 = arith.subf %sub3A_161, %mul3A_170 : vector<16xf32>
      %mul3A_172 = arith.mulf %gather3A_128, %sub3A_163 : vector<16xf32>
      %sub3A_173 = arith.subf %sub3A_165, %mul3A_172 : vector<16xf32>
      %mul3A_174 = arith.mulf %gather3A_128, %sub3A_165 : vector<16xf32>
      %sub3A_175 = arith.subf %sub3A_167, %mul3A_174 : vector<16xf32>
      %mul3A_176 = arith.mulf %gather3A_128, %sub3A_167 : vector<16xf32>
      %sub3A_177 = arith.subf %sub3A_169, %mul3A_176 : vector<16xf32>
      %mul3A_178 = arith.mulf %gather3A_128, %sub3A_169 : vector<16xf32>
      %sub3A_179 = arith.subf %sub3A_171, %mul3A_178 : vector<16xf32>
      %mul3A_180 = arith.mulf %gather3A_128, %sub3A_173 : vector<16xf32>
      %sub3A_181 = arith.subf %sub3A_175, %mul3A_180 : vector<16xf32>
      %mul3A_182 = arith.mulf %gather3A_128, %sub3A_175 : vector<16xf32>
      %sub3A_183 = arith.subf %sub3A_177, %mul3A_182 : vector<16xf32>
      %mul3A_184 = arith.mulf %gather3A_128, %sub3A_177 : vector<16xf32>
      %sub3A_185 = arith.subf %sub3A_179, %mul3A_184 : vector<16xf32>
      %mul3A_186 = arith.mulf %gather3A_128, %sub3A_181 : vector<16xf32>
      %sub3A_187 = arith.subf %sub3A_183, %mul3A_186 : vector<16xf32>
      %mul3A_188 = arith.mulf %gather3A_128, %sub3A_183 : vector<16xf32>
      %sub3A_189 = arith.subf %sub3A_185, %mul3A_188 : vector<16xf32>
      %mul3A_190 = arith.mulf %gather3A_128, %sub3A_187 : vector<16xf32>
      %sub3A_191 = arith.subf %sub3A_189, %mul3A_190 : vector<16xf32>
      %mul3A_192 = arith.mulf %gather3A_132, %gather3A_127 : vector<16xf32>
      %sub3A_193 = arith.subf %gather3A_99, %mul3A_192 : vector<16xf32>
      %mul3A_194 = arith.mulf %gather3A_132, %gather3A_99 : vector<16xf32>
      %sub3A_195 = arith.subf %gather3A_103, %mul3A_194 : vector<16xf32>
      %mul3A_196 = arith.mulf %gather3A_132, %gather3A_103 : vector<16xf32>
      %sub3A_197 = arith.subf %gather3A_107, %mul3A_196 : vector<16xf32>
      %mul3A_198 = arith.mulf %gather3A_132, %gather3A_107 : vector<16xf32>
      %sub3A_199 = arith.subf %gather3A_111, %mul3A_198 : vector<16xf32>
      %mul3A_200 = arith.mulf %gather3A_132, %gather3A_111 : vector<16xf32>
      %sub3A_201 = arith.subf %gather3A_115, %mul3A_200 : vector<16xf32>
      %mul3A_202 = arith.mulf %gather3A_132, %gather3A_115 : vector<16xf32>
      %sub3A_203 = arith.subf %gather3A_119, %mul3A_202 : vector<16xf32>
      %mul3A_204 = arith.mulf %gather3A_132, %gather3A_119 : vector<16xf32>
      %sub3A_205 = arith.subf %gather3A_123, %mul3A_204 : vector<16xf32>
      %mul3A_206 = arith.mulf %gather3A_132, %sub3A_193 : vector<16xf32>
      %sub3A_207 = arith.subf %sub3A_195, %mul3A_206 : vector<16xf32>
      %mul3A_208 = arith.mulf %gather3A_132, %sub3A_195 : vector<16xf32>
      %sub3A_209 = arith.subf %sub3A_197, %mul3A_208 : vector<16xf32>
      %mul3A_210 = arith.mulf %gather3A_132, %sub3A_197 : vector<16xf32>
      %sub3A_211 = arith.subf %sub3A_199, %mul3A_210 : vector<16xf32>
      %mul3A_212 = arith.mulf %gather3A_132, %sub3A_199 : vector<16xf32>
      %sub3A_213 = arith.subf %sub3A_201, %mul3A_212 : vector<16xf32>
      %mul3A_214 = arith.mulf %gather3A_132, %sub3A_201 : vector<16xf32>
      %sub3A_215 = arith.subf %sub3A_203, %mul3A_214 : vector<16xf32>
      %mul3A_216 = arith.mulf %gather3A_132, %sub3A_203 : vector<16xf32>
      %sub3A_217 = arith.subf %sub3A_205, %mul3A_216 : vector<16xf32>
      %mul3A_218 = arith.mulf %gather3A_132, %sub3A_207 : vector<16xf32>
      %sub3A_219 = arith.subf %sub3A_209, %mul3A_218 : vector<16xf32>
      %mul3A_220 = arith.mulf %gather3A_132, %sub3A_209 : vector<16xf32>
      %sub3A_221 = arith.subf %sub3A_211, %mul3A_220 : vector<16xf32>
      %mul3A_222 = arith.mulf %gather3A_132, %sub3A_211 : vector<16xf32>
      %sub3A_223 = arith.subf %sub3A_213, %mul3A_222 : vector<16xf32>
      %mul3A_224 = arith.mulf %gather3A_132, %sub3A_213 : vector<16xf32>
      %sub3A_225 = arith.subf %sub3A_215, %mul3A_224 : vector<16xf32>
      %mul3A_226 = arith.mulf %gather3A_132, %sub3A_215 : vector<16xf32>
      %sub3A_227 = arith.subf %sub3A_217, %mul3A_226 : vector<16xf32>
      %mul3A_228 = arith.mulf %gather3A_132, %sub3A_219 : vector<16xf32>
      %sub3A_229 = arith.subf %sub3A_221, %mul3A_228 : vector<16xf32>
      %mul3A_230 = arith.mulf %gather3A_132, %sub3A_221 : vector<16xf32>
      %sub3A_231 = arith.subf %sub3A_223, %mul3A_230 : vector<16xf32>
      %mul3A_232 = arith.mulf %gather3A_132, %sub3A_223 : vector<16xf32>
      %sub3A_233 = arith.subf %sub3A_225, %mul3A_232 : vector<16xf32>
      %mul3A_234 = arith.mulf %gather3A_132, %sub3A_225 : vector<16xf32>
      %sub3A_235 = arith.subf %sub3A_227, %mul3A_234 : vector<16xf32>
      %mul3A_236 = arith.mulf %gather3A_132, %sub3A_229 : vector<16xf32>
      %sub3A_237 = arith.subf %sub3A_231, %mul3A_236 : vector<16xf32>
      %mul3A_238 = arith.mulf %gather3A_132, %sub3A_231 : vector<16xf32>
      %sub3A_239 = arith.subf %sub3A_233, %mul3A_238 : vector<16xf32>
      %mul3A_240 = arith.mulf %gather3A_132, %sub3A_233 : vector<16xf32>
      %sub3A_241 = arith.subf %sub3A_235, %mul3A_240 : vector<16xf32>
      %mul3A_242 = arith.mulf %gather3A_132, %sub3A_237 : vector<16xf32>
      %sub3A_243 = arith.subf %sub3A_239, %mul3A_242 : vector<16xf32>
      %mul3A_244 = arith.mulf %gather3A_132, %sub3A_239 : vector<16xf32>
      %sub3A_245 = arith.subf %sub3A_241, %mul3A_244 : vector<16xf32>
      %mul3A_246 = arith.mulf %gather3A_132, %sub3A_243 : vector<16xf32>
      %sub3A_247 = arith.subf %sub3A_245, %mul3A_246 : vector<16xf32>
      %add3A_248 = arith.constant 0 : i32
      %add3A_249 = vector.broadcast %add3A_248 : i32 to vector<16xi32>
      %add3A_250 = arith.addi %mul3A_37, %add3A_249 : vector<16xi32>
      %mul3A_251 = arith.mulf %sub3A, %div3A_136 : vector<16xf32>
      tpu.vector_store_idx %arg15[%add3A_68, %add3A_250], %mul3A_251 : memref<800x15xf32, #tpu.memory_space<vmem>>[vector<16xi32>, vector<16xi32>], vector<16xf32>,
      %add3A_252 = arith.constant 0 : i32
      %add3A_253 = vector.broadcast %add3A_252 : i32 to vector<16xi32>
      %add3A_254 = arith.addi %mul3A_37, %add3A_253 : vector<16xi32>
      %add3A_255 = arith.constant 1 : i32
      %add3A_256 = vector.broadcast %add3A_255 : i32 to vector<16xi32>
      %add3A_257 = arith.addi %add3A_254, %add3A_256 : vector<16xi32>
      %mul3A_258 = arith.mulf %sub3A_193, %div3A_136 : vector<16xf32>
      tpu.vector_store_idx %arg15[%add3A_68, %add3A_257], %mul3A_258 : memref<800x15xf32, #tpu.memory_space<vmem>>[vector<16xi32>, vector<16xi32>], vector<16xf32>,
      %add3A_259 = arith.constant 2 : i32
      %add3A_260 = vector.broadcast %add3A_259 : i32 to vector<16xi32>
      %add3A_261 = arith.addi %mul3A_37, %add3A_260 : vector<16xi32>
      %mul3A_262 = arith.mulf %sub3A_151, %div3A_136 : vector<16xf32>
      tpu.vector_store_idx %arg15[%add3A_68, %add3A_261], %mul3A_262 : memref<800x15xf32, #tpu.memory_space<vmem>>[vector<16xi32>, vector<16xi32>], vector<16xf32>,
      %add3A_263 = arith.constant 2 : i32
      %add3A_264 = vector.broadcast %add3A_263 : i32 to vector<16xi32>
      %add3A_265 = arith.addi %mul3A_37, %add3A_264 : vector<16xi32>
      %add3A_266 = arith.constant 1 : i32
      %add3A_267 = vector.broadcast %add3A_266 : i32 to vector<16xi32>
      %add3A_268 = arith.addi %add3A_265, %add3A_267 : vector<16xi32>
      %mul3A_269 = arith.mulf %sub3A_207, %div3A_136 : vector<16xf32>
      tpu.vector_store_idx %arg15[%add3A_68, %add3A_268], %mul3A_269 : memref<800x15xf32, #tpu.memory_space<vmem>>[vector<16xi32>, vector<16xi32>], vector<16xf32>,
      %add3A_270 = arith.constant 4 : i32
      %add3A_271 = vector.broadcast %add3A_270 : i32 to vector<16xi32>
      %add3A_272 = arith.addi %mul3A_37, %add3A_271 : vector<16xi32>
      %mul3A_273 = arith.mulf %sub3A_163, %div3A_136 : vector<16xf32>
      tpu.vector_store_idx %arg15[%add3A_68, %add3A_272], %mul3A_273 : memref<800x15xf32, #tpu.memory_space<vmem>>[vector<16xi32>, vector<16xi32>], vector<16xf32>,
      %add3A_274 = arith.constant 4 : i32
      %add3A_275 = vector.broadcast %add3A_274 : i32 to vector<16xi32>
      %add3A_276 = arith.addi %mul3A_37, %add3A_275 : vector<16xi32>
      %add3A_277 = arith.constant 1 : i32
      %add3A_278 = vector.broadcast %add3A_277 : i32 to vector<16xi32>
      %add3A_279 = arith.addi %add3A_276, %add3A_278 : vector<16xi32>
      %mul3A_280 = arith.mulf %sub3A_219, %div3A_136 : vector<16xf32>
      tpu.vector_store_idx %arg15[%add3A_68, %add3A_279], %mul3A_280 : memref<800x15xf32, #tpu.memory_space<vmem>>[vector<16xi32>, vector<16xi32>], vector<16xf32>,
      %add3A_281 = arith.constant 6 : i32
      %add3A_282 = vector.broadcast %add3A_281 : i32 to vector<16xi32>
      %add3A_283 = arith.addi %mul3A_37, %add3A_282 : vector<16xi32>
      %mul3A_284 = arith.mulf %sub3A_173, %div3A_136 : vector<16xf32>
      tpu.vector_store_idx %arg15[%add3A_68, %add3A_283], %mul3A_284 : memref<800x15xf32, #tpu.memory_space<vmem>>[vector<16xi32>, vector<16xi32>], vector<16xf32>,
      %add3A_285 = arith.constant 6 : i32
      %add3A_286 = vector.broadcast %add3A_285 : i32 to vector<16xi32>
      %add3A_287 = arith.addi %mul3A_37, %add3A_286 : vector<16xi32>
      %add3A_288 = arith.constant 1 : i32
      %add3A_289 = vector.broadcast %add3A_288 : i32 to vector<16xi32>
      %add3A_290 = arith.addi %add3A_287, %add3A_289 : vector<16xi32>
      %mul3A_291 = arith.mulf %sub3A_229, %div3A_136 : vector<16xf32>
      tpu.vector_store_idx %arg15[%add3A_68, %add3A_290], %mul3A_291 : memref<800x15xf32, #tpu.memory_space<vmem>>[vector<16xi32>, vector<16xi32>], vector<16xf32>,
      %add3A_292 = arith.constant 8 : i32
      %add3A_293 = vector.broadcast %add3A_292 : i32 to vector<16xi32>
      %add3A_294 = arith.addi %mul3A_37, %add3A_293 : vector<16xi32>
      %mul3A_295 = arith.mulf %sub3A_181, %div3A_136 : vector<16xf32>
      tpu.vector_store_idx %arg15[%add3A_68, %add3A_294], %mul3A_295 : memref<800x15xf32, #tpu.memory_space<vmem>>[vector<16xi32>, vector<16xi32>], vector<16xf32>,
      %add3A_296 = arith.constant 8 : i32
      %add3A_297 = vector.broadcast %add3A_296 : i32 to vector<16xi32>
      %add3A_298 = arith.addi %mul3A_37, %add3A_297 : vector<16xi32>
      %add3A_299 = arith.constant 1 : i32
      %add3A_300 = vector.broadcast %add3A_299 : i32 to vector<16xi32>
      %add3A_301 = arith.addi %add3A_298, %add3A_300 : vector<16xi32>
      %mul3A_302 = arith.mulf %sub3A_237, %div3A_136 : vector<16xf32>
      tpu.vector_store_idx %arg15[%add3A_68, %add3A_301], %mul3A_302 : memref<800x15xf32, #tpu.memory_space<vmem>>[vector<16xi32>, vector<16xi32>], vector<16xf32>,
      %add3A_303 = arith.constant 10 : i32
      %add3A_304 = vector.broadcast %add3A_303 : i32 to vector<16xi32>
      %add3A_305 = arith.addi %mul3A_37, %add3A_304 : vector<16xi32>
      %mul3A_306 = arith.mulf %sub3A_187, %div3A_136 : vector<16xf32>
      tpu.vector_store_idx %arg15[%add3A_68, %add3A_305], %mul3A_306 : memref<800x15xf32, #tpu.memory_space<vmem>>[vector<16xi32>, vector<16xi32>], vector<16xf32>,
      %add3A_307 = arith.constant 10 : i32
      %add3A_308 = vector.broadcast %add3A_307 : i32 to vector<16xi32>
      %add3A_309 = arith.addi %mul3A_37, %add3A_308 : vector<16xi32>
      %add3A_310 = arith.constant 1 : i32
      %add3A_311 = vector.broadcast %add3A_310 : i32 to vector<16xi32>
      %add3A_312 = arith.addi %add3A_309, %add3A_311 : vector<16xi32>
      %mul3A_313 = arith.mulf %sub3A_243, %div3A_136 : vector<16xf32>
      tpu.vector_store_idx %arg15[%add3A_68, %add3A_312], %mul3A_313 : memref<800x15xf32, #tpu.memory_space<vmem>>[vector<16xi32>, vector<16xi32>], vector<16xf32>,
      %add3A_314 = arith.constant 12 : i32
      %add3A_315 = vector.broadcast %add3A_314 : i32 to vector<16xi32>
      %add3A_316 = arith.addi %mul3A_37, %add3A_315 : vector<16xi32>
      %mul3A_317 = arith.mulf %sub3A_191, %div3A_136 : vector<16xf32>
      tpu.vector_store_idx %arg15[%add3A_68, %add3A_316], %mul3A_317 : memref<800x15xf32, #tpu.memory_space<vmem>>[vector<16xi32>, vector<16xi32>], vector<16xf32>,
      %add3A_318 = arith.constant 12 : i32
      %add3A_319 = vector.broadcast %add3A_318 : i32 to vector<16xi32>
      %add3A_320 = arith.addi %mul3A_37, %add3A_319 : vector<16xi32>
      %add3A_321 = arith.constant 1 : i32
      %add3A_322 = vector.broadcast %add3A_321 : i32 to vector<16xi32>
      %add3A_323 = arith.addi %add3A_320, %add3A_322 : vector<16xi32>
      %mul3A_324 = arith.mulf %sub3A_247, %div3A_136 : vector<16xf32>
      tpu.vector_store_idx %arg15[%add3A_68, %add3A_323], %mul3A_324 : memref<800x15xf32, #tpu.memory_space<vmem>>[vector<16xi32>, vector<16xi32>], vector<16xf32>,
      %add3A_325 = arith.constant 14 : i32
      %add3A_326 = vector.broadcast %add3A_325 : i32 to vector<16xi32>
      %add3A_327 = arith.addi %mul3A_37, %add3A_326 : vector<16xi32>
      %mul3A_328 = arith.constant 2.500000e-03 : f32
      %mul3A_329 = vector.broadcast %mul3A_328 : f32 to vector<16xf32>
      %mul3A_330 = arith.mulf %gather3A_127, %mul3A_329 : vector<16xf32>
      tpu.vector_store_idx %arg15[%add3A_68, %add3A_327], %mul3A_330 : memref<800x15xf32, #tpu.memory_space<vmem>>[vector<16xi32>, vector<16xi32>], vector<16xf32>,
      %scan3A_331 = arith.constant 0 : i32
      scf.yield %scan3A_331 : i32
    }
    %scan3A_62 = arith.constant 50 : i32
    "tpu.region"() ({
      %run_scoped3A = tpu.sem_alloc : memref<!tpu.dma_semaphore, #tpu.memory_space<semaphore_mem>>
      %dma_start3A = arith.constant 800 : i32
      %dma_start3A_63 = arith.constant 0 : i32
      %dma_start3A_64 = tpu.memref_slice %arg7[%arg0, %arg1, %dma_start3A, %dma_start3A_63] : memref<2x16x1600x15xf32, #tpu.memory_space<hbm>> -> memref<1x1x800x15xf32, #tpu.memory_space<hbm>>
      %dma_start3A_65 = tpu.memref_squeeze %dma_start3A_64 : memref<1x1x800x15xf32, #tpu.memory_space<hbm>> -> memref<800x15xf32, #tpu.memory_space<hbm>>
      %dma_start3A_66 = arith.constant 800 : i32
      %dma_start3A_67 = arith.constant 0 : i32
      %dma_start3A_68 = tpu.memref_slice %arg7[%arg0, %arg1, %dma_start3A_66, %dma_start3A_67] : memref<2x16x1600x15xf32, #tpu.memory_space<hbm>> -> memref<1x1x800x15xf32, #tpu.memory_space<hbm>>
      %dma_start3A_69 = tpu.memref_squeeze %dma_start3A_68 : memref<1x1x800x15xf32, #tpu.memory_space<hbm>> -> memref<800x15xf32, #tpu.memory_space<hbm>>
      tpu.enqueue_dma source(%arg15 : memref<800x15xf32, #tpu.memory_space<vmem>>) target(%dma_start3A_69 : memref<800x15xf32, #tpu.memory_space<hbm>>) target_semaphore(%run_scoped3A : memref<!tpu.dma_semaphore, #tpu.memory_space<semaphore_mem>>)
      %dma_wait3A = arith.constant 800 : i32
      %dma_wait3A_70 = arith.constant 0 : i32
      %dma_wait3A_71 = tpu.memref_slice %arg7[%arg0, %arg1, %dma_wait3A, %dma_wait3A_70] : memref<2x16x1600x15xf32, #tpu.memory_space<hbm>> -> memref<1x1x800x15xf32, #tpu.memory_space<hbm>>
      %dma_wait3A_72 = tpu.memref_squeeze %dma_wait3A_71 : memref<1x1x800x15xf32, #tpu.memory_space<hbm>> -> memref<800x15xf32, #tpu.memory_space<hbm>>
      %dma_wait3A_73 = arith.constant 800 : i32
      %dma_wait3A_74 = arith.constant 0 : i32
      %dma_wait3A_75 = tpu.memref_slice %arg7[%arg0, %arg1, %dma_wait3A_73, %dma_wait3A_74] : memref<2x16x1600x15xf32, #tpu.memory_space<hbm>> -> memref<1x1x800x15xf32, #tpu.memory_space<hbm>>
      %dma_wait3A_76 = tpu.memref_squeeze %dma_wait3A_75 : memref<1x1x800x15xf32, #tpu.memory_space<hbm>> -> memref<800x15xf32, #tpu.memory_space<hbm>>
      tpu.wait_dma2 semaphore(%run_scoped3A : memref<!tpu.dma_semaphore, #tpu.memory_space<semaphore_mem>>) src(%arg15 : memref<800x15xf32, #tpu.memory_space<vmem>>) dst(%dma_wait3A_76 : memref<800x15xf32, #tpu.memory_space<hbm>>)
      tpu.yield
    }) : () -> ()
    return
  }
}

#map = affine_map<(d0, d1) -> (0)>
#map1 = affine_map<(d0, d1) -> (0, 0)>
#map2 = affine_map<(d0, d1) -> (0, 0, 0, 0)>
module attributes {stable_mosaic.version = 14 : i64} {
  func.func @body(%arg0: i32, %arg1: i32, %arg2: memref<12800000xf32, #tpu.memory_space<hbm>>, %arg3: memref<6400000xi32, #tpu.memory_space<hbm>>, %arg4: memref<3200xi32, #tpu.memory_space<hbm>>, %arg5: memref<3200xi32, #tpu.memory_space<hbm>>, %arg6: memref<102400x2xf32, #tpu.memory_space<hbm>>, %arg7: memref<2x16x1600x15xf32, #tpu.memory_space<hbm>>, %arg8: memref<2000xi32, #tpu.memory_space<vmem>>, %arg9: memref<2000xi32, #tpu.memory_space<vmem>>, %arg10: memref<4000xf32, #tpu.memory_space<vmem>>, %arg11: memref<2000x16xf32, #tpu.memory_space<vmem>>, %arg12: memref<3216xi32, #tpu.memory_space<vmem>>, %arg13: memref<3216xi32, #tpu.memory_space<vmem>>, %arg14: memref<800x16xf32, #tpu.memory_space<vmem>>, %arg15: memref<800x15xf32, #tpu.memory_space<vmem>>, %arg16: memref<800x2xf32, #tpu.memory_space<vmem>>, %arg17: memref<25600x16xf32, #tpu.memory_space<vmem_shared>>) attributes {dimension_semantics = [#tpu.dimension_semantics<core_parallel>, #tpu.dimension_semantics<subcore_parallel>], iteration_bounds = array<i64: 2, 16>, scalar_prefetch = 0 : i64, scratch_operands = 10 : i64, tpu.core_type = #tpu.core_type<sc_vector_subcore>, window_params = [{transform_indices = #map}, {transform_indices = #map}, {transform_indices = #map}, {transform_indices = #map}, {transform_indices = #map1}, {transform_indices = #map2}]} {
    %add3A = arith.constant 0 : i32
    %add3A_0 = arith.addi %add3A, %arg0 : i32
    %mul3A = arith.constant 25000 : i32
    %mul3A_1 = arith.muli %add3A_0, %mul3A : i32
    %add3A_2 = arith.constant 25000 : i32
    %add3A_3 = arith.addi %mul3A_1, %add3A_2 : i32
    %iota3A = tpu.iota {dimensions = array<i32: 0>} : vector<16xi32>
    %and3A = arith.constant 1 : i32
    %and3A_4 = vector.broadcast %and3A : i32 to vector<16xi32>
    %and3A_5 = arith.andi %iota3A, %and3A_4 : vector<16xi32>
    %broadcast_in_dim3A = arith.constant 0.000000e+00 : f32
    %broadcast_in_dim3A_6 = vector.broadcast %broadcast_in_dim3A : f32 to vector<16xf32>
    %scan3A = arith.constant 0 : i32
    %scan3A_7 = arith.constant 0 : i32
    %scan3A_8 = arith.constant 2000 : i32
    %scan3A_9 = arith.addi %scan3A_7, %scan3A_8 : i32
    %scan3A_10 = arith.constant 1 : i32
    %scan3A_11 = scf.for %scan3A_63 = %scan3A_7 to %scan3A_9 step %scan3A_10 iter_args(%scan3A_64 = %scan3A) -> (i32)  : i32 {
      %swap3A = arith.index_cast %scan3A_63 : i32 to index
      %swap3A_65 = arith.constant 0 : index
      %swap3A_66 = tpu.vector_load %arg11[%swap3A, %swap3A_65] {strides = array<i32>} : memref<2000x16xf32, #tpu.memory_space<vmem>>, vector<16xf32>,
      tpu.vector_store %arg11[%swap3A, %swap3A_65], %broadcast_in_dim3A_6 {strides = array<i32>} : memref<2000x16xf32, #tpu.memory_space<vmem>>, vector<16xf32>,
      %scan3A_67 = arith.constant 0 : i32
      scf.yield %scan3A_67 : i32
    }
    %scan3A_12 = arith.constant 2000 : i32
    %mul3A_13 = arith.constant 1600 : i32
    %mul3A_14 = arith.muli %arg1, %mul3A_13 : i32
    "tpu.region"() ({
      %run_scoped3A = tpu.sem_alloc : memref<!tpu.dma_semaphore, #tpu.memory_space<semaphore_mem>>
      %dma_start3A = arith.constant 0 : i32
      %dma_start3A_63 = arith.constant 0 : i32
      %dma_start3A_64 = tpu.memref_slice %arg11[%dma_start3A, %dma_start3A_63] : memref<2000x16xf32, #tpu.memory_space<vmem>> -> memref<1600x16xf32, #tpu.memory_space<vmem>>
      %dma_start3A_65 = arith.constant 0 : i32
      %dma_start3A_66 = tpu.memref_slice %arg17[%mul3A_14, %dma_start3A_65] : memref<25600x16xf32, #tpu.memory_space<vmem_shared>> -> memref<1600x16xf32, #tpu.memory_space<vmem_shared>>
      %dma_start3A_67 = arith.constant 0 : i32
      %dma_start3A_68 = tpu.memref_slice %arg17[%mul3A_14, %dma_start3A_67] : memref<25600x16xf32, #tpu.memory_space<vmem_shared>> -> memref<1600x16xf32, #tpu.memory_space<vmem_shared>>
      %dma_start3A_69 = arith.constant 0 : i32
      %dma_start3A_70 = arith.constant 0 : i32
      %dma_start3A_71 = tpu.memref_slice %arg11[%dma_start3A_69, %dma_start3A_70] : memref<2000x16xf32, #tpu.memory_space<vmem>> -> memref<1600x16xf32, #tpu.memory_space<vmem>>
      tpu.enqueue_dma source(%dma_start3A_71 : memref<1600x16xf32, #tpu.memory_space<vmem>>) target(%dma_start3A_68 : memref<1600x16xf32, #tpu.memory_space<vmem_shared>>) target_semaphore(%run_scoped3A : memref<!tpu.dma_semaphore, #tpu.memory_space<semaphore_mem>>)
      %dma_wait3A = arith.constant 0 : i32
      %dma_wait3A_72 = arith.constant 0 : i32
      %dma_wait3A_73 = tpu.memref_slice %arg11[%dma_wait3A, %dma_wait3A_72] : memref<2000x16xf32, #tpu.memory_space<vmem>> -> memref<1600x16xf32, #tpu.memory_space<vmem>>
      %dma_wait3A_74 = arith.constant 0 : i32
      %dma_wait3A_75 = tpu.memref_slice %arg17[%mul3A_14, %dma_wait3A_74] : memref<25600x16xf32, #tpu.memory_space<vmem_shared>> -> memref<1600x16xf32, #tpu.memory_space<vmem_shared>>
      %dma_wait3A_76 = arith.constant 0 : i32
      %dma_wait3A_77 = tpu.memref_slice %arg17[%mul3A_14, %dma_wait3A_76] : memref<25600x16xf32, #tpu.memory_space<vmem_shared>> -> memref<1600x16xf32, #tpu.memory_space<vmem_shared>>
      %dma_wait3A_78 = arith.constant 0 : i32
      %dma_wait3A_79 = arith.constant 0 : i32
      %dma_wait3A_80 = tpu.memref_slice %arg11[%dma_wait3A_78, %dma_wait3A_79] : memref<2000x16xf32, #tpu.memory_space<vmem>> -> memref<1600x16xf32, #tpu.memory_space<vmem>>
      tpu.wait_dma2 semaphore(%run_scoped3A : memref<!tpu.dma_semaphore, #tpu.memory_space<semaphore_mem>>) src(%dma_wait3A_80 : memref<1600x16xf32, #tpu.memory_space<vmem>>) dst(%dma_wait3A_77 : memref<1600x16xf32, #tpu.memory_space<vmem_shared>>)
      tpu.yield
    }) : () -> ()
    %eq3A = arith.constant 14 : i32
    %eq3A_15 = vector.broadcast %eq3A : i32 to vector<16xi32>
    %eq3A_16 = arith.cmpi eq, %iota3A, %eq3A_15 : vector<16xi32>
    %jit3A = arith.constant 1.000000e+00 : f32
    %jit3A_17 = arith.constant 0.000000e+00 : f32
    %broadcast_in_dim3A_18 = vector.broadcast %jit3A : f32 to vector<16xf32>
    %broadcast_in_dim3A_19 = vector.broadcast %jit3A_17 : f32 to vector<16xf32>
    %select_n3A = arith.select %eq3A_16, %broadcast_in_dim3A_18, %broadcast_in_dim3A_19 : vector<16xi1>, vector<16xf32>
    %scan3A_20 = arith.constant 0 : i32
    %scan3A_21 = arith.constant 0 : i32
    %scan3A_22 = arith.constant 2000 : i32
    %scan3A_23 = arith.addi %scan3A_21, %scan3A_22 : i32
    %scan3A_24 = arith.constant 1 : i32
    %scan3A_25 = scf.for %scan3A_63 = %scan3A_21 to %scan3A_23 step %scan3A_24 iter_args(%scan3A_64 = %scan3A_20) -> (i32)  : i32 {
      %swap3A = arith.index_cast %scan3A_63 : i32 to index
      %swap3A_65 = arith.constant 0 : index
      %swap3A_66 = tpu.vector_load %arg11[%swap3A, %swap3A_65] {strides = array<i32>} : memref<2000x16xf32, #tpu.memory_space<vmem>>, vector<16xf32>,
      tpu.vector_store %arg11[%swap3A, %swap3A_65], %select_n3A {strides = array<i32>} : memref<2000x16xf32, #tpu.memory_space<vmem>>, vector<16xf32>,
      %scan3A_67 = arith.constant 0 : i32
      scf.yield %scan3A_67 : i32
    }
    %scan3A_26 = arith.constant 2000 : i32
    "tpu.region"() ({
      %run_scoped3A = tpu.sem_alloc : memref<!tpu.dma_semaphore, #tpu.memory_space<semaphore_mem>>
      %dma_start3A = arith.constant 0 : i32
      %dma_start3A_63 = tpu.memref_slice %arg12[%dma_start3A] : memref<3216xi32, #tpu.memory_space<vmem>> -> memref<3200xi32, #tpu.memory_space<vmem>>
      %dma_start3A_64 = arith.constant 0 : i32
      %dma_start3A_65 = tpu.memref_slice %arg12[%dma_start3A_64] : memref<3216xi32, #tpu.memory_space<vmem>> -> memref<3200xi32, #tpu.memory_space<vmem>>
      tpu.enqueue_dma source(%arg4 : memref<3200xi32, #tpu.memory_space<hbm>>) target(%dma_start3A_65 : memref<3200xi32, #tpu.memory_space<vmem>>) target_semaphore(%run_scoped3A : memref<!tpu.dma_semaphore, #tpu.memory_space<semaphore_mem>>)
      %dma_wait3A = arith.constant 0 : i32
      %dma_wait3A_66 = tpu.memref_slice %arg12[%dma_wait3A] : memref<3216xi32, #tpu.memory_space<vmem>> -> memref<3200xi32, #tpu.memory_space<vmem>>
      %dma_wait3A_67 = arith.constant 0 : i32
      %dma_wait3A_68 = tpu.memref_slice %arg12[%dma_wait3A_67] : memref<3216xi32, #tpu.memory_space<vmem>> -> memref<3200xi32, #tpu.memory_space<vmem>>
      tpu.wait_dma2 semaphore(%run_scoped3A : memref<!tpu.dma_semaphore, #tpu.memory_space<semaphore_mem>>) src(%arg4 : memref<3200xi32, #tpu.memory_space<hbm>>) dst(%dma_wait3A_68 : memref<3200xi32, #tpu.memory_space<vmem>>)
      tpu.yield
    }) : () -> ()
    "tpu.region"() ({
      %run_scoped3A = tpu.sem_alloc : memref<!tpu.dma_semaphore, #tpu.memory_space<semaphore_mem>>
      %dma_start3A = arith.constant 0 : i32
      %dma_start3A_63 = tpu.memref_slice %arg13[%dma_start3A] : memref<3216xi32, #tpu.memory_space<vmem>> -> memref<3200xi32, #tpu.memory_space<vmem>>
      %dma_start3A_64 = arith.constant 0 : i32
      %dma_start3A_65 = tpu.memref_slice %arg13[%dma_start3A_64] : memref<3216xi32, #tpu.memory_space<vmem>> -> memref<3200xi32, #tpu.memory_space<vmem>>
      tpu.enqueue_dma source(%arg5 : memref<3200xi32, #tpu.memory_space<hbm>>) target(%dma_start3A_65 : memref<3200xi32, #tpu.memory_space<vmem>>) target_semaphore(%run_scoped3A : memref<!tpu.dma_semaphore, #tpu.memory_space<semaphore_mem>>)
      %dma_wait3A = arith.constant 0 : i32
      %dma_wait3A_66 = tpu.memref_slice %arg13[%dma_wait3A] : memref<3216xi32, #tpu.memory_space<vmem>> -> memref<3200xi32, #tpu.memory_space<vmem>>
      %dma_wait3A_67 = arith.constant 0 : i32
      %dma_wait3A_68 = tpu.memref_slice %arg13[%dma_wait3A_67] : memref<3216xi32, #tpu.memory_space<vmem>> -> memref<3200xi32, #tpu.memory_space<vmem>>
      tpu.wait_dma2 semaphore(%run_scoped3A : memref<!tpu.dma_semaphore, #tpu.memory_space<semaphore_mem>>) src(%arg5 : memref<3200xi32, #tpu.memory_space<hbm>>) dst(%dma_wait3A_68 : memref<3200xi32, #tpu.memory_space<vmem>>)
      tpu.yield
    }) : () -> ()
    %barrier3A = arith.constant 0 : index
    tpu.barrier barrier_id(%barrier3A)
    %scan3A_27 = arith.constant 0 : i32
    %scan3A_28 = arith.constant 0 : i32
    %scan3A_29 = arith.constant 200 : i32
    %scan3A_30 = arith.addi %scan3A_28, %scan3A_29 : i32
    %scan3A_31 = arith.constant 1 : i32
    %scan3A_32 = scf.for %scan3A_63 = %scan3A_28 to %scan3A_30 step %scan3A_31 iter_args(%scan3A_64 = %scan3A_27) -> (i32)  : i32 {
      %mul3A_65 = arith.constant 16 : i32
      %mul3A_66 = arith.muli %scan3A_63, %mul3A_65 : i32
      %add3A_67 = arith.addi %mul3A_66, %arg1 : i32
      %get3A = arith.index_cast %add3A_67 : i32 to index
      %get3A_68 = tpu.vector_load %arg12[%get3A] {strides = array<i32>} : memref<3216xi32, #tpu.memory_space<vmem>>, vector<16xi32>,
      %slice3A = vector.extract_strided_slice %get3A_68 {offsets = [0], sizes = [1], strides = [1]} : vector<16xi32> to vector<1xi32>
      %squeeze3A = vector.extract %slice3A[0] : i32 from vector<1xi32>
      %get3A_69 = arith.index_cast %add3A_67 : i32 to index
      %get3A_70 = tpu.vector_load %arg13[%get3A_69] {strides = array<i32>} : memref<3216xi32, #tpu.memory_space<vmem>>, vector<16xi32>,
      %slice3A_71 = vector.extract_strided_slice %get3A_70 {offsets = [0], sizes = [1], strides = [1]} : vector<16xi32> to vector<1xi32>
      %squeeze3A_72 = vector.extract %slice3A_71[0] : i32 from vector<1xi32>
      %lt3A = arith.cmpi slt, %squeeze3A, %add3A_3 : i32
      %ge3A = arith.cmpi sge, %squeeze3A_72, %mul3A_1 : i32
      %and3A_73 = arith.andi %lt3A, %ge3A : i1
      %convert_element_type3A = arith.extui %and3A_73 : i1 to i32
      %cond3A = arith.constant 0 : i32
      %cond3A_74 = arith.cmpi ne, %convert_element_type3A, %cond3A : i32
      scf.if %cond3A_74 {
        %mul3A_76 = arith.constant 2000 : i32
        %mul3A_77 = arith.muli %add3A_67, %mul3A_76 : i32
        %multiple_of3A_78 = tpu.assume_multiple %mul3A_77, 8 : i32
        "tpu.region"() ({
          %run_scoped3A = tpu.sem_alloc : memref<!tpu.dma_semaphore, #tpu.memory_space<semaphore_mem>>
          %dma_start3A = tpu.memref_slice %arg3[%multiple_of3A_78] : memref<6400000xi32, #tpu.memory_space<hbm>> -> memref<2000xi32, #tpu.memory_space<hbm>>
          %dma_start3A_95 = tpu.memref_slice %arg3[%multiple_of3A_78] : memref<6400000xi32, #tpu.memory_space<hbm>> -> memref<2000xi32, #tpu.memory_space<hbm>>
          tpu.enqueue_dma source(%dma_start3A_95 : memref<2000xi32, #tpu.memory_space<hbm>>) target(%arg8 : memref<2000xi32, #tpu.memory_space<vmem>>) target_semaphore(%run_scoped3A : memref<!tpu.dma_semaphore, #tpu.memory_space<semaphore_mem>>)
          %dma_wait3A = tpu.memref_slice %arg3[%multiple_of3A_78] : memref<6400000xi32, #tpu.memory_space<hbm>> -> memref<2000xi32, #tpu.memory_space<hbm>>
          %dma_wait3A_96 = tpu.memref_slice %arg3[%multiple_of3A_78] : memref<6400000xi32, #tpu.memory_space<hbm>> -> memref<2000xi32, #tpu.memory_space<hbm>>
          tpu.wait_dma2 semaphore(%run_scoped3A : memref<!tpu.dma_semaphore, #tpu.memory_space<semaphore_mem>>) src(%dma_wait3A_96 : memref<2000xi32, #tpu.memory_space<hbm>>) dst(%arg8 : memref<2000xi32, #tpu.memory_space<vmem>>)
          tpu.yield
        }) : () -> ()
        %mul3A_79 = arith.constant 2 : i32
        %mul3A_80 = arith.muli %multiple_of3A_78, %mul3A_79 : i32
        "tpu.region"() ({
          %run_scoped3A = tpu.sem_alloc : memref<!tpu.dma_semaphore, #tpu.memory_space<semaphore_mem>>
          %dma_start3A = tpu.memref_slice %arg2[%mul3A_80] : memref<12800000xf32, #tpu.memory_space<hbm>> -> memref<4000xf32, #tpu.memory_space<hbm>>
          %dma_start3A_95 = tpu.memref_slice %arg2[%mul3A_80] : memref<12800000xf32, #tpu.memory_space<hbm>> -> memref<4000xf32, #tpu.memory_space<hbm>>
          tpu.enqueue_dma source(%dma_start3A_95 : memref<4000xf32, #tpu.memory_space<hbm>>) target(%arg10 : memref<4000xf32, #tpu.memory_space<vmem>>) target_semaphore(%run_scoped3A : memref<!tpu.dma_semaphore, #tpu.memory_space<semaphore_mem>>)
          %dma_wait3A = tpu.memref_slice %arg2[%mul3A_80] : memref<12800000xf32, #tpu.memory_space<hbm>> -> memref<4000xf32, #tpu.memory_space<hbm>>
          %dma_wait3A_96 = tpu.memref_slice %arg2[%mul3A_80] : memref<12800000xf32, #tpu.memory_space<hbm>> -> memref<4000xf32, #tpu.memory_space<hbm>>
          tpu.wait_dma2 semaphore(%run_scoped3A : memref<!tpu.dma_semaphore, #tpu.memory_space<semaphore_mem>>) src(%dma_wait3A_96 : memref<4000xf32, #tpu.memory_space<hbm>>) dst(%arg10 : memref<4000xf32, #tpu.memory_space<vmem>>)
          tpu.yield
        }) : () -> ()
        %scan3A_81 = arith.constant 0 : i32
        %scan3A_82 = arith.constant 0 : i32
        %scan3A_83 = arith.constant 125 : i32
        %scan3A_84 = arith.addi %scan3A_82, %scan3A_83 : i32
        %scan3A_85 = arith.constant 1 : i32
        %scan3A_86 = scf.for %scan3A_95 = %scan3A_82 to %scan3A_84 step %scan3A_85 iter_args(%scan3A_96 = %scan3A_81) -> (i32)  : i32 {
          %mul3A_97 = arith.constant 16 : i32
          %mul3A_98 = arith.muli %scan3A_95, %mul3A_97 : i32
          %get3A_99 = arith.index_cast %mul3A_98 : i32 to index
          %get3A_100 = tpu.vector_load %arg8[%get3A_99] {strides = array<i32>} : memref<2000xi32, #tpu.memory_space<vmem>>, vector<16xi32>,
          %sub3A = vector.broadcast %mul3A_1 : i32 to vector<16xi32>
          %sub3A_101 = arith.subi %get3A_100, %sub3A : vector<16xi32>
          %ge3A_102 = arith.constant 0 : i32
          %ge3A_103 = vector.broadcast %ge3A_102 : i32 to vector<16xi32>
          %ge3A_104 = arith.cmpi sge, %sub3A_101, %ge3A_103 : vector<16xi32>
          %lt3A_105 = arith.constant 25000 : i32
          %lt3A_106 = vector.broadcast %lt3A_105 : i32 to vector<16xi32>
          %lt3A_107 = arith.cmpi slt, %sub3A_101, %lt3A_106 : vector<16xi32>
          %and3A_108 = arith.andi %ge3A_104, %lt3A_107 : vector<16xi1>
          %jit3A_109 = arith.constant 25599 : i32
          %broadcast_in_dim3A_110 = vector.broadcast %jit3A_109 : i32 to vector<16xi32>
          %select_n3A_111 = arith.select %and3A_108, %sub3A_101, %broadcast_in_dim3A_110 : vector<16xi1>, vector<16xi32>
          %mul3A_112 = arith.constant 16 : i32
          %mul3A_113 = arith.muli %scan3A_95, %mul3A_112 : i32
          %swap3A = arith.index_cast %mul3A_113 : i32 to index
          %swap3A_114 = tpu.vector_load %arg9[%swap3A] {strides = array<i32>} : memref<2000xi32, #tpu.memory_space<vmem>>, vector<16xi32>,
          tpu.vector_store %arg9[%swap3A], %select_n3A_111 {strides = array<i32>} : memref<2000xi32, #tpu.memory_space<vmem>>, vector<16xi32>,
          %scan3A_115 = arith.constant 0 : i32
          scf.yield %scan3A_115 : i32
        }
        %scan3A_87 = arith.constant 125 : i32
        %scan3A_88 = arith.constant 0 : i32
        %scan3A_89 = arith.constant 0 : i32
        %scan3A_90 = arith.constant 125 : i32
        %scan3A_91 = arith.addi %scan3A_89, %scan3A_90 : i32
        %scan3A_92 = arith.constant 1 : i32
        %scan3A_93 = scf.for %scan3A_95 = %scan3A_89 to %scan3A_91 step %scan3A_92 iter_args(%scan3A_96 = %scan3A_88) -> (i32)  : i32 {
          %mul3A_97 = arith.constant 2 : i32
          %mul3A_98 = arith.muli %scan3A_95, %mul3A_97 : i32
          %mul3A_99 = arith.constant 16 : i32
          %mul3A_100 = arith.muli %mul3A_98, %mul3A_99 : i32
          %get3A_101 = arith.index_cast %mul3A_100 : i32 to index
          %get3A_102 = tpu.vector_load %arg10[%get3A_101] {strides = array<i32>} : memref<4000xf32, #tpu.memory_space<vmem>>, vector<16xf32>,
          %shift_right_arithmetic3A = arith.constant 1 : i32
          %shift_right_arithmetic3A_103 = vector.broadcast %shift_right_arithmetic3A : i32 to vector<16xi32>
          %shift_right_arithmetic3A_104 = arith.shrsi %iota3A, %shift_right_arithmetic3A_103 : vector<16xi32>
          %mul3A_105 = arith.constant 8 : i32
          %mul3A_106 = arith.muli %mul3A_98, %mul3A_105 : i32
          %add3A_107 = vector.broadcast %mul3A_106 : i32 to vector<16xi32>
          %add3A_108 = arith.addi %shift_right_arithmetic3A_104, %add3A_107 : vector<16xi32>
          %mul3A_109 = arith.constant 7 : i32
          %mul3A_110 = vector.broadcast %mul3A_109 : i32 to vector<16xi32>
          %mul3A_111 = arith.muli %and3A_5, %mul3A_110 : vector<16xi32>
          tpu.vector_store_idx %arg11[%add3A_108, %mul3A_111], %get3A_102 : memref<2000x16xf32, #tpu.memory_space<vmem>>[vector<16xi32>, vector<16xi32>], vector<16xf32>,
          %mul3A_112 = arith.mulf %get3A_102, %get3A_102 : vector<16xf32>
          %mul3A_113 = arith.constant 7 : i32
          %mul3A_114 = vector.broadcast %mul3A_113 : i32 to vector<16xi32>
          %mul3A_115 = arith.muli %and3A_5, %mul3A_114 : vector<16xi32>
          %add3A_116 = arith.constant 1 : i32
          %add3A_117 = vector.broadcast %add3A_116 : i32 to vector<16xi32>
          %add3A_118 = arith.addi %mul3A_115, %add3A_117 : vector<16xi32>
          tpu.vector_store_idx %arg11[%add3A_108, %add3A_118], %mul3A_112 : memref<2000x16xf32, #tpu.memory_space<vmem>>[vector<16xi32>, vector<16xi32>], vector<16xf32>,
          %mul3A_119 = arith.mulf %mul3A_112, %get3A_102 : vector<16xf32>
          %mul3A_120 = arith.constant 7 : i32
          %mul3A_121 = vector.broadcast %mul3A_120 : i32 to vector<16xi32>
          %mul3A_122 = arith.muli %and3A_5, %mul3A_121 : vector<16xi32>
          %add3A_123 = arith.constant 2 : i32
          %add3A_124 = vector.broadcast %add3A_123 : i32 to vector<16xi32>
          %add3A_125 = arith.addi %mul3A_122, %add3A_124 : vector<16xi32>
          tpu.vector_store_idx %arg11[%add3A_108, %add3A_125], %mul3A_119 : memref<2000x16xf32, #tpu.memory_space<vmem>>[vector<16xi32>, vector<16xi32>], vector<16xf32>,
          %mul3A_126 = arith.mulf %mul3A_119, %get3A_102 : vector<16xf32>
          %mul3A_127 = arith.constant 7 : i32
          %mul3A_128 = vector.broadcast %mul3A_127 : i32 to vector<16xi32>
          %mul3A_129 = arith.muli %and3A_5, %mul3A_128 : vector<16xi32>
          %add3A_130 = arith.constant 3 : i32
          %add3A_131 = vector.broadcast %add3A_130 : i32 to vector<16xi32>
          %add3A_132 = arith.addi %mul3A_129, %add3A_131 : vector<16xi32>
          tpu.vector_store_idx %arg11[%add3A_108, %add3A_132], %mul3A_126 : memref<2000x16xf32, #tpu.memory_space<vmem>>[vector<16xi32>, vector<16xi32>], vector<16xf32>,
          %mul3A_133 = arith.mulf %mul3A_126, %get3A_102 : vector<16xf32>
          %mul3A_134 = arith.constant 7 : i32
          %mul3A_135 = vector.broadcast %mul3A_134 : i32 to vector<16xi32>
          %mul3A_136 = arith.muli %and3A_5, %mul3A_135 : vector<16xi32>
          %add3A_137 = arith.constant 4 : i32
          %add3A_138 = vector.broadcast %add3A_137 : i32 to vector<16xi32>
          %add3A_139 = arith.addi %mul3A_136, %add3A_138 : vector<16xi32>
          tpu.vector_store_idx %arg11[%add3A_108, %add3A_139], %mul3A_133 : memref<2000x16xf32, #tpu.memory_space<vmem>>[vector<16xi32>, vector<16xi32>], vector<16xf32>,
          %mul3A_140 = arith.mulf %mul3A_133, %get3A_102 : vector<16xf32>
          %mul3A_141 = arith.constant 7 : i32
          %mul3A_142 = vector.broadcast %mul3A_141 : i32 to vector<16xi32>
          %mul3A_143 = arith.muli %and3A_5, %mul3A_142 : vector<16xi32>
          %add3A_144 = arith.constant 5 : i32
          %add3A_145 = vector.broadcast %add3A_144 : i32 to vector<16xi32>
          %add3A_146 = arith.addi %mul3A_143, %add3A_145 : vector<16xi32>
          tpu.vector_store_idx %arg11[%add3A_108, %add3A_146], %mul3A_140 : memref<2000x16xf32, #tpu.memory_space<vmem>>[vector<16xi32>, vector<16xi32>], vector<16xf32>,
          %mul3A_147 = arith.mulf %mul3A_140, %get3A_102 : vector<16xf32>
          %mul3A_148 = arith.constant 7 : i32
          %mul3A_149 = vector.broadcast %mul3A_148 : i32 to vector<16xi32>
          %mul3A_150 = arith.muli %and3A_5, %mul3A_149 : vector<16xi32>
          %add3A_151 = arith.constant 6 : i32
          %add3A_152 = vector.broadcast %add3A_151 : i32 to vector<16xi32>
          %add3A_153 = arith.addi %mul3A_150, %add3A_152 : vector<16xi32>
          tpu.vector_store_idx %arg11[%add3A_108, %add3A_153], %mul3A_147 : memref<2000x16xf32, #tpu.memory_space<vmem>>[vector<16xi32>, vector<16xi32>], vector<16xf32>,
          %mul3A_154 = arith.constant 2 : i32
          %mul3A_155 = arith.muli %scan3A_95, %mul3A_154 : i32
          %add3A_156 = arith.constant 1 : i32
          %add3A_157 = arith.addi %mul3A_155, %add3A_156 : i32
          %mul3A_158 = arith.constant 16 : i32
          %mul3A_159 = arith.muli %add3A_157, %mul3A_158 : i32
          %get3A_160 = arith.index_cast %mul3A_159 : i32 to index
          %get3A_161 = tpu.vector_load %arg10[%get3A_160] {strides = array<i32>} : memref<4000xf32, #tpu.memory_space<vmem>>, vector<16xf32>,
          %shift_right_arithmetic3A_162 = arith.constant 1 : i32
          %shift_right_arithmetic3A_163 = vector.broadcast %shift_right_arithmetic3A_162 : i32 to vector<16xi32>
          %shift_right_arithmetic3A_164 = arith.shrsi %iota3A, %shift_right_arithmetic3A_163 : vector<16xi32>
          %mul3A_165 = arith.constant 8 : i32
          %mul3A_166 = arith.muli %add3A_157, %mul3A_165 : i32
          %add3A_167 = vector.broadcast %mul3A_166 : i32 to vector<16xi32>
          %add3A_168 = arith.addi %shift_right_arithmetic3A_164, %add3A_167 : vector<16xi32>
          %mul3A_169 = arith.constant 7 : i32
          %mul3A_170 = vector.broadcast %mul3A_169 : i32 to vector<16xi32>
          %mul3A_171 = arith.muli %and3A_5, %mul3A_170 : vector<16xi32>
          tpu.vector_store_idx %arg11[%add3A_168, %mul3A_171], %get3A_161 : memref<2000x16xf32, #tpu.memory_space<vmem>>[vector<16xi32>, vector<16xi32>], vector<16xf32>,
          %mul3A_172 = arith.mulf %get3A_161, %get3A_161 : vector<16xf32>
          %mul3A_173 = arith.constant 7 : i32
          %mul3A_174 = vector.broadcast %mul3A_173 : i32 to vector<16xi32>
          %mul3A_175 = arith.muli %and3A_5, %mul3A_174 : vector<16xi32>
          %add3A_176 = arith.constant 1 : i32
          %add3A_177 = vector.broadcast %add3A_176 : i32 to vector<16xi32>
          %add3A_178 = arith.addi %mul3A_175, %add3A_177 : vector<16xi32>
          tpu.vector_store_idx %arg11[%add3A_168, %add3A_178], %mul3A_172 : memref<2000x16xf32, #tpu.memory_space<vmem>>[vector<16xi32>, vector<16xi32>], vector<16xf32>,
          %mul3A_179 = arith.mulf %mul3A_172, %get3A_161 : vector<16xf32>
          %mul3A_180 = arith.constant 7 : i32
          %mul3A_181 = vector.broadcast %mul3A_180 : i32 to vector<16xi32>
          %mul3A_182 = arith.muli %and3A_5, %mul3A_181 : vector<16xi32>
          %add3A_183 = arith.constant 2 : i32
          %add3A_184 = vector.broadcast %add3A_183 : i32 to vector<16xi32>
          %add3A_185 = arith.addi %mul3A_182, %add3A_184 : vector<16xi32>
          tpu.vector_store_idx %arg11[%add3A_168, %add3A_185], %mul3A_179 : memref<2000x16xf32, #tpu.memory_space<vmem>>[vector<16xi32>, vector<16xi32>], vector<16xf32>,
          %mul3A_186 = arith.mulf %mul3A_179, %get3A_161 : vector<16xf32>
          %mul3A_187 = arith.constant 7 : i32
          %mul3A_188 = vector.broadcast %mul3A_187 : i32 to vector<16xi32>
          %mul3A_189 = arith.muli %and3A_5, %mul3A_188 : vector<16xi32>
          %add3A_190 = arith.constant 3 : i32
          %add3A_191 = vector.broadcast %add3A_190 : i32 to vector<16xi32>
          %add3A_192 = arith.addi %mul3A_189, %add3A_191 : vector<16xi32>
          tpu.vector_store_idx %arg11[%add3A_168, %add3A_192], %mul3A_186 : memref<2000x16xf32, #tpu.memory_space<vmem>>[vector<16xi32>, vector<16xi32>], vector<16xf32>,
          %mul3A_193 = arith.mulf %mul3A_186, %get3A_161 : vector<16xf32>
          %mul3A_194 = arith.constant 7 : i32
          %mul3A_195 = vector.broadcast %mul3A_194 : i32 to vector<16xi32>
          %mul3A_196 = arith.muli %and3A_5, %mul3A_195 : vector<16xi32>
          %add3A_197 = arith.constant 4 : i32
          %add3A_198 = vector.broadcast %add3A_197 : i32 to vector<16xi32>
          %add3A_199 = arith.addi %mul3A_196, %add3A_198 : vector<16xi32>
          tpu.vector_store_idx %arg11[%add3A_168, %add3A_199], %mul3A_193 : memref<2000x16xf32, #tpu.memory_space<vmem>>[vector<16xi32>, vector<16xi32>], vector<16xf32>,
          %mul3A_200 = arith.mulf %mul3A_193, %get3A_161 : vector<16xf32>
          %mul3A_201 = arith.constant 7 : i32
          %mul3A_202 = vector.broadcast %mul3A_201 : i32 to vector<16xi32>
          %mul3A_203 = arith.muli %and3A_5, %mul3A_202 : vector<16xi32>
          %add3A_204 = arith.constant 5 : i32
          %add3A_205 = vector.broadcast %add3A_204 : i32 to vector<16xi32>
          %add3A_206 = arith.addi %mul3A_203, %add3A_205 : vector<16xi32>
          tpu.vector_store_idx %arg11[%add3A_168, %add3A_206], %mul3A_200 : memref<2000x16xf32, #tpu.memory_space<vmem>>[vector<16xi32>, vector<16xi32>], vector<16xf32>,
          %mul3A_207 = arith.mulf %mul3A_200, %get3A_161 : vector<16xf32>
          %mul3A_208 = arith.constant 7 : i32
          %mul3A_209 = vector.broadcast %mul3A_208 : i32 to vector<16xi32>
          %mul3A_210 = arith.muli %and3A_5, %mul3A_209 : vector<16xi32>
          %add3A_211 = arith.constant 6 : i32
          %add3A_212 = vector.broadcast %add3A_211 : i32 to vector<16xi32>
          %add3A_213 = arith.addi %mul3A_210, %add3A_212 : vector<16xi32>
          tpu.vector_store_idx %arg11[%add3A_168, %add3A_213], %mul3A_207 : memref<2000x16xf32, #tpu.memory_space<vmem>>[vector<16xi32>, vector<16xi32>], vector<16xf32>,
          %scan3A_214 = arith.constant 0 : i32
          scf.yield %scan3A_214 : i32
        }
        %scan3A_94 = arith.constant 125 : i32
        "tpu.region"() ({
          %run_scoped3A = tpu.sem_alloc : memref<!tpu.dma_semaphore, #tpu.memory_space<semaphore_mem>>
          %dma_start3A = arith.constant 0 : i32
          %dma_start3A_95 = arith.constant 0 : i32
          %dma_start3A_96 = tpu.memref_slice %arg17[%dma_start3A, %dma_start3A_95] : memref<25600x16xf32, #tpu.memory_space<vmem_shared>> -> memref<25600x16xf32, #tpu.memory_space<vmem_shared>>
          tpu.enqueue_indirect_dma source(%arg11 : memref<2000x16xf32, #tpu.memory_space<vmem>>) target(%dma_start3A_96 : memref<25600x16xf32, #tpu.memory_space<vmem_shared>>) offsets(%arg9 : memref<2000xi32, #tpu.memory_space<vmem>>) semaphore(%run_scoped3A : memref<!tpu.dma_semaphore, #tpu.memory_space<semaphore_mem>>) {add = true}
          %dma_wait3A = arith.constant 0 : i32
          %dma_wait3A_97 = arith.constant 0 : i32
          %dma_wait3A_98 = tpu.memref_slice %arg17[%dma_wait3A, %dma_wait3A_97] : memref<25600x16xf32, #tpu.memory_space<vmem_shared>> -> memref<25600x16xf32, #tpu.memory_space<vmem_shared>>
          tpu.wait_indirect_dma semaphore(%run_scoped3A : memref<!tpu.dma_semaphore, #tpu.memory_space<semaphore_mem>>) src(%arg11 : memref<2000x16xf32, #tpu.memory_space<vmem>>) dst(%dma_wait3A_98 : memref<25600x16xf32, #tpu.memory_space<vmem_shared>>)
          tpu.yield
        }) : () -> ()
      } else {
      }
      %scan3A_75 = arith.constant 0 : i32
      scf.yield %scan3A_75 : i32
    }
    %scan3A_33 = arith.constant 200 : i32
    %barrier3A_34 = arith.constant 0 : index
    tpu.barrier barrier_id(%barrier3A_34)
    %mul3A_35 = arith.constant 0 : i32
    %mul3A_36 = vector.broadcast %mul3A_35 : i32 to vector<16xi32>
    %mul3A_37 = arith.muli %iota3A, %mul3A_36 : vector<16xi32>
    %mul3A_38 = arith.constant 1600 : i32
    %mul3A_39 = arith.muli %arg1, %mul3A_38 : i32
    %add3A_40 = arith.constant 0 : i32
    %add3A_41 = arith.addi %mul3A_39, %add3A_40 : i32
    "tpu.region"() ({
      %run_scoped3A = tpu.sem_alloc : memref<!tpu.dma_semaphore, #tpu.memory_space<semaphore_mem>>
      %dma_start3A = arith.constant 0 : i32
      %dma_start3A_63 = tpu.memref_slice %arg17[%add3A_41, %dma_start3A] : memref<25600x16xf32, #tpu.memory_space<vmem_shared>> -> memref<800x16xf32, #tpu.memory_space<vmem_shared>>
      %dma_start3A_64 = arith.constant 0 : i32
      %dma_start3A_65 = tpu.memref_slice %arg17[%add3A_41, %dma_start3A_64] : memref<25600x16xf32, #tpu.memory_space<vmem_shared>> -> memref<800x16xf32, #tpu.memory_space<vmem_shared>>
      tpu.enqueue_dma source(%dma_start3A_65 : memref<800x16xf32, #tpu.memory_space<vmem_shared>>) target(%arg14 : memref<800x16xf32, #tpu.memory_space<vmem>>) target_semaphore(%run_scoped3A : memref<!tpu.dma_semaphore, #tpu.memory_space<semaphore_mem>>)
      %dma_wait3A = arith.constant 0 : i32
      %dma_wait3A_66 = tpu.memref_slice %arg17[%add3A_41, %dma_wait3A] : memref<25600x16xf32, #tpu.memory_space<vmem_shared>> -> memref<800x16xf32, #tpu.memory_space<vmem_shared>>
      %dma_wait3A_67 = arith.constant 0 : i32
      %dma_wait3A_68 = tpu.memref_slice %arg17[%add3A_41, %dma_wait3A_67] : memref<25600x16xf32, #tpu.memory_space<vmem_shared>> -> memref<800x16xf32, #tpu.memory_space<vmem_shared>>
      tpu.wait_dma2 semaphore(%run_scoped3A : memref<!tpu.dma_semaphore, #tpu.memory_space<semaphore_mem>>) src(%dma_wait3A_68 : memref<800x16xf32, #tpu.memory_space<vmem_shared>>) dst(%arg14 : memref<800x16xf32, #tpu.memory_space<vmem>>)
      tpu.yield
    }) : () -> ()
    %add3A_42 = arith.addi %mul3A_1, %add3A_41 : i32
    %multiple_of3A = tpu.assume_multiple %add3A_42, 8 : i32
    "tpu.region"() ({
      %run_scoped3A = tpu.sem_alloc : memref<!tpu.dma_semaphore, #tpu.memory_space<semaphore_mem>>
      %dma_start3A = arith.constant 0 : i32
      %dma_start3A_63 = tpu.memref_slice %arg6[%multiple_of3A, %dma_start3A] : memref<102400x2xf32, #tpu.memory_space<hbm>> -> memref<800x2xf32, #tpu.memory_space<hbm>>
      %dma_start3A_64 = arith.constant 0 : i32
      %dma_start3A_65 = tpu.memref_slice %arg6[%multiple_of3A, %dma_start3A_64] : memref<102400x2xf32, #tpu.memory_space<hbm>> -> memref<800x2xf32, #tpu.memory_space<hbm>>
      tpu.enqueue_dma source(%dma_start3A_65 : memref<800x2xf32, #tpu.memory_space<hbm>>) target(%arg16 : memref<800x2xf32, #tpu.memory_space<vmem>>) target_semaphore(%run_scoped3A : memref<!tpu.dma_semaphore, #tpu.memory_space<semaphore_mem>>)
      %dma_wait3A = arith.constant 0 : i32
      %dma_wait3A_66 = tpu.memref_slice %arg6[%multiple_of3A, %dma_wait3A] : memref<102400x2xf32, #tpu.memory_space<hbm>> -> memref<800x2xf32, #tpu.memory_space<hbm>>
      %dma_wait3A_67 = arith.constant 0 : i32
      %dma_wait3A_68 = tpu.memref_slice %arg6[%multiple_of3A, %dma_wait3A_67] : memref<102400x2xf32, #tpu.memory_space<hbm>> -> memref<800x2xf32, #tpu.memory_space<hbm>>
      tpu.wait_dma2 semaphore(%run_scoped3A : memref<!tpu.dma_semaphore, #tpu.memory_space<semaphore_mem>>) src(%dma_wait3A_68 : memref<800x2xf32, #tpu.memory_space<hbm>>) dst(%arg16 : memref<800x2xf32, #tpu.memory_space<vmem>>)
      tpu.yield
    }) : () -> ()
    %scan3A_43 = arith.constant 0 : i32
    %scan3A_44 = arith.constant 0 : i32
    %scan3A_45 = arith.constant 50 : i32
    %scan3A_46 = arith.addi %scan3A_44, %scan3A_45 : i32
    %scan3A_47 = arith.constant 1 : i32
    %scan3A_48 = scf.for %scan3A_63 = %scan3A_44 to %scan3A_46 step %scan3A_47 iter_args(%scan3A_64 = %scan3A_43) -> (i32)  : i32 {
      %mul3A_65 = arith.constant 16 : i32
      %mul3A_66 = arith.muli %scan3A_63, %mul3A_65 : i32
      %add3A_67 = vector.broadcast %mul3A_66 : i32 to vector<16xi32>
      %add3A_68 = arith.addi %add3A_67, %iota3A : vector<16xi32>
      %add3A_69 = arith.constant 0 : i32
      %add3A_70 = vector.broadcast %add3A_69 : i32 to vector<16xi32>
      %add3A_71 = arith.addi %mul3A_37, %add3A_70 : vector<16xi32>
      %gather3A = tpu.vector_load_idx %arg14[%add3A_68, %add3A_71] : memref<800x16xf32, #tpu.memory_space<vmem>>[vector<16xi32>, vector<16xi32>], vector<16xf32>,
      %add3A_72 = arith.constant 1 : i32
      %add3A_73 = vector.broadcast %add3A_72 : i32 to vector<16xi32>
      %add3A_74 = arith.addi %mul3A_37, %add3A_73 : vector<16xi32>
      %gather3A_75 = tpu.vector_load_idx %arg14[%add3A_68, %add3A_74] : memref<800x16xf32, #tpu.memory_space<vmem>>[vector<16xi32>, vector<16xi32>], vector<16xf32>,
      %add3A_76 = arith.constant 2 : i32
      %add3A_77 = vector.broadcast %add3A_76 : i32 to vector<16xi32>
      %add3A_78 = arith.addi %mul3A_37, %add3A_77 : vector<16xi32>
      %gather3A_79 = tpu.vector_load_idx %arg14[%add3A_68, %add3A_78] : memref<800x16xf32, #tpu.memory_space<vmem>>[vector<16xi32>, vector<16xi32>], vector<16xf32>,
      %add3A_80 = arith.constant 3 : i32
      %add3A_81 = vector.broadcast %add3A_80 : i32 to vector<16xi32>
      %add3A_82 = arith.addi %mul3A_37, %add3A_81 : vector<16xi32>
      %gather3A_83 = tpu.vector_load_idx %arg14[%add3A_68, %add3A_82] : memref<800x16xf32, #tpu.memory_space<vmem>>[vector<16xi32>, vector<16xi32>], vector<16xf32>,
      %add3A_84 = arith.constant 4 : i32
      %add3A_85 = vector.broadcast %add3A_84 : i32 to vector<16xi32>
      %add3A_86 = arith.addi %mul3A_37, %add3A_85 : vector<16xi32>
      %gather3A_87 = tpu.vector_load_idx %arg14[%add3A_68, %add3A_86] : memref<800x16xf32, #tpu.memory_space<vmem>>[vector<16xi32>, vector<16xi32>], vector<16xf32>,
      %add3A_88 = arith.constant 5 : i32
      %add3A_89 = vector.broadcast %add3A_88 : i32 to vector<16xi32>
      %add3A_90 = arith.addi %mul3A_37, %add3A_89 : vector<16xi32>
      %gather3A_91 = tpu.vector_load_idx %arg14[%add3A_68, %add3A_90] : memref<800x16xf32, #tpu.memory_space<vmem>>[vector<16xi32>, vector<16xi32>], vector<16xf32>,
      %add3A_92 = arith.constant 6 : i32
      %add3A_93 = vector.broadcast %add3A_92 : i32 to vector<16xi32>
      %add3A_94 = arith.addi %mul3A_37, %add3A_93 : vector<16xi32>
      %gather3A_95 = tpu.vector_load_idx %arg14[%add3A_68, %add3A_94] : memref<800x16xf32, #tpu.memory_space<vmem>>[vector<16xi32>, vector<16xi32>], vector<16xf32>,
      %add3A_96 = arith.constant 7 : i32
      %add3A_97 = vector.broadcast %add3A_96 : i32 to vector<16xi32>
      %add3A_98 = arith.addi %mul3A_37, %add3A_97 : vector<16xi32>
      %gather3A_99 = tpu.vector_load_idx %arg14[%add3A_68, %add3A_98] : memref<800x16xf32, #tpu.memory_space<vmem>>[vector<16xi32>, vector<16xi32>], vector<16xf32>,
      %add3A_100 = arith.constant 8 : i32
      %add3A_101 = vector.broadcast %add3A_100 : i32 to vector<16xi32>
      %add3A_102 = arith.addi %mul3A_37, %add3A_101 : vector<16xi32>
      %gather3A_103 = tpu.vector_load_idx %arg14[%add3A_68, %add3A_102] : memref<800x16xf32, #tpu.memory_space<vmem>>[vector<16xi32>, vector<16xi32>], vector<16xf32>,
      %add3A_104 = arith.constant 9 : i32
      %add3A_105 = vector.broadcast %add3A_104 : i32 to vector<16xi32>
      %add3A_106 = arith.addi %mul3A_37, %add3A_105 : vector<16xi32>
      %gather3A_107 = tpu.vector_load_idx %arg14[%add3A_68, %add3A_106] : memref<800x16xf32, #tpu.memory_space<vmem>>[vector<16xi32>, vector<16xi32>], vector<16xf32>,
      %add3A_108 = arith.constant 10 : i32
      %add3A_109 = vector.broadcast %add3A_108 : i32 to vector<16xi32>
      %add3A_110 = arith.addi %mul3A_37, %add3A_109 : vector<16xi32>
      %gather3A_111 = tpu.vector_load_idx %arg14[%add3A_68, %add3A_110] : memref<800x16xf32, #tpu.memory_space<vmem>>[vector<16xi32>, vector<16xi32>], vector<16xf32>,
      %add3A_112 = arith.constant 11 : i32
      %add3A_113 = vector.broadcast %add3A_112 : i32 to vector<16xi32>
      %add3A_114 = arith.addi %mul3A_37, %add3A_113 : vector<16xi32>
      %gather3A_115 = tpu.vector_load_idx %arg14[%add3A_68, %add3A_114] : memref<800x16xf32, #tpu.memory_space<vmem>>[vector<16xi32>, vector<16xi32>], vector<16xf32>,
      %add3A_116 = arith.constant 12 : i32
      %add3A_117 = vector.broadcast %add3A_116 : i32 to vector<16xi32>
      %add3A_118 = arith.addi %mul3A_37, %add3A_117 : vector<16xi32>
      %gather3A_119 = tpu.vector_load_idx %arg14[%add3A_68, %add3A_118] : memref<800x16xf32, #tpu.memory_space<vmem>>[vector<16xi32>, vector<16xi32>], vector<16xf32>,
      %add3A_120 = arith.constant 13 : i32
      %add3A_121 = vector.broadcast %add3A_120 : i32 to vector<16xi32>
      %add3A_122 = arith.addi %mul3A_37, %add3A_121 : vector<16xi32>
      %gather3A_123 = tpu.vector_load_idx %arg14[%add3A_68, %add3A_122] : memref<800x16xf32, #tpu.memory_space<vmem>>[vector<16xi32>, vector<16xi32>], vector<16xf32>,
      %add3A_124 = arith.constant 14 : i32
      %add3A_125 = vector.broadcast %add3A_124 : i32 to vector<16xi32>
      %add3A_126 = arith.addi %mul3A_37, %add3A_125 : vector<16xi32>
      %gather3A_127 = tpu.vector_load_idx %arg14[%add3A_68, %add3A_126] : memref<800x16xf32, #tpu.memory_space<vmem>>[vector<16xi32>, vector<16xi32>], vector<16xf32>,
      %gather3A_128 = tpu.vector_load_idx %arg16[%add3A_68, %mul3A_37] : memref<800x2xf32, #tpu.memory_space<vmem>>[vector<16xi32>, vector<16xi32>], vector<16xf32>,
      %add3A_129 = arith.constant 1 : i32
      %add3A_130 = vector.broadcast %add3A_129 : i32 to vector<16xi32>
      %add3A_131 = arith.addi %mul3A_37, %add3A_130 : vector<16xi32>
      %gather3A_132 = tpu.vector_load_idx %arg16[%add3A_68, %add3A_131] : memref<800x2xf32, #tpu.memory_space<vmem>>[vector<16xi32>, vector<16xi32>], vector<16xf32>,
      %max3A = arith.constant 1.000000e+00 : f32
      %max3A_133 = vector.broadcast %max3A : f32 to vector<16xf32>
      %max3A_134 = arith.maximumf %gather3A_127, %max3A_133 : vector<16xf32>
      %div3A = arith.constant 1.000000e+00 : f32
      %div3A_135 = vector.broadcast %div3A : f32 to vector<16xf32>
      %div3A_136 = arith.divf %div3A_135, %max3A_134 : vector<16xf32>
      %mul3A_137 = arith.mulf %gather3A_128, %gather3A_127 : vector<16xf32>
      %sub3A = arith.subf %gather3A, %mul3A_137 : vector<16xf32>
      %mul3A_138 = arith.mulf %gather3A_128, %gather3A : vector<16xf32>
      %sub3A_139 = arith.subf %gather3A_75, %mul3A_138 : vector<16xf32>
      %mul3A_140 = arith.mulf %gather3A_128, %gather3A_75 : vector<16xf32>
      %sub3A_141 = arith.subf %gather3A_79, %mul3A_140 : vector<16xf32>
      %mul3A_142 = arith.mulf %gather3A_128, %gather3A_79 : vector<16xf32>
      %sub3A_143 = arith.subf %gather3A_83, %mul3A_142 : vector<16xf32>
      %mul3A_144 = arith.mulf %gather3A_128, %gather3A_83 : vector<16xf32>
      %sub3A_145 = arith.subf %gather3A_87, %mul3A_144 : vector<16xf32>
      %mul3A_146 = arith.mulf %gather3A_128, %gather3A_87 : vector<16xf32>
      %sub3A_147 = arith.subf %gather3A_91, %mul3A_146 : vector<16xf32>
      %mul3A_148 = arith.mulf %gather3A_128, %gather3A_91 : vector<16xf32>
      %sub3A_149 = arith.subf %gather3A_95, %mul3A_148 : vector<16xf32>
      %mul3A_150 = arith.mulf %gather3A_128, %sub3A : vector<16xf32>
      %sub3A_151 = arith.subf %sub3A_139, %mul3A_150 : vector<16xf32>
      %mul3A_152 = arith.mulf %gather3A_128, %sub3A_139 : vector<16xf32>
      %sub3A_153 = arith.subf %sub3A_141, %mul3A_152 : vector<16xf32>
      %mul3A_154 = arith.mulf %gather3A_128, %sub3A_141 : vector<16xf32>
      %sub3A_155 = arith.subf %sub3A_143, %mul3A_154 : vector<16xf32>
      %mul3A_156 = arith.mulf %gather3A_128, %sub3A_143 : vector<16xf32>
      %sub3A_157 = arith.subf %sub3A_145, %mul3A_156 : vector<16xf32>
      %mul3A_158 = arith.mulf %gather3A_128, %sub3A_145 : vector<16xf32>
      %sub3A_159 = arith.subf %sub3A_147, %mul3A_158 : vector<16xf32>
      %mul3A_160 = arith.mulf %gather3A_128, %sub3A_147 : vector<16xf32>
      %sub3A_161 = arith.subf %sub3A_149, %mul3A_160 : vector<16xf32>
      %mul3A_162 = arith.mulf %gather3A_128, %sub3A_151 : vector<16xf32>
      %sub3A_163 = arith.subf %sub3A_153, %mul3A_162 : vector<16xf32>
      %mul3A_164 = arith.mulf %gather3A_128, %sub3A_153 : vector<16xf32>
      %sub3A_165 = arith.subf %sub3A_155, %mul3A_164 : vector<16xf32>
      %mul3A_166 = arith.mulf %gather3A_128, %sub3A_155 : vector<16xf32>
      %sub3A_167 = arith.subf %sub3A_157, %mul3A_166 : vector<16xf32>
      %mul3A_168 = arith.mulf %gather3A_128, %sub3A_157 : vector<16xf32>
      %sub3A_169 = arith.subf %sub3A_159, %mul3A_168 : vector<16xf32>
      %mul3A_170 = arith.mulf %gather3A_128, %sub3A_159 : vector<16xf32>
      %sub3A_171 = arith.subf %sub3A_161, %mul3A_170 : vector<16xf32>
      %mul3A_172 = arith.mulf %gather3A_128, %sub3A_163 : vector<16xf32>
      %sub3A_173 = arith.subf %sub3A_165, %mul3A_172 : vector<16xf32>
      %mul3A_174 = arith.mulf %gather3A_128, %sub3A_165 : vector<16xf32>
      %sub3A_175 = arith.subf %sub3A_167, %mul3A_174 : vector<16xf32>
      %mul3A_176 = arith.mulf %gather3A_128, %sub3A_167 : vector<16xf32>
      %sub3A_177 = arith.subf %sub3A_169, %mul3A_176 : vector<16xf32>
      %mul3A_178 = arith.mulf %gather3A_128, %sub3A_169 : vector<16xf32>
      %sub3A_179 = arith.subf %sub3A_171, %mul3A_178 : vector<16xf32>
      %mul3A_180 = arith.mulf %gather3A_128, %sub3A_173 : vector<16xf32>
      %sub3A_181 = arith.subf %sub3A_175, %mul3A_180 : vector<16xf32>
      %mul3A_182 = arith.mulf %gather3A_128, %sub3A_175 : vector<16xf32>
      %sub3A_183 = arith.subf %sub3A_177, %mul3A_182 : vector<16xf32>
      %mul3A_184 = arith.mulf %gather3A_128, %sub3A_177 : vector<16xf32>
      %sub3A_185 = arith.subf %sub3A_179, %mul3A_184 : vector<16xf32>
      %mul3A_186 = arith.mulf %gather3A_128, %sub3A_181 : vector<16xf32>
      %sub3A_187 = arith.subf %sub3A_183, %mul3A_186 : vector<16xf32>
      %mul3A_188 = arith.mulf %gather3A_128, %sub3A_183 : vector<16xf32>
      %sub3A_189 = arith.subf %sub3A_185, %mul3A_188 : vector<16xf32>
      %mul3A_190 = arith.mulf %gather3A_128, %sub3A_187 : vector<16xf32>
      %sub3A_191 = arith.subf %sub3A_189, %mul3A_190 : vector<16xf32>
      %mul3A_192 = arith.mulf %gather3A_132, %gather3A_127 : vector<16xf32>
      %sub3A_193 = arith.subf %gather3A_99, %mul3A_192 : vector<16xf32>
      %mul3A_194 = arith.mulf %gather3A_132, %gather3A_99 : vector<16xf32>
      %sub3A_195 = arith.subf %gather3A_103, %mul3A_194 : vector<16xf32>
      %mul3A_196 = arith.mulf %gather3A_132, %gather3A_103 : vector<16xf32>
      %sub3A_197 = arith.subf %gather3A_107, %mul3A_196 : vector<16xf32>
      %mul3A_198 = arith.mulf %gather3A_132, %gather3A_107 : vector<16xf32>
      %sub3A_199 = arith.subf %gather3A_111, %mul3A_198 : vector<16xf32>
      %mul3A_200 = arith.mulf %gather3A_132, %gather3A_111 : vector<16xf32>
      %sub3A_201 = arith.subf %gather3A_115, %mul3A_200 : vector<16xf32>
      %mul3A_202 = arith.mulf %gather3A_132, %gather3A_115 : vector<16xf32>
      %sub3A_203 = arith.subf %gather3A_119, %mul3A_202 : vector<16xf32>
      %mul3A_204 = arith.mulf %gather3A_132, %gather3A_119 : vector<16xf32>
      %sub3A_205 = arith.subf %gather3A_123, %mul3A_204 : vector<16xf32>
      %mul3A_206 = arith.mulf %gather3A_132, %sub3A_193 : vector<16xf32>
      %sub3A_207 = arith.subf %sub3A_195, %mul3A_206 : vector<16xf32>
      %mul3A_208 = arith.mulf %gather3A_132, %sub3A_195 : vector<16xf32>
      %sub3A_209 = arith.subf %sub3A_197, %mul3A_208 : vector<16xf32>
      %mul3A_210 = arith.mulf %gather3A_132, %sub3A_197 : vector<16xf32>
      %sub3A_211 = arith.subf %sub3A_199, %mul3A_210 : vector<16xf32>
      %mul3A_212 = arith.mulf %gather3A_132, %sub3A_199 : vector<16xf32>
      %sub3A_213 = arith.subf %sub3A_201, %mul3A_212 : vector<16xf32>
      %mul3A_214 = arith.mulf %gather3A_132, %sub3A_201 : vector<16xf32>
      %sub3A_215 = arith.subf %sub3A_203, %mul3A_214 : vector<16xf32>
      %mul3A_216 = arith.mulf %gather3A_132, %sub3A_203 : vector<16xf32>
      %sub3A_217 = arith.subf %sub3A_205, %mul3A_216 : vector<16xf32>
      %mul3A_218 = arith.mulf %gather3A_132, %sub3A_207 : vector<16xf32>
      %sub3A_219 = arith.subf %sub3A_209, %mul3A_218 : vector<16xf32>
      %mul3A_220 = arith.mulf %gather3A_132, %sub3A_209 : vector<16xf32>
      %sub3A_221 = arith.subf %sub3A_211, %mul3A_220 : vector<16xf32>
      %mul3A_222 = arith.mulf %gather3A_132, %sub3A_211 : vector<16xf32>
      %sub3A_223 = arith.subf %sub3A_213, %mul3A_222 : vector<16xf32>
      %mul3A_224 = arith.mulf %gather3A_132, %sub3A_213 : vector<16xf32>
      %sub3A_225 = arith.subf %sub3A_215, %mul3A_224 : vector<16xf32>
      %mul3A_226 = arith.mulf %gather3A_132, %sub3A_215 : vector<16xf32>
      %sub3A_227 = arith.subf %sub3A_217, %mul3A_226 : vector<16xf32>
      %mul3A_228 = arith.mulf %gather3A_132, %sub3A_219 : vector<16xf32>
      %sub3A_229 = arith.subf %sub3A_221, %mul3A_228 : vector<16xf32>
      %mul3A_230 = arith.mulf %gather3A_132, %sub3A_221 : vector<16xf32>
      %sub3A_231 = arith.subf %sub3A_223, %mul3A_230 : vector<16xf32>
      %mul3A_232 = arith.mulf %gather3A_132, %sub3A_223 : vector<16xf32>
      %sub3A_233 = arith.subf %sub3A_225, %mul3A_232 : vector<16xf32>
      %mul3A_234 = arith.mulf %gather3A_132, %sub3A_225 : vector<16xf32>
      %sub3A_235 = arith.subf %sub3A_227, %mul3A_234 : vector<16xf32>
      %mul3A_236 = arith.mulf %gather3A_132, %sub3A_229 : vector<16xf32>
      %sub3A_237 = arith.subf %sub3A_231, %mul3A_236 : vector<16xf32>
      %mul3A_238 = arith.mulf %gather3A_132, %sub3A_231 : vector<16xf32>
      %sub3A_239 = arith.subf %sub3A_233, %mul3A_238 : vector<16xf32>
      %mul3A_240 = arith.mulf %gather3A_132, %sub3A_233 : vector<16xf32>
      %sub3A_241 = arith.subf %sub3A_235, %mul3A_240 : vector<16xf32>
      %mul3A_242 = arith.mulf %gather3A_132, %sub3A_237 : vector<16xf32>
      %sub3A_243 = arith.subf %sub3A_239, %mul3A_242 : vector<16xf32>
      %mul3A_244 = arith.mulf %gather3A_132, %sub3A_239 : vector<16xf32>
      %sub3A_245 = arith.subf %sub3A_241, %mul3A_244 : vector<16xf32>
      %mul3A_246 = arith.mulf %gather3A_132, %sub3A_243 : vector<16xf32>
      %sub3A_247 = arith.subf %sub3A_245, %mul3A_246 : vector<16xf32>
      %add3A_248 = arith.constant 0 : i32
      %add3A_249 = vector.broadcast %add3A_248 : i32 to vector<16xi32>
      %add3A_250 = arith.addi %mul3A_37, %add3A_249 : vector<16xi32>
      %mul3A_251 = arith.mulf %sub3A, %div3A_136 : vector<16xf32>
      tpu.vector_store_idx %arg15[%add3A_68, %add3A_250], %mul3A_251 : memref<800x15xf32, #tpu.memory_space<vmem>>[vector<16xi32>, vector<16xi32>], vector<16xf32>,
      %add3A_252 = arith.constant 0 : i32
      %add3A_253 = vector.broadcast %add3A_252 : i32 to vector<16xi32>
      %add3A_254 = arith.addi %mul3A_37, %add3A_253 : vector<16xi32>
      %add3A_255 = arith.constant 1 : i32
      %add3A_256 = vector.broadcast %add3A_255 : i32 to vector<16xi32>
      %add3A_257 = arith.addi %add3A_254, %add3A_256 : vector<16xi32>
      %mul3A_258 = arith.mulf %sub3A_193, %div3A_136 : vector<16xf32>
      tpu.vector_store_idx %arg15[%add3A_68, %add3A_257], %mul3A_258 : memref<800x15xf32, #tpu.memory_space<vmem>>[vector<16xi32>, vector<16xi32>], vector<16xf32>,
      %add3A_259 = arith.constant 2 : i32
      %add3A_260 = vector.broadcast %add3A_259 : i32 to vector<16xi32>
      %add3A_261 = arith.addi %mul3A_37, %add3A_260 : vector<16xi32>
      %mul3A_262 = arith.mulf %sub3A_151, %div3A_136 : vector<16xf32>
      tpu.vector_store_idx %arg15[%add3A_68, %add3A_261], %mul3A_262 : memref<800x15xf32, #tpu.memory_space<vmem>>[vector<16xi32>, vector<16xi32>], vector<16xf32>,
      %add3A_263 = arith.constant 2 : i32
      %add3A_264 = vector.broadcast %add3A_263 : i32 to vector<16xi32>
      %add3A_265 = arith.addi %mul3A_37, %add3A_264 : vector<16xi32>
      %add3A_266 = arith.constant 1 : i32
      %add3A_267 = vector.broadcast %add3A_266 : i32 to vector<16xi32>
      %add3A_268 = arith.addi %add3A_265, %add3A_267 : vector<16xi32>
      %mul3A_269 = arith.mulf %sub3A_207, %div3A_136 : vector<16xf32>
      tpu.vector_store_idx %arg15[%add3A_68, %add3A_268], %mul3A_269 : memref<800x15xf32, #tpu.memory_space<vmem>>[vector<16xi32>, vector<16xi32>], vector<16xf32>,
      %add3A_270 = arith.constant 4 : i32
      %add3A_271 = vector.broadcast %add3A_270 : i32 to vector<16xi32>
      %add3A_272 = arith.addi %mul3A_37, %add3A_271 : vector<16xi32>
      %mul3A_273 = arith.mulf %sub3A_163, %div3A_136 : vector<16xf32>
      tpu.vector_store_idx %arg15[%add3A_68, %add3A_272], %mul3A_273 : memref<800x15xf32, #tpu.memory_space<vmem>>[vector<16xi32>, vector<16xi32>], vector<16xf32>,
      %add3A_274 = arith.constant 4 : i32
      %add3A_275 = vector.broadcast %add3A_274 : i32 to vector<16xi32>
      %add3A_276 = arith.addi %mul3A_37, %add3A_275 : vector<16xi32>
      %add3A_277 = arith.constant 1 : i32
      %add3A_278 = vector.broadcast %add3A_277 : i32 to vector<16xi32>
      %add3A_279 = arith.addi %add3A_276, %add3A_278 : vector<16xi32>
      %mul3A_280 = arith.mulf %sub3A_219, %div3A_136 : vector<16xf32>
      tpu.vector_store_idx %arg15[%add3A_68, %add3A_279], %mul3A_280 : memref<800x15xf32, #tpu.memory_space<vmem>>[vector<16xi32>, vector<16xi32>], vector<16xf32>,
      %add3A_281 = arith.constant 6 : i32
      %add3A_282 = vector.broadcast %add3A_281 : i32 to vector<16xi32>
      %add3A_283 = arith.addi %mul3A_37, %add3A_282 : vector<16xi32>
      %mul3A_284 = arith.mulf %sub3A_173, %div3A_136 : vector<16xf32>
      tpu.vector_store_idx %arg15[%add3A_68, %add3A_283], %mul3A_284 : memref<800x15xf32, #tpu.memory_space<vmem>>[vector<16xi32>, vector<16xi32>], vector<16xf32>,
      %add3A_285 = arith.constant 6 : i32
      %add3A_286 = vector.broadcast %add3A_285 : i32 to vector<16xi32>
      %add3A_287 = arith.addi %mul3A_37, %add3A_286 : vector<16xi32>
      %add3A_288 = arith.constant 1 : i32
      %add3A_289 = vector.broadcast %add3A_288 : i32 to vector<16xi32>
      %add3A_290 = arith.addi %add3A_287, %add3A_289 : vector<16xi32>
      %mul3A_291 = arith.mulf %sub3A_229, %div3A_136 : vector<16xf32>
      tpu.vector_store_idx %arg15[%add3A_68, %add3A_290], %mul3A_291 : memref<800x15xf32, #tpu.memory_space<vmem>>[vector<16xi32>, vector<16xi32>], vector<16xf32>,
      %add3A_292 = arith.constant 8 : i32
      %add3A_293 = vector.broadcast %add3A_292 : i32 to vector<16xi32>
      %add3A_294 = arith.addi %mul3A_37, %add3A_293 : vector<16xi32>
      %mul3A_295 = arith.mulf %sub3A_181, %div3A_136 : vector<16xf32>
      tpu.vector_store_idx %arg15[%add3A_68, %add3A_294], %mul3A_295 : memref<800x15xf32, #tpu.memory_space<vmem>>[vector<16xi32>, vector<16xi32>], vector<16xf32>,
      %add3A_296 = arith.constant 8 : i32
      %add3A_297 = vector.broadcast %add3A_296 : i32 to vector<16xi32>
      %add3A_298 = arith.addi %mul3A_37, %add3A_297 : vector<16xi32>
      %add3A_299 = arith.constant 1 : i32
      %add3A_300 = vector.broadcast %add3A_299 : i32 to vector<16xi32>
      %add3A_301 = arith.addi %add3A_298, %add3A_300 : vector<16xi32>
      %mul3A_302 = arith.mulf %sub3A_237, %div3A_136 : vector<16xf32>
      tpu.vector_store_idx %arg15[%add3A_68, %add3A_301], %mul3A_302 : memref<800x15xf32, #tpu.memory_space<vmem>>[vector<16xi32>, vector<16xi32>], vector<16xf32>,
      %add3A_303 = arith.constant 10 : i32
      %add3A_304 = vector.broadcast %add3A_303 : i32 to vector<16xi32>
      %add3A_305 = arith.addi %mul3A_37, %add3A_304 : vector<16xi32>
      %mul3A_306 = arith.mulf %sub3A_187, %div3A_136 : vector<16xf32>
      tpu.vector_store_idx %arg15[%add3A_68, %add3A_305], %mul3A_306 : memref<800x15xf32, #tpu.memory_space<vmem>>[vector<16xi32>, vector<16xi32>], vector<16xf32>,
      %add3A_307 = arith.constant 10 : i32
      %add3A_308 = vector.broadcast %add3A_307 : i32 to vector<16xi32>
      %add3A_309 = arith.addi %mul3A_37, %add3A_308 : vector<16xi32>
      %add3A_310 = arith.constant 1 : i32
      %add3A_311 = vector.broadcast %add3A_310 : i32 to vector<16xi32>
      %add3A_312 = arith.addi %add3A_309, %add3A_311 : vector<16xi32>
      %mul3A_313 = arith.mulf %sub3A_243, %div3A_136 : vector<16xf32>
      tpu.vector_store_idx %arg15[%add3A_68, %add3A_312], %mul3A_313 : memref<800x15xf32, #tpu.memory_space<vmem>>[vector<16xi32>, vector<16xi32>], vector<16xf32>,
      %add3A_314 = arith.constant 12 : i32
      %add3A_315 = vector.broadcast %add3A_314 : i32 to vector<16xi32>
      %add3A_316 = arith.addi %mul3A_37, %add3A_315 : vector<16xi32>
      %mul3A_317 = arith.mulf %sub3A_191, %div3A_136 : vector<16xf32>
      tpu.vector_store_idx %arg15[%add3A_68, %add3A_316], %mul3A_317 : memref<800x15xf32, #tpu.memory_space<vmem>>[vector<16xi32>, vector<16xi32>], vector<16xf32>,
      %add3A_318 = arith.constant 12 : i32
      %add3A_319 = vector.broadcast %add3A_318 : i32 to vector<16xi32>
      %add3A_320 = arith.addi %mul3A_37, %add3A_319 : vector<16xi32>
      %add3A_321 = arith.constant 1 : i32
      %add3A_322 = vector.broadcast %add3A_321 : i32 to vector<16xi32>
      %add3A_323 = arith.addi %add3A_320, %add3A_322 : vector<16xi32>
      %mul3A_324 = arith.mulf %sub3A_247, %div3A_136 : vector<16xf32>
      tpu.vector_store_idx %arg15[%add3A_68, %add3A_323], %mul3A_324 : memref<800x15xf32, #tpu.memory_space<vmem>>[vector<16xi32>, vector<16xi32>], vector<16xf32>,
      %add3A_325 = arith.constant 14 : i32
      %add3A_326 = vector.broadcast %add3A_325 : i32 to vector<16xi32>
      %add3A_327 = arith.addi %mul3A_37, %add3A_326 : vector<16xi32>
      %mul3A_328 = arith.constant 2.500000e-03 : f32
      %mul3A_329 = vector.broadcast %mul3A_328 : f32 to vector<16xf32>
      %mul3A_330 = arith.mulf %gather3A_127, %mul3A_329 : vector<16xf32>
      tpu.vector_store_idx %arg15[%add3A_68, %add3A_327], %mul3A_330 : memref<800x15xf32, #tpu.memory_space<vmem>>[vector<16xi32>, vector<16xi32>], vector<16xf32>,
      %scan3A_331 = arith.constant 0 : i32
      scf.yield %scan3A_331 : i32
    }
    %scan3A_49 = arith.constant 50 : i32
    "tpu.region"() ({
      %run_scoped3A = tpu.sem_alloc : memref<!tpu.dma_semaphore, #tpu.memory_space<semaphore_mem>>
      %dma_start3A = arith.constant 0 : i32
      %dma_start3A_63 = arith.constant 0 : i32
      %dma_start3A_64 = tpu.memref_slice %arg7[%arg0, %arg1, %dma_start3A, %dma_start3A_63] : memref<2x16x1600x15xf32, #tpu.memory_space<hbm>> -> memref<1x1x800x15xf32, #tpu.memory_space<hbm>>
      %dma_start3A_65 = tpu.memref_squeeze %dma_start3A_64 : memref<1x1x800x15xf32, #tpu.memory_space<hbm>> -> memref<800x15xf32, #tpu.memory_space<hbm>>
      %dma_start3A_66 = arith.constant 0 : i32
      %dma_start3A_67 = arith.constant 0 : i32
      %dma_start3A_68 = tpu.memref_slice %arg7[%arg0, %arg1, %dma_start3A_66, %dma_start3A_67] : memref<2x16x1600x15xf32, #tpu.memory_space<hbm>> -> memref<1x1x800x15xf32, #tpu.memory_space<hbm>>
      %dma_start3A_69 = tpu.memref_squeeze %dma_start3A_68 : memref<1x1x800x15xf32, #tpu.memory_space<hbm>> -> memref<800x15xf32, #tpu.memory_space<hbm>>
      tpu.enqueue_dma source(%arg15 : memref<800x15xf32, #tpu.memory_space<vmem>>) target(%dma_start3A_69 : memref<800x15xf32, #tpu.memory_space<hbm>>) target_semaphore(%run_scoped3A : memref<!tpu.dma_semaphore, #tpu.memory_space<semaphore_mem>>)
      %dma_wait3A = arith.constant 0 : i32
      %dma_wait3A_70 = arith.constant 0 : i32
      %dma_wait3A_71 = tpu.memref_slice %arg7[%arg0, %arg1, %dma_wait3A, %dma_wait3A_70] : memref<2x16x1600x15xf32, #tpu.memory_space<hbm>> -> memref<1x1x800x15xf32, #tpu.memory_space<hbm>>
      %dma_wait3A_72 = tpu.memref_squeeze %dma_wait3A_71 : memref<1x1x800x15xf32, #tpu.memory_space<hbm>> -> memref<800x15xf32, #tpu.memory_space<hbm>>
      %dma_wait3A_73 = arith.constant 0 : i32
      %dma_wait3A_74 = arith.constant 0 : i32
      %dma_wait3A_75 = tpu.memref_slice %arg7[%arg0, %arg1, %dma_wait3A_73, %dma_wait3A_74] : memref<2x16x1600x15xf32, #tpu.memory_space<hbm>> -> memref<1x1x800x15xf32, #tpu.memory_space<hbm>>
      %dma_wait3A_76 = tpu.memref_squeeze %dma_wait3A_75 : memref<1x1x800x15xf32, #tpu.memory_space<hbm>> -> memref<800x15xf32, #tpu.memory_space<hbm>>
      tpu.wait_dma2 semaphore(%run_scoped3A : memref<!tpu.dma_semaphore, #tpu.memory_space<semaphore_mem>>) src(%arg15 : memref<800x15xf32, #tpu.memory_space<vmem>>) dst(%dma_wait3A_76 : memref<800x15xf32, #tpu.memory_space<hbm>>)
      tpu.yield
    }) : () -> ()
    %mul3A_50 = arith.constant 1600 : i32
    %mul3A_51 = arith.muli %arg1, %mul3A_50 : i32
    %add3A_52 = arith.constant 800 : i32
    %add3A_53 = arith.addi %mul3A_51, %add3A_52 : i32
    "tpu.region"() ({
      %run_scoped3A = tpu.sem_alloc : memref<!tpu.dma_semaphore, #tpu.memory_space<semaphore_mem>>
      %dma_start3A = arith.constant 0 : i32
      %dma_start3A_63 = tpu.memref_slice %arg17[%add3A_53, %dma_start3A] : memref<25600x16xf32, #tpu.memory_space<vmem_shared>> -> memref<800x16xf32, #tpu.memory_space<vmem_shared>>
      %dma_start3A_64 = arith.constant 0 : i32
      %dma_start3A_65 = tpu.memref_slice %arg17[%add3A_53, %dma_start3A_64] : memref<25600x16xf32, #tpu.memory_space<vmem_shared>> -> memref<800x16xf32, #tpu.memory_space<vmem_shared>>
      tpu.enqueue_dma source(%dma_start3A_65 : memref<800x16xf32, #tpu.memory_space<vmem_shared>>) target(%arg14 : memref<800x16xf32, #tpu.memory_space<vmem>>) target_semaphore(%run_scoped3A : memref<!tpu.dma_semaphore, #tpu.memory_space<semaphore_mem>>)
      %dma_wait3A = arith.constant 0 : i32
      %dma_wait3A_66 = tpu.memref_slice %arg17[%add3A_53, %dma_wait3A] : memref<25600x16xf32, #tpu.memory_space<vmem_shared>> -> memref<800x16xf32, #tpu.memory_space<vmem_shared>>
      %dma_wait3A_67 = arith.constant 0 : i32
      %dma_wait3A_68 = tpu.memref_slice %arg17[%add3A_53, %dma_wait3A_67] : memref<25600x16xf32, #tpu.memory_space<vmem_shared>> -> memref<800x16xf32, #tpu.memory_space<vmem_shared>>
      tpu.wait_dma2 semaphore(%run_scoped3A : memref<!tpu.dma_semaphore, #tpu.memory_space<semaphore_mem>>) src(%dma_wait3A_68 : memref<800x16xf32, #tpu.memory_space<vmem_shared>>) dst(%arg14 : memref<800x16xf32, #tpu.memory_space<vmem>>)
      tpu.yield
    }) : () -> ()
    %add3A_54 = arith.addi %mul3A_1, %add3A_53 : i32
    %multiple_of3A_55 = tpu.assume_multiple %add3A_54, 8 : i32
    "tpu.region"() ({
      %run_scoped3A = tpu.sem_alloc : memref<!tpu.dma_semaphore, #tpu.memory_space<semaphore_mem>>
      %dma_start3A = arith.constant 0 : i32
      %dma_start3A_63 = tpu.memref_slice %arg6[%multiple_of3A_55, %dma_start3A] : memref<102400x2xf32, #tpu.memory_space<hbm>> -> memref<800x2xf32, #tpu.memory_space<hbm>>
      %dma_start3A_64 = arith.constant 0 : i32
      %dma_start3A_65 = tpu.memref_slice %arg6[%multiple_of3A_55, %dma_start3A_64] : memref<102400x2xf32, #tpu.memory_space<hbm>> -> memref<800x2xf32, #tpu.memory_space<hbm>>
      tpu.enqueue_dma source(%dma_start3A_65 : memref<800x2xf32, #tpu.memory_space<hbm>>) target(%arg16 : memref<800x2xf32, #tpu.memory_space<vmem>>) target_semaphore(%run_scoped3A : memref<!tpu.dma_semaphore, #tpu.memory_space<semaphore_mem>>)
      %dma_wait3A = arith.constant 0 : i32
      %dma_wait3A_66 = tpu.memref_slice %arg6[%multiple_of3A_55, %dma_wait3A] : memref<102400x2xf32, #tpu.memory_space<hbm>> -> memref<800x2xf32, #tpu.memory_space<hbm>>
      %dma_wait3A_67 = arith.constant 0 : i32
      %dma_wait3A_68 = tpu.memref_slice %arg6[%multiple_of3A_55, %dma_wait3A_67] : memref<102400x2xf32, #tpu.memory_space<hbm>> -> memref<800x2xf32, #tpu.memory_space<hbm>>
      tpu.wait_dma2 semaphore(%run_scoped3A : memref<!tpu.dma_semaphore, #tpu.memory_space<semaphore_mem>>) src(%dma_wait3A_68 : memref<800x2xf32, #tpu.memory_space<hbm>>) dst(%arg16 : memref<800x2xf32, #tpu.memory_space<vmem>>)
      tpu.yield
    }) : () -> ()
    %scan3A_56 = arith.constant 0 : i32
    %scan3A_57 = arith.constant 0 : i32
    %scan3A_58 = arith.constant 50 : i32
    %scan3A_59 = arith.addi %scan3A_57, %scan3A_58 : i32
    %scan3A_60 = arith.constant 1 : i32
    %scan3A_61 = scf.for %scan3A_63 = %scan3A_57 to %scan3A_59 step %scan3A_60 iter_args(%scan3A_64 = %scan3A_56) -> (i32)  : i32 {
      %mul3A_65 = arith.constant 16 : i32
      %mul3A_66 = arith.muli %scan3A_63, %mul3A_65 : i32
      %add3A_67 = vector.broadcast %mul3A_66 : i32 to vector<16xi32>
      %add3A_68 = arith.addi %add3A_67, %iota3A : vector<16xi32>
      %add3A_69 = arith.constant 0 : i32
      %add3A_70 = vector.broadcast %add3A_69 : i32 to vector<16xi32>
      %add3A_71 = arith.addi %mul3A_37, %add3A_70 : vector<16xi32>
      %gather3A = tpu.vector_load_idx %arg14[%add3A_68, %add3A_71] : memref<800x16xf32, #tpu.memory_space<vmem>>[vector<16xi32>, vector<16xi32>], vector<16xf32>,
      %add3A_72 = arith.constant 1 : i32
      %add3A_73 = vector.broadcast %add3A_72 : i32 to vector<16xi32>
      %add3A_74 = arith.addi %mul3A_37, %add3A_73 : vector<16xi32>
      %gather3A_75 = tpu.vector_load_idx %arg14[%add3A_68, %add3A_74] : memref<800x16xf32, #tpu.memory_space<vmem>>[vector<16xi32>, vector<16xi32>], vector<16xf32>,
      %add3A_76 = arith.constant 2 : i32
      %add3A_77 = vector.broadcast %add3A_76 : i32 to vector<16xi32>
      %add3A_78 = arith.addi %mul3A_37, %add3A_77 : vector<16xi32>
      %gather3A_79 = tpu.vector_load_idx %arg14[%add3A_68, %add3A_78] : memref<800x16xf32, #tpu.memory_space<vmem>>[vector<16xi32>, vector<16xi32>], vector<16xf32>,
      %add3A_80 = arith.constant 3 : i32
      %add3A_81 = vector.broadcast %add3A_80 : i32 to vector<16xi32>
      %add3A_82 = arith.addi %mul3A_37, %add3A_81 : vector<16xi32>
      %gather3A_83 = tpu.vector_load_idx %arg14[%add3A_68, %add3A_82] : memref<800x16xf32, #tpu.memory_space<vmem>>[vector<16xi32>, vector<16xi32>], vector<16xf32>,
      %add3A_84 = arith.constant 4 : i32
      %add3A_85 = vector.broadcast %add3A_84 : i32 to vector<16xi32>
      %add3A_86 = arith.addi %mul3A_37, %add3A_85 : vector<16xi32>
      %gather3A_87 = tpu.vector_load_idx %arg14[%add3A_68, %add3A_86] : memref<800x16xf32, #tpu.memory_space<vmem>>[vector<16xi32>, vector<16xi32>], vector<16xf32>,
      %add3A_88 = arith.constant 5 : i32
      %add3A_89 = vector.broadcast %add3A_88 : i32 to vector<16xi32>
      %add3A_90 = arith.addi %mul3A_37, %add3A_89 : vector<16xi32>
      %gather3A_91 = tpu.vector_load_idx %arg14[%add3A_68, %add3A_90] : memref<800x16xf32, #tpu.memory_space<vmem>>[vector<16xi32>, vector<16xi32>], vector<16xf32>,
      %add3A_92 = arith.constant 6 : i32
      %add3A_93 = vector.broadcast %add3A_92 : i32 to vector<16xi32>
      %add3A_94 = arith.addi %mul3A_37, %add3A_93 : vector<16xi32>
      %gather3A_95 = tpu.vector_load_idx %arg14[%add3A_68, %add3A_94] : memref<800x16xf32, #tpu.memory_space<vmem>>[vector<16xi32>, vector<16xi32>], vector<16xf32>,
      %add3A_96 = arith.constant 7 : i32
      %add3A_97 = vector.broadcast %add3A_96 : i32 to vector<16xi32>
      %add3A_98 = arith.addi %mul3A_37, %add3A_97 : vector<16xi32>
      %gather3A_99 = tpu.vector_load_idx %arg14[%add3A_68, %add3A_98] : memref<800x16xf32, #tpu.memory_space<vmem>>[vector<16xi32>, vector<16xi32>], vector<16xf32>,
      %add3A_100 = arith.constant 8 : i32
      %add3A_101 = vector.broadcast %add3A_100 : i32 to vector<16xi32>
      %add3A_102 = arith.addi %mul3A_37, %add3A_101 : vector<16xi32>
      %gather3A_103 = tpu.vector_load_idx %arg14[%add3A_68, %add3A_102] : memref<800x16xf32, #tpu.memory_space<vmem>>[vector<16xi32>, vector<16xi32>], vector<16xf32>,
      %add3A_104 = arith.constant 9 : i32
      %add3A_105 = vector.broadcast %add3A_104 : i32 to vector<16xi32>
      %add3A_106 = arith.addi %mul3A_37, %add3A_105 : vector<16xi32>
      %gather3A_107 = tpu.vector_load_idx %arg14[%add3A_68, %add3A_106] : memref<800x16xf32, #tpu.memory_space<vmem>>[vector<16xi32>, vector<16xi32>], vector<16xf32>,
      %add3A_108 = arith.constant 10 : i32
      %add3A_109 = vector.broadcast %add3A_108 : i32 to vector<16xi32>
      %add3A_110 = arith.addi %mul3A_37, %add3A_109 : vector<16xi32>
      %gather3A_111 = tpu.vector_load_idx %arg14[%add3A_68, %add3A_110] : memref<800x16xf32, #tpu.memory_space<vmem>>[vector<16xi32>, vector<16xi32>], vector<16xf32>,
      %add3A_112 = arith.constant 11 : i32
      %add3A_113 = vector.broadcast %add3A_112 : i32 to vector<16xi32>
      %add3A_114 = arith.addi %mul3A_37, %add3A_113 : vector<16xi32>
      %gather3A_115 = tpu.vector_load_idx %arg14[%add3A_68, %add3A_114] : memref<800x16xf32, #tpu.memory_space<vmem>>[vector<16xi32>, vector<16xi32>], vector<16xf32>,
      %add3A_116 = arith.constant 12 : i32
      %add3A_117 = vector.broadcast %add3A_116 : i32 to vector<16xi32>
      %add3A_118 = arith.addi %mul3A_37, %add3A_117 : vector<16xi32>
      %gather3A_119 = tpu.vector_load_idx %arg14[%add3A_68, %add3A_118] : memref<800x16xf32, #tpu.memory_space<vmem>>[vector<16xi32>, vector<16xi32>], vector<16xf32>,
      %add3A_120 = arith.constant 13 : i32
      %add3A_121 = vector.broadcast %add3A_120 : i32 to vector<16xi32>
      %add3A_122 = arith.addi %mul3A_37, %add3A_121 : vector<16xi32>
      %gather3A_123 = tpu.vector_load_idx %arg14[%add3A_68, %add3A_122] : memref<800x16xf32, #tpu.memory_space<vmem>>[vector<16xi32>, vector<16xi32>], vector<16xf32>,
      %add3A_124 = arith.constant 14 : i32
      %add3A_125 = vector.broadcast %add3A_124 : i32 to vector<16xi32>
      %add3A_126 = arith.addi %mul3A_37, %add3A_125 : vector<16xi32>
      %gather3A_127 = tpu.vector_load_idx %arg14[%add3A_68, %add3A_126] : memref<800x16xf32, #tpu.memory_space<vmem>>[vector<16xi32>, vector<16xi32>], vector<16xf32>,
      %gather3A_128 = tpu.vector_load_idx %arg16[%add3A_68, %mul3A_37] : memref<800x2xf32, #tpu.memory_space<vmem>>[vector<16xi32>, vector<16xi32>], vector<16xf32>,
      %add3A_129 = arith.constant 1 : i32
      %add3A_130 = vector.broadcast %add3A_129 : i32 to vector<16xi32>
      %add3A_131 = arith.addi %mul3A_37, %add3A_130 : vector<16xi32>
      %gather3A_132 = tpu.vector_load_idx %arg16[%add3A_68, %add3A_131] : memref<800x2xf32, #tpu.memory_space<vmem>>[vector<16xi32>, vector<16xi32>], vector<16xf32>,
      %max3A = arith.constant 1.000000e+00 : f32
      %max3A_133 = vector.broadcast %max3A : f32 to vector<16xf32>
      %max3A_134 = arith.maximumf %gather3A_127, %max3A_133 : vector<16xf32>
      %div3A = arith.constant 1.000000e+00 : f32
      %div3A_135 = vector.broadcast %div3A : f32 to vector<16xf32>
      %div3A_136 = arith.divf %div3A_135, %max3A_134 : vector<16xf32>
      %mul3A_137 = arith.mulf %gather3A_128, %gather3A_127 : vector<16xf32>
      %sub3A = arith.subf %gather3A, %mul3A_137 : vector<16xf32>
      %mul3A_138 = arith.mulf %gather3A_128, %gather3A : vector<16xf32>
      %sub3A_139 = arith.subf %gather3A_75, %mul3A_138 : vector<16xf32>
      %mul3A_140 = arith.mulf %gather3A_128, %gather3A_75 : vector<16xf32>
      %sub3A_141 = arith.subf %gather3A_79, %mul3A_140 : vector<16xf32>
      %mul3A_142 = arith.mulf %gather3A_128, %gather3A_79 : vector<16xf32>
      %sub3A_143 = arith.subf %gather3A_83, %mul3A_142 : vector<16xf32>
      %mul3A_144 = arith.mulf %gather3A_128, %gather3A_83 : vector<16xf32>
      %sub3A_145 = arith.subf %gather3A_87, %mul3A_144 : vector<16xf32>
      %mul3A_146 = arith.mulf %gather3A_128, %gather3A_87 : vector<16xf32>
      %sub3A_147 = arith.subf %gather3A_91, %mul3A_146 : vector<16xf32>
      %mul3A_148 = arith.mulf %gather3A_128, %gather3A_91 : vector<16xf32>
      %sub3A_149 = arith.subf %gather3A_95, %mul3A_148 : vector<16xf32>
      %mul3A_150 = arith.mulf %gather3A_128, %sub3A : vector<16xf32>
      %sub3A_151 = arith.subf %sub3A_139, %mul3A_150 : vector<16xf32>
      %mul3A_152 = arith.mulf %gather3A_128, %sub3A_139 : vector<16xf32>
      %sub3A_153 = arith.subf %sub3A_141, %mul3A_152 : vector<16xf32>
      %mul3A_154 = arith.mulf %gather3A_128, %sub3A_141 : vector<16xf32>
      %sub3A_155 = arith.subf %sub3A_143, %mul3A_154 : vector<16xf32>
      %mul3A_156 = arith.mulf %gather3A_128, %sub3A_143 : vector<16xf32>
      %sub3A_157 = arith.subf %sub3A_145, %mul3A_156 : vector<16xf32>
      %mul3A_158 = arith.mulf %gather3A_128, %sub3A_145 : vector<16xf32>
      %sub3A_159 = arith.subf %sub3A_147, %mul3A_158 : vector<16xf32>
      %mul3A_160 = arith.mulf %gather3A_128, %sub3A_147 : vector<16xf32>
      %sub3A_161 = arith.subf %sub3A_149, %mul3A_160 : vector<16xf32>
      %mul3A_162 = arith.mulf %gather3A_128, %sub3A_151 : vector<16xf32>
      %sub3A_163 = arith.subf %sub3A_153, %mul3A_162 : vector<16xf32>
      %mul3A_164 = arith.mulf %gather3A_128, %sub3A_153 : vector<16xf32>
      %sub3A_165 = arith.subf %sub3A_155, %mul3A_164 : vector<16xf32>
      %mul3A_166 = arith.mulf %gather3A_128, %sub3A_155 : vector<16xf32>
      %sub3A_167 = arith.subf %sub3A_157, %mul3A_166 : vector<16xf32>
      %mul3A_168 = arith.mulf %gather3A_128, %sub3A_157 : vector<16xf32>
      %sub3A_169 = arith.subf %sub3A_159, %mul3A_168 : vector<16xf32>
      %mul3A_170 = arith.mulf %gather3A_128, %sub3A_159 : vector<16xf32>
      %sub3A_171 = arith.subf %sub3A_161, %mul3A_170 : vector<16xf32>
      %mul3A_172 = arith.mulf %gather3A_128, %sub3A_163 : vector<16xf32>
      %sub3A_173 = arith.subf %sub3A_165, %mul3A_172 : vector<16xf32>
      %mul3A_174 = arith.mulf %gather3A_128, %sub3A_165 : vector<16xf32>
      %sub3A_175 = arith.subf %sub3A_167, %mul3A_174 : vector<16xf32>
      %mul3A_176 = arith.mulf %gather3A_128, %sub3A_167 : vector<16xf32>
      %sub3A_177 = arith.subf %sub3A_169, %mul3A_176 : vector<16xf32>
      %mul3A_178 = arith.mulf %gather3A_128, %sub3A_169 : vector<16xf32>
      %sub3A_179 = arith.subf %sub3A_171, %mul3A_178 : vector<16xf32>
      %mul3A_180 = arith.mulf %gather3A_128, %sub3A_173 : vector<16xf32>
      %sub3A_181 = arith.subf %sub3A_175, %mul3A_180 : vector<16xf32>
      %mul3A_182 = arith.mulf %gather3A_128, %sub3A_175 : vector<16xf32>
      %sub3A_183 = arith.subf %sub3A_177, %mul3A_182 : vector<16xf32>
      %mul3A_184 = arith.mulf %gather3A_128, %sub3A_177 : vector<16xf32>
      %sub3A_185 = arith.subf %sub3A_179, %mul3A_184 : vector<16xf32>
      %mul3A_186 = arith.mulf %gather3A_128, %sub3A_181 : vector<16xf32>
      %sub3A_187 = arith.subf %sub3A_183, %mul3A_186 : vector<16xf32>
      %mul3A_188 = arith.mulf %gather3A_128, %sub3A_183 : vector<16xf32>
      %sub3A_189 = arith.subf %sub3A_185, %mul3A_188 : vector<16xf32>
      %mul3A_190 = arith.mulf %gather3A_128, %sub3A_187 : vector<16xf32>
      %sub3A_191 = arith.subf %sub3A_189, %mul3A_190 : vector<16xf32>
      %mul3A_192 = arith.mulf %gather3A_132, %gather3A_127 : vector<16xf32>
      %sub3A_193 = arith.subf %gather3A_99, %mul3A_192 : vector<16xf32>
      %mul3A_194 = arith.mulf %gather3A_132, %gather3A_99 : vector<16xf32>
      %sub3A_195 = arith.subf %gather3A_103, %mul3A_194 : vector<16xf32>
      %mul3A_196 = arith.mulf %gather3A_132, %gather3A_103 : vector<16xf32>
      %sub3A_197 = arith.subf %gather3A_107, %mul3A_196 : vector<16xf32>
      %mul3A_198 = arith.mulf %gather3A_132, %gather3A_107 : vector<16xf32>
      %sub3A_199 = arith.subf %gather3A_111, %mul3A_198 : vector<16xf32>
      %mul3A_200 = arith.mulf %gather3A_132, %gather3A_111 : vector<16xf32>
      %sub3A_201 = arith.subf %gather3A_115, %mul3A_200 : vector<16xf32>
      %mul3A_202 = arith.mulf %gather3A_132, %gather3A_115 : vector<16xf32>
      %sub3A_203 = arith.subf %gather3A_119, %mul3A_202 : vector<16xf32>
      %mul3A_204 = arith.mulf %gather3A_132, %gather3A_119 : vector<16xf32>
      %sub3A_205 = arith.subf %gather3A_123, %mul3A_204 : vector<16xf32>
      %mul3A_206 = arith.mulf %gather3A_132, %sub3A_193 : vector<16xf32>
      %sub3A_207 = arith.subf %sub3A_195, %mul3A_206 : vector<16xf32>
      %mul3A_208 = arith.mulf %gather3A_132, %sub3A_195 : vector<16xf32>
      %sub3A_209 = arith.subf %sub3A_197, %mul3A_208 : vector<16xf32>
      %mul3A_210 = arith.mulf %gather3A_132, %sub3A_197 : vector<16xf32>
      %sub3A_211 = arith.subf %sub3A_199, %mul3A_210 : vector<16xf32>
      %mul3A_212 = arith.mulf %gather3A_132, %sub3A_199 : vector<16xf32>
      %sub3A_213 = arith.subf %sub3A_201, %mul3A_212 : vector<16xf32>
      %mul3A_214 = arith.mulf %gather3A_132, %sub3A_201 : vector<16xf32>
      %sub3A_215 = arith.subf %sub3A_203, %mul3A_214 : vector<16xf32>
      %mul3A_216 = arith.mulf %gather3A_132, %sub3A_203 : vector<16xf32>
      %sub3A_217 = arith.subf %sub3A_205, %mul3A_216 : vector<16xf32>
      %mul3A_218 = arith.mulf %gather3A_132, %sub3A_207 : vector<16xf32>
      %sub3A_219 = arith.subf %sub3A_209, %mul3A_218 : vector<16xf32>
      %mul3A_220 = arith.mulf %gather3A_132, %sub3A_209 : vector<16xf32>
      %sub3A_221 = arith.subf %sub3A_211, %mul3A_220 : vector<16xf32>
      %mul3A_222 = arith.mulf %gather3A_132, %sub3A_211 : vector<16xf32>
      %sub3A_223 = arith.subf %sub3A_213, %mul3A_222 : vector<16xf32>
      %mul3A_224 = arith.mulf %gather3A_132, %sub3A_213 : vector<16xf32>
      %sub3A_225 = arith.subf %sub3A_215, %mul3A_224 : vector<16xf32>
      %mul3A_226 = arith.mulf %gather3A_132, %sub3A_215 : vector<16xf32>
      %sub3A_227 = arith.subf %sub3A_217, %mul3A_226 : vector<16xf32>
      %mul3A_228 = arith.mulf %gather3A_132, %sub3A_219 : vector<16xf32>
      %sub3A_229 = arith.subf %sub3A_221, %mul3A_228 : vector<16xf32>
      %mul3A_230 = arith.mulf %gather3A_132, %sub3A_221 : vector<16xf32>
      %sub3A_231 = arith.subf %sub3A_223, %mul3A_230 : vector<16xf32>
      %mul3A_232 = arith.mulf %gather3A_132, %sub3A_223 : vector<16xf32>
      %sub3A_233 = arith.subf %sub3A_225, %mul3A_232 : vector<16xf32>
      %mul3A_234 = arith.mulf %gather3A_132, %sub3A_225 : vector<16xf32>
      %sub3A_235 = arith.subf %sub3A_227, %mul3A_234 : vector<16xf32>
      %mul3A_236 = arith.mulf %gather3A_132, %sub3A_229 : vector<16xf32>
      %sub3A_237 = arith.subf %sub3A_231, %mul3A_236 : vector<16xf32>
      %mul3A_238 = arith.mulf %gather3A_132, %sub3A_231 : vector<16xf32>
      %sub3A_239 = arith.subf %sub3A_233, %mul3A_238 : vector<16xf32>
      %mul3A_240 = arith.mulf %gather3A_132, %sub3A_233 : vector<16xf32>
      %sub3A_241 = arith.subf %sub3A_235, %mul3A_240 : vector<16xf32>
      %mul3A_242 = arith.mulf %gather3A_132, %sub3A_237 : vector<16xf32>
      %sub3A_243 = arith.subf %sub3A_239, %mul3A_242 : vector<16xf32>
      %mul3A_244 = arith.mulf %gather3A_132, %sub3A_239 : vector<16xf32>
      %sub3A_245 = arith.subf %sub3A_241, %mul3A_244 : vector<16xf32>
      %mul3A_246 = arith.mulf %gather3A_132, %sub3A_243 : vector<16xf32>
      %sub3A_247 = arith.subf %sub3A_245, %mul3A_246 : vector<16xf32>
      %add3A_248 = arith.constant 0 : i32
      %add3A_249 = vector.broadcast %add3A_248 : i32 to vector<16xi32>
      %add3A_250 = arith.addi %mul3A_37, %add3A_249 : vector<16xi32>
      %mul3A_251 = arith.mulf %sub3A, %div3A_136 : vector<16xf32>
      tpu.vector_store_idx %arg15[%add3A_68, %add3A_250], %mul3A_251 : memref<800x15xf32, #tpu.memory_space<vmem>>[vector<16xi32>, vector<16xi32>], vector<16xf32>,
      %add3A_252 = arith.constant 0 : i32
      %add3A_253 = vector.broadcast %add3A_252 : i32 to vector<16xi32>
      %add3A_254 = arith.addi %mul3A_37, %add3A_253 : vector<16xi32>
      %add3A_255 = arith.constant 1 : i32
      %add3A_256 = vector.broadcast %add3A_255 : i32 to vector<16xi32>
      %add3A_257 = arith.addi %add3A_254, %add3A_256 : vector<16xi32>
      %mul3A_258 = arith.mulf %sub3A_193, %div3A_136 : vector<16xf32>
      tpu.vector_store_idx %arg15[%add3A_68, %add3A_257], %mul3A_258 : memref<800x15xf32, #tpu.memory_space<vmem>>[vector<16xi32>, vector<16xi32>], vector<16xf32>,
      %add3A_259 = arith.constant 2 : i32
      %add3A_260 = vector.broadcast %add3A_259 : i32 to vector<16xi32>
      %add3A_261 = arith.addi %mul3A_37, %add3A_260 : vector<16xi32>
      %mul3A_262 = arith.mulf %sub3A_151, %div3A_136 : vector<16xf32>
      tpu.vector_store_idx %arg15[%add3A_68, %add3A_261], %mul3A_262 : memref<800x15xf32, #tpu.memory_space<vmem>>[vector<16xi32>, vector<16xi32>], vector<16xf32>,
      %add3A_263 = arith.constant 2 : i32
      %add3A_264 = vector.broadcast %add3A_263 : i32 to vector<16xi32>
      %add3A_265 = arith.addi %mul3A_37, %add3A_264 : vector<16xi32>
      %add3A_266 = arith.constant 1 : i32
      %add3A_267 = vector.broadcast %add3A_266 : i32 to vector<16xi32>
      %add3A_268 = arith.addi %add3A_265, %add3A_267 : vector<16xi32>
      %mul3A_269 = arith.mulf %sub3A_207, %div3A_136 : vector<16xf32>
      tpu.vector_store_idx %arg15[%add3A_68, %add3A_268], %mul3A_269 : memref<800x15xf32, #tpu.memory_space<vmem>>[vector<16xi32>, vector<16xi32>], vector<16xf32>,
      %add3A_270 = arith.constant 4 : i32
      %add3A_271 = vector.broadcast %add3A_270 : i32 to vector<16xi32>
      %add3A_272 = arith.addi %mul3A_37, %add3A_271 : vector<16xi32>
      %mul3A_273 = arith.mulf %sub3A_163, %div3A_136 : vector<16xf32>
      tpu.vector_store_idx %arg15[%add3A_68, %add3A_272], %mul3A_273 : memref<800x15xf32, #tpu.memory_space<vmem>>[vector<16xi32>, vector<16xi32>], vector<16xf32>,
      %add3A_274 = arith.constant 4 : i32
      %add3A_275 = vector.broadcast %add3A_274 : i32 to vector<16xi32>
      %add3A_276 = arith.addi %mul3A_37, %add3A_275 : vector<16xi32>
      %add3A_277 = arith.constant 1 : i32
      %add3A_278 = vector.broadcast %add3A_277 : i32 to vector<16xi32>
      %add3A_279 = arith.addi %add3A_276, %add3A_278 : vector<16xi32>
      %mul3A_280 = arith.mulf %sub3A_219, %div3A_136 : vector<16xf32>
      tpu.vector_store_idx %arg15[%add3A_68, %add3A_279], %mul3A_280 : memref<800x15xf32, #tpu.memory_space<vmem>>[vector<16xi32>, vector<16xi32>], vector<16xf32>,
      %add3A_281 = arith.constant 6 : i32
      %add3A_282 = vector.broadcast %add3A_281 : i32 to vector<16xi32>
      %add3A_283 = arith.addi %mul3A_37, %add3A_282 : vector<16xi32>
      %mul3A_284 = arith.mulf %sub3A_173, %div3A_136 : vector<16xf32>
      tpu.vector_store_idx %arg15[%add3A_68, %add3A_283], %mul3A_284 : memref<800x15xf32, #tpu.memory_space<vmem>>[vector<16xi32>, vector<16xi32>], vector<16xf32>,
      %add3A_285 = arith.constant 6 : i32
      %add3A_286 = vector.broadcast %add3A_285 : i32 to vector<16xi32>
      %add3A_287 = arith.addi %mul3A_37, %add3A_286 : vector<16xi32>
      %add3A_288 = arith.constant 1 : i32
      %add3A_289 = vector.broadcast %add3A_288 : i32 to vector<16xi32>
      %add3A_290 = arith.addi %add3A_287, %add3A_289 : vector<16xi32>
      %mul3A_291 = arith.mulf %sub3A_229, %div3A_136 : vector<16xf32>
      tpu.vector_store_idx %arg15[%add3A_68, %add3A_290], %mul3A_291 : memref<800x15xf32, #tpu.memory_space<vmem>>[vector<16xi32>, vector<16xi32>], vector<16xf32>,
      %add3A_292 = arith.constant 8 : i32
      %add3A_293 = vector.broadcast %add3A_292 : i32 to vector<16xi32>
      %add3A_294 = arith.addi %mul3A_37, %add3A_293 : vector<16xi32>
      %mul3A_295 = arith.mulf %sub3A_181, %div3A_136 : vector<16xf32>
      tpu.vector_store_idx %arg15[%add3A_68, %add3A_294], %mul3A_295 : memref<800x15xf32, #tpu.memory_space<vmem>>[vector<16xi32>, vector<16xi32>], vector<16xf32>,
      %add3A_296 = arith.constant 8 : i32
      %add3A_297 = vector.broadcast %add3A_296 : i32 to vector<16xi32>
      %add3A_298 = arith.addi %mul3A_37, %add3A_297 : vector<16xi32>
      %add3A_299 = arith.constant 1 : i32
      %add3A_300 = vector.broadcast %add3A_299 : i32 to vector<16xi32>
      %add3A_301 = arith.addi %add3A_298, %add3A_300 : vector<16xi32>
      %mul3A_302 = arith.mulf %sub3A_237, %div3A_136 : vector<16xf32>
      tpu.vector_store_idx %arg15[%add3A_68, %add3A_301], %mul3A_302 : memref<800x15xf32, #tpu.memory_space<vmem>>[vector<16xi32>, vector<16xi32>], vector<16xf32>,
      %add3A_303 = arith.constant 10 : i32
      %add3A_304 = vector.broadcast %add3A_303 : i32 to vector<16xi32>
      %add3A_305 = arith.addi %mul3A_37, %add3A_304 : vector<16xi32>
      %mul3A_306 = arith.mulf %sub3A_187, %div3A_136 : vector<16xf32>
      tpu.vector_store_idx %arg15[%add3A_68, %add3A_305], %mul3A_306 : memref<800x15xf32, #tpu.memory_space<vmem>>[vector<16xi32>, vector<16xi32>], vector<16xf32>,
      %add3A_307 = arith.constant 10 : i32
      %add3A_308 = vector.broadcast %add3A_307 : i32 to vector<16xi32>
      %add3A_309 = arith.addi %mul3A_37, %add3A_308 : vector<16xi32>
      %add3A_310 = arith.constant 1 : i32
      %add3A_311 = vector.broadcast %add3A_310 : i32 to vector<16xi32>
      %add3A_312 = arith.addi %add3A_309, %add3A_311 : vector<16xi32>
      %mul3A_313 = arith.mulf %sub3A_243, %div3A_136 : vector<16xf32>
      tpu.vector_store_idx %arg15[%add3A_68, %add3A_312], %mul3A_313 : memref<800x15xf32, #tpu.memory_space<vmem>>[vector<16xi32>, vector<16xi32>], vector<16xf32>,
      %add3A_314 = arith.constant 12 : i32
      %add3A_315 = vector.broadcast %add3A_314 : i32 to vector<16xi32>
      %add3A_316 = arith.addi %mul3A_37, %add3A_315 : vector<16xi32>
      %mul3A_317 = arith.mulf %sub3A_191, %div3A_136 : vector<16xf32>
      tpu.vector_store_idx %arg15[%add3A_68, %add3A_316], %mul3A_317 : memref<800x15xf32, #tpu.memory_space<vmem>>[vector<16xi32>, vector<16xi32>], vector<16xf32>,
      %add3A_318 = arith.constant 12 : i32
      %add3A_319 = vector.broadcast %add3A_318 : i32 to vector<16xi32>
      %add3A_320 = arith.addi %mul3A_37, %add3A_319 : vector<16xi32>
      %add3A_321 = arith.constant 1 : i32
      %add3A_322 = vector.broadcast %add3A_321 : i32 to vector<16xi32>
      %add3A_323 = arith.addi %add3A_320, %add3A_322 : vector<16xi32>
      %mul3A_324 = arith.mulf %sub3A_247, %div3A_136 : vector<16xf32>
      tpu.vector_store_idx %arg15[%add3A_68, %add3A_323], %mul3A_324 : memref<800x15xf32, #tpu.memory_space<vmem>>[vector<16xi32>, vector<16xi32>], vector<16xf32>,
      %add3A_325 = arith.constant 14 : i32
      %add3A_326 = vector.broadcast %add3A_325 : i32 to vector<16xi32>
      %add3A_327 = arith.addi %mul3A_37, %add3A_326 : vector<16xi32>
      %mul3A_328 = arith.constant 2.500000e-03 : f32
      %mul3A_329 = vector.broadcast %mul3A_328 : f32 to vector<16xf32>
      %mul3A_330 = arith.mulf %gather3A_127, %mul3A_329 : vector<16xf32>
      tpu.vector_store_idx %arg15[%add3A_68, %add3A_327], %mul3A_330 : memref<800x15xf32, #tpu.memory_space<vmem>>[vector<16xi32>, vector<16xi32>], vector<16xf32>,
      %scan3A_331 = arith.constant 0 : i32
      scf.yield %scan3A_331 : i32
    }
    %scan3A_62 = arith.constant 50 : i32
    "tpu.region"() ({
      %run_scoped3A = tpu.sem_alloc : memref<!tpu.dma_semaphore, #tpu.memory_space<semaphore_mem>>
      %dma_start3A = arith.constant 800 : i32
      %dma_start3A_63 = arith.constant 0 : i32
      %dma_start3A_64 = tpu.memref_slice %arg7[%arg0, %arg1, %dma_start3A, %dma_start3A_63] : memref<2x16x1600x15xf32, #tpu.memory_space<hbm>> -> memref<1x1x800x15xf32, #tpu.memory_space<hbm>>
      %dma_start3A_65 = tpu.memref_squeeze %dma_start3A_64 : memref<1x1x800x15xf32, #tpu.memory_space<hbm>> -> memref<800x15xf32, #tpu.memory_space<hbm>>
      %dma_start3A_66 = arith.constant 800 : i32
      %dma_start3A_67 = arith.constant 0 : i32
      %dma_start3A_68 = tpu.memref_slice %arg7[%arg0, %arg1, %dma_start3A_66, %dma_start3A_67] : memref<2x16x1600x15xf32, #tpu.memory_space<hbm>> -> memref<1x1x800x15xf32, #tpu.memory_space<hbm>>
      %dma_start3A_69 = tpu.memref_squeeze %dma_start3A_68 : memref<1x1x800x15xf32, #tpu.memory_space<hbm>> -> memref<800x15xf32, #tpu.memory_space<hbm>>
      tpu.enqueue_dma source(%arg15 : memref<800x15xf32, #tpu.memory_space<vmem>>) target(%dma_start3A_69 : memref<800x15xf32, #tpu.memory_space<hbm>>) target_semaphore(%run_scoped3A : memref<!tpu.dma_semaphore, #tpu.memory_space<semaphore_mem>>)
      %dma_wait3A = arith.constant 800 : i32
      %dma_wait3A_70 = arith.constant 0 : i32
      %dma_wait3A_71 = tpu.memref_slice %arg7[%arg0, %arg1, %dma_wait3A, %dma_wait3A_70] : memref<2x16x1600x15xf32, #tpu.memory_space<hbm>> -> memref<1x1x800x15xf32, #tpu.memory_space<hbm>>
      %dma_wait3A_72 = tpu.memref_squeeze %dma_wait3A_71 : memref<1x1x800x15xf32, #tpu.memory_space<hbm>> -> memref<800x15xf32, #tpu.memory_space<hbm>>
      %dma_wait3A_73 = arith.constant 800 : i32
      %dma_wait3A_74 = arith.constant 0 : i32
      %dma_wait3A_75 = tpu.memref_slice %arg7[%arg0, %arg1, %dma_wait3A_73, %dma_wait3A_74] : memref<2x16x1600x15xf32, #tpu.memory_space<hbm>> -> memref<1x1x800x15xf32, #tpu.memory_space<hbm>>
      %dma_wait3A_76 = tpu.memref_squeeze %dma_wait3A_75 : memref<1x1x800x15xf32, #tpu.memory_space<hbm>> -> memref<800x15xf32, #tpu.memory_space<hbm>>
      tpu.wait_dma2 semaphore(%run_scoped3A : memref<!tpu.dma_semaphore, #tpu.memory_space<semaphore_mem>>) src(%arg15 : memref<800x15xf32, #tpu.memory_space<vmem>>) dst(%dma_wait3A_76 : memref<800x15xf32, #tpu.memory_space<hbm>>)
      tpu.yield
    }) : () -> ()
    return
  }
}

</mosaic_0001>

<sc_bundles>
// kernel: kernel.4.cloned.1.call-start
scs
__scs_entry_jumppad:
0x0: {  	(pc) =	sbr.rel $0x88, $3  }
0x1: {  	(tag) =	ssettag $0x0;
	lr =	simm.s32 $0x1  }
0x2: {  	[smem:$0x3F9E] =	sst lr;
	_ =	strace $0xD0000000  }
0x3: {  	_ = 	snop  }
0x4: {  	_ = 	snop  }
0x5: {  	_ = 	snop  }
0x6: {  	_ = 	snop  }
0x7: {  	_ = 	snop  }
__scs_overlays_trampoline_lowered:
0x8: {  	[smem:$0x3FAD] =	sst s0  }
0x9: {  	[smem:$0x3FAE] =	sst s1  }
0xa: {  	[smem:$0x3FAF] =	sst s2  }
0xb: {  	[smem:$0x3FB0] =	sst s3  }
0xc: {  	[smem:$0x3FB1] =	sst s4  }
0xd: {  	[smem:$0x3FB2] =	sst s5  }
0xe: {  	[smem:$0x3FB3] =	sst s6  }
0xf: {  	[smem:$0x3FB4] =	sst s7  }
0x10: {  	[smem:$0x3FB5] =	sst s8  }
0x11: {  	[smem:$0x3FB6] =	sst s9;
	s0 =	simm.s32 @!p0 $0x0  }
0x12: {  	s1 =	sld [smem:$0x3F9C];
	s0 =	simm.s32 @p0 $0x1  }
0x13: {  	[smem:$0x3FB7] =	sst s0;
	s0 =	simm.s32 @!p1 $0x0  }
0x14: {  	s2 =	sld [smem:$0x3F9B];
	s0 =	simm.s32 @p1 $0x1  }
0x15: {  	[smem:$0x3FB8] =	sst s0;
	s0 =	simm.s32 @!p2 $0x0  }
0x16: {  	s3 =	sld [smem:$0x3FDB];
	s0 =	simm.s32 @p2 $0x1  }
0x17: {  	s4 =	simm.s32 $0x1BF5;
	[smem:$0x3FBA] =	sst s0  }
0x18: {  	s0 =	sld [smem:$0x3F9D];
	_ =	swait.ge [sflag:s4], $0x0  }
0x19: {  	s7 =	sld [smem:$0x3F9E]  }
0x1a: {  	s8 =	sadd.s32 $0xFFFFE003, lr  }
0x1b: {  	s9 =	sadd.s32 $0xFFFFFEF7, lr;
	s5 =	simm.s32 $0xFFFFFFFF;
	p2 =	slt.u32 s8, $0xFFFFF086  }
0x1c: {  	p1 =	slt.u32 s9, $0xF7A;
	s5 =	simm.s32 @!p2 $0x0  }
0x1d: {  	s5 =	simm.s32 @p1 $0x1;
	p0 =	seq.s32 s7, s2  }
0x1e: {  	s7 =	smul.u32 @!p0 $0xF7A, s2;
	p2 =	seq.s32 @!p0 s5, $0x0  }
0x1f: {  	s9 =	smul.u32 $0xF7A, s1;
	s8 =	simm.s32 @!p0 $0x1BF5;
	p2 =	por !p2, p0  }
0x20: {  	[sflag:s8] =	ssyncset.s32 @!p0 $0xFFFFF086;
	s6 =	sadd.s32 @!p0 s3, s7;
	s7 =	simm.s32 @!p0 $0x108  }
0x21: {  	s3 =	sadd.s32 s3, s9;
	s6 =	sadd.s32 @!p0 $0x88, s6;
	s7 =	simm.s32 @p2 $0x1082  }
0x22: {  	[simem:s7], [sflag:s8] =	dma.local @!p0 [hbm:s6], $0xF7A  }
0x23: {  	s9 =	sor.u32 $0xD0000000, s2;
	s6 =	simm.s32 $0x108;
	_ =	swait.ge @!p0 [sflag:s8], $0x0  }
0x24: {  	s3 =	sadd.s32 $0x88, s3;
	s6 =	simm.s32 @!p1 $0x1082;
	[sflag:s4] =	ssyncset.s32 $0xFFFFF086  }
0x25: {  	[simem:s6], [sflag:s4] =	dma.local [hbm:s3], $0xF7A  }
0x26: {  	[smem:$0x3F9E] =	sst s1;
	(tag) =	ssettag s2;
	_ =	strace s9  }
0x27: {  	s1 =	sld [smem:$0x3FAE]  }
0x28: {  	s2 =	sld [smem:$0x3FAF]  }
0x29: {  	s4 =	sld [smem:$0x3FB1]  }
0x2a: {  	p0 =	seq.s32 s5, $0x0;
	s5 =	sld [smem:$0x3FB2]  }
0x2b: {  	s6 =	sld [smem:$0x3FB3]  }
0x2c: {  	s7 =	sld [smem:$0x3FB4]  }
0x2d: {  	s3 =	simm.s32 $0x108;
	s8 =	sld [smem:$0x3FB5]  }
0x2e: {  	s3 =	simm.s32 @!p0 $0x1082;
	s9 =	sld [smem:$0x3FB6]  }
0x2f: {  	lr =	sadd.s32 s0, s3;
	s0 =	sld [smem:$0x3FAD]  }
0x30: {  	s3 =	sld [smem:$0x3FB0]  }
0x31: {  	[smem:$0x3FB9] =	sst s10  }
0x32: {  	s10 =	sld [smem:$0x3FB7];
	_ =	sdelay $0x3  }
0x33: {  	p0 =	seq.s32 s10, $0x1;
	s10 =	sld [smem:$0x3FB9];
	_ =	sdelay $0x3  }
0x34: {  	[smem:$0x3FB9] =	sst s10  }
0x35: {  	s10 =	sld [smem:$0x3FB8];
	_ =	sdelay $0x3  }
0x36: {  	p1 =	seq.s32 s10, $0x1;
	s10 =	sld [smem:$0x3FB9];
	_ =	sdelay $0x3  }
0x37: {  	[smem:$0x3FB9] =	sst s10  }
0x38: {  	s10 =	sld [smem:$0x3FBA]  }
0x39: {  	_ = 	snop;
	(pc) =	sbr.ind lr, $3  }
0x3a: {  	_ = 	snop  }
0x3b: {  	_ = 	snop  }
0x3c: {  	p2 =	seq.s32 s10, $0x1;
	s10 =	sld [smem:$0x3FB9]  }
0x3d: {  	_ =	shalt  }
0x3e: {  	_ =	shalt  }
0x3f: {  	_ =	shalt  }
0x40: {  	_ =	shalt  }
0x41: {  	_ =	shalt  }
0x42: {  	_ =	shalt  }
0x43: {  	_ =	shalt  }
0x44: {  	_ =	shalt  }
0x45: {  	_ =	shalt  }
0x46: {  	_ =	shalt  }
0x47: {  	_ =	shalt  }
0x48: {  	_ =	shalt  }
0x49: {  	_ =	shalt  }
0x4a: {  	_ =	shalt  }
0x4b: {  	_ =	shalt  }
0x4c: {  	_ =	shalt  }
0x4d: {  	_ =	shalt  }
0x4e: {  	_ =	shalt  }
0x4f: {  	_ =	shalt  }
0x50: {  	_ =	shalt  }
0x51: {  	_ =	shalt  }
0x52: {  	_ =	shalt  }
0x53: {  	_ =	shalt  }
0x54: {  	_ =	shalt  }
0x55: {  	_ =	shalt  }
0x56: {  	_ =	shalt  }
0x57: {  	_ =	shalt  }
0x58: {  	_ =	shalt  }
0x59: {  	_ =	shalt  }
0x5a: {  	_ =	shalt  }
0x5b: {  	_ =	shalt  }
0x5c: {  	_ =	shalt  }
0x5d: {  	_ =	shalt  }
0x5e: {  	_ =	shalt  }
0x5f: {  	_ =	shalt  }
0x60: {  	_ =	shalt  }
0x61: {  	_ =	shalt  }
0x62: {  	_ =	shalt  }
0x63: {  	_ =	shalt  }
0x64: {  	_ =	shalt  }
0x65: {  	_ =	shalt  }
0x66: {  	_ =	shalt  }
0x67: {  	_ =	shalt  }
0x68: {  	_ =	shalt  }
0x69: {  	_ =	shalt  }
0x6a: {  	_ =	shalt  }
0x6b: {  	_ =	shalt  }
0x6c: {  	_ =	shalt  }
0x6d: {  	_ =	shalt  }
0x6e: {  	_ =	shalt  }
0x6f: {  	_ =	shalt  }
0x70: {  	_ =	shalt  }
0x71: {  	_ =	shalt  }
0x72: {  	_ =	shalt  }
0x73: {  	_ =	shalt  }
0x74: {  	_ =	shalt  }
0x75: {  	_ =	shalt  }
0x76: {  	_ =	shalt  }
0x77: {  	_ =	shalt  }
0x78: {  	_ =	shalt  }
0x79: {  	_ =	shalt  }
0x7a: {  	_ =	shalt  }
0x7b: {  	_ =	shalt  }
0x7c: {  	_ =	shalt  }
0x7d: {  	_ =	shalt  }
0x7e: {  	_ =	shalt  }
0x7f: {  	_ =	shalt  }
0x80: {  	_ =	shalt  }
0x81: {  	_ =	shalt  }
0x82: {  	_ =	shalt  }
0x83: {  	_ =	shalt  }
0x84: {  	_ =	shalt  }
0x85: {  	_ =	shalt  }
0x86: {  	_ =	shalt  }
0x87: {  	_ =	shalt  }
.Lfunc_end0:
.L_simem_size_0:
called_computation_lowered:
.L_overlay_start_0:
0x88: {  	s2 =	sld [smem:$0x3FD9]  }
0x89: {  	s3 =	sld [smem:$0x3FFE];
	_ =	sdelay $0x1  }
0x8a: {  	s1 =	srdreg.scid  }
0x8b: {  	s0 =	sand.u32 $0x1, s1  }
0x8c: {  	s17 =	sshll.u32 s0, $0xA;
	s2 =	sadd.s32 s3, s2  }
0x8d: {  	s2 =	sadd.s32 s2, s17  }
0x8e: {  	[smem:$0x3FC5] =	sst s2  }
0x8f: {  	_ = 	snop  }
0x90: {  	s2 =	sld [smem:$0x3FC7];
	(tm) =	ssettm $0x1  }
0x91: {  	s18 =	sld [smem:$0x3FFB];
	_ =	sdelay $0x3  }
0x92: {  	_ =	strace s18  }
0x93: {  	s3 =	sld [smem:$0x3FFC];
	_ =	sdelay $0x3  }
0x94: {  	_ =	strace s3  }
0x95: {  	s3 =	sld [smem:$0x3FFD];
	_ =	sdelay $0x3  }
0x96: {  	_ =	strace s3  }
0x97: {  	_ =	strace $0x8FFFFFFF  }
0x98: {  	s19 =	sld [smem:$0x3FDB];
	_ =	sdelay $0x1  }
0x99: {  	s4 =	simm.s32 $_scs_section_size  }
0x9a: {  	s5 =	simm.s32 $_size__tile_overlayer_lowered;
	s6 =	simm.s32 $_tile_overlayer_lowered  }
0x9b: {  	s22 =	simm.s32 $0x1BFF;
	s21 =	sshll.u32 s6, $0x1;
	s3 =	sadd.s32 s4, s19  }
0x9c: {  	s7 =	simm.s32 $0x0;
	s20 =	sshll.u32 s5, $0x1;
	s5 =	sadd.s32 s21, s3  }
0x9d: {  	[timem:s7], [sflag:s22] =	dma.local [hbm:s5], s20  }
0x9e: {  	_ =	swait.ge [sflag:s22], s20  }
0x9f: {  	s4 =	ssub.s32 $0x0, s20;
	[sflag:s22] =	ssyncset.done $0x0  }
0xa0: {  	[sflag:s22] =	ssyncadd.s32 s4;
	_ =	sdelay $0x1  }
0xa1: {  	s23 =	simm.s32 $0x1B8B  }
0xa2: {  	_ =	swait.ge [sflag:s23], $0x1  }
0xa3: {  	[sflag:s23] =	ssyncset.done $0x0  }
0xa4: {  	s25 =	simm.s32 $0x1B8E;
	s24 =	sld [smem:$0x3FFE];
	[sflag:s23] =	ssyncadd.s32 $0xFFFFFFFF  }
0xa5: {  	s26 =	simm.s32 $execute0_lowered;
	[smem:$0x3FD2] =	sst s25  }
0xa6: {  	s5 =	sshll.u32 s26, $0x1;
	_ =	strace $0x80000046;
	[dreg:$0x1] =	wrdreg $0xFFFFFFFF  }
0xa7: {  	s28 =	simm.s32 $_size_execute0_lowered;
	s3 =	sadd.s32 s3, s5;
	[dreg:$0x0] =	wrdreg $0x0  }
0xa8: {  	s5 =	sshll.u32 s28, $0x1;
	[dreg:$0x2] =	wrdreg s3  }
0xa9: {  	[dreg:$0x3] =	wrdreg s5  }
0xaa: {  	[dreg:$0x4] =	wrdreg $0xC0  }
0xab: {  	_ =	task [dreg:s7], $0x5FFFF  }
0xac: {  	[dreg:$0x1] =	wrdreg $0xFFFFFFFF  }
0xad: {  	[dreg:$0x0] =	wrdreg $0x60  }
0xae: {  	[dreg:$0x2] =	wrdreg s24  }
0xaf: {  	[dreg:$0x3] =	wrdreg s2  }
0xb0: {  	[dreg:$0x4] =	wrdreg $0x132600  }
0xb1: {  	[dreg:$0x5] =	wrdreg $0x9  }
0xb2: {  	_ =	task.clear_ibuf [dreg:s7], $0x6FFFF;
	_ =	strace $0x90000046  }
0xb3: {  	s29 =	simm.s32 $0x9;
	_ =	strace $0x80000048  }
0xb4: {  	_ =	swait.ge [sflag:s29], $0x1  }
0xb5: {  	[sflag:s29] =	ssyncadd.s32 $0xFFFFFFFF  }
0xb6: {  	_ =	strace $0x90000048  }
0xb7: {  	_ =	sfence  }
0xb8: {  	s30 =	sld [smem:$0x0];
	_ =	sdelay $0x2  }
0xb9: {  	s31 =	sshll.u32 s1, $0xD;
	s1 =	sshrl.u32 s1, $0x2  }
0xba: {  	s3 =	sand.u32 $0x4000, s31;
	s1 =	sadd.s32 s1, s30  }
0xbb: {  	s0 =	sor.u32 s3, s0;
	s1 =	sshll.u32 s1, $0x11  }
0xbc: {  	s0 =	sor.u32 s1, s0  }
0xbd: {  	s0 =	sadd.s32 $0x8F2B, s0  }
0xbe: {  	[sflag:s0] =	ssyncadd.remote.s32 $0x1  }
0xbf: {  	_ =	sfence.sel $0xFFFF  }
0xc0: {  	[dreg:$0x0] =	wrdreg $0xFFFFFFFF;
	(pc) =	sbr.abs _section_cstart, $3  }
0xc1: {  	[dreg:$0x1] =	wrdreg $0xFFFFFFFF  }
0xc2: {  	_ =	task.clear_ibuf [dreg:s7], $0x2FFFF;
	_ =	strace $0x9FFFFFFF  }
0xc3: {  	(tm) =	ssettm $0x7FFFFFFF  }
tec
execute0_lowered:
.L_overlay_start_1:
0x0: {  	(tag) =	ssettag $0x1  }
0x1: {  	s9 =	rddreg [dreg:$0x0]  }
0x2: {  	s1 =	rddreg [dreg:$0x1]  }
0x3: {  	s2 =	rddreg [dreg:$0x2]  }
0x4: {  	s0 =	simm.s32 $0x0;
	s4 =	srdreg.scid;
	s18 =	simm.s32 $0x1  }
0x5: {  	s19 =	simm.s32 $0x9C40;
	s20 =	simm.s32 $0xA8D0;
	s21 =	simm.s32 $0x2  }
0x6: {  	s22 =	simm.s32 $0xFA0;
	s23 =	simm.s32 $0x7D0;
	s10 =	sand.u32 $0x1, s4  }
0x7: {  	s24 =	simm.s32 $0xB560;
	s4 =	stileid.u32;
	s11 =	smul.u32 $0x64000, s10  }
0x8: {  	s28 =	simm.s32 $0x0;
	[smem:$0x7FF] =	sst s0;
	s12 =	smul.u32 $0x6400, s4  }
0x9: {  	s5 =	sadd.s32 $0x61A9800, s9;
	s6 =	sadd.s32 $0x1600, s9;
	s8 =	smul.u32 $0x61A8, s10  }
0xa: {  	s7 =	sadd.s32 $0x1400, s9;
	s10 =	ssub.s32 $0x2, s10;
	s25 =	smul.u32 $0x640, s4  }
0xb: {  	s15 =	sadd.s32 $0x1800, s9;
	s14 =	smul.u32 $0x19000, s4;
	s13 =	sshrl.u32 s10, $0x1  }
0xc: {  	_ =	strace $0x80000047;
	s11 =	sadd.s32 s12, s11;
	s17 =	ssub.s32 s10, s13  }
0xd: {  	v0 =	vlaneseq.u32;
	s26 =	sshrl.u32 s14, $0x2;
	s29 =	sadd.s32 s15, s25;
	s30 =	sadd.s32 $0x320, s25  }
0xe: {  	v1 =	vimm.f32 $0.0e+00;
	v2 =	vand.u32 $0x1, v0;
	s15 =	sadd.s32 s15, s8;
	s25 =	simm.s32 $0x11960;
	s11 =	sshrl.u32 s11, $0x3  }
0xf: {  	vm0 =	vcmask $0x3B38;
	v5 =	vshrl.u32 v0, $0x1;
	v2 =	vmul.u32 $0x7, v2;
	s10 =	sadd.s32 s26, s2;
	s31 =	sshll.u32 s30, $0x4;
	s14 =	sadd.s32 s30, s15  }
0x10: {  	v4 =	vsel vm0, $0x3F800000, v1;
	v5 =	vmul.u32 $0x10, v5;
	v3 =	vmov s8;
	s26 =	simm.s32 $0xE760;
	s16 =	sadd.s32 s11, s9;
	s9 =	sadd.s32 $0x61A8, s8  }
0x11: {  	v6 =	vadd.s32 $0x1, v2;
	v7 =	vadd.s32 $0x2, v2;
	v8 =	vadd.s32 $0x3, v2;
	s11 =	sadd.s32 s8, s29;
	s13 =	sadd.s32 s31, s2;
	s12 =	sadd.s32 $0x1A800, s16  }
0x12: {  	v9 =	vadd.s32 $0x4, v2;
	v10 =	vadd.s32 $0x5, v2;
	v11 =	vadd.s32 $0x6, v2;
	s15 =	sadd.s32 $0x1AE40, s16;
	s16 =	smax.u32 s17, $0x1;
	s17 =	simm.s32 $0x1F40  }
.LBB2_1:
0x13: {  	s29 =	simm.s32 $0x40;
	s30 =	simm.s32 $0x0  }
.LBB2_2:
0x14: {  	p0 =	sne.s32 s29, $0x1F3C0;
	[tilespmem:s30+$0x1F40] =	vst v1;
	s30 =	smov.u32 s29;
	s29 =	sadd.s32 $0x40, s29  }
.Ltmp0:
0x15: {  	(pc) =	sbr.rel @p0 .LBB2_2-.Ltmp0, $2  }
0x16: {  	_ =	sdelay $0x2  }
0x17: {  	s30 =	sshra.s32 s30, $0x2  }
0x18: {  	[tilespmem:s30+$0x1F40] =	vst v1  }
0x19: {  	[spmem:s10] =	stream.linear.scatter [tilespmem:s17], [sflag:$0x1], $0x6400, $0x38;
	[tilespmem:$0x19660] =	vst v63  }
0x1a: {  	_ =	swait.ge [sflag:s18], $0x6400  }
0x1b: {  	[sflag:s18] =	ssyncset.done $0x0  }
0x1c: {  	s29 =	simm.s32 $0x40;
	s30 =	simm.s32 $0x0;
	[sflag:s18] =	ssyncadd.s32 $0xFFFF9C00  }
.LBB2_4:
0x1d: {  	p0 =	sne.s32 s29, $0x1F3C0;
	[tilespmem:s30+$0x1F40] =	vst v4;
	s30 =	smov.u32 s29;
	s29 =	sadd.s32 $0x40, s29  }
.Ltmp1:
0x1e: {  	(pc) =	sbr.rel @p0 .LBB2_4-.Ltmp1, $2  }
0x1f: {  	_ =	sdelay $0x2  }
0x20: {  	s30 =	sshra.s32 s30, $0x2  }
0x21: {  	[tilespmem:s30+$0x1F40] =	vst v4;
	s29 =	simm.s32 $0x0  }
0x22: {  	[tilespmem:s19], [sflag:$0x1] =	stream.linear.gather [hbm4b:s6+s29], $0xC80, $0x38;
	[tilespmem:$0x19660] =	vst v63  }
0x23: {  	_ =	swait.ge [sflag:s18], $0xC80  }
0x24: {  	[sflag:s18] =	ssyncset.done $0x0  }
0x25: {  	[sflag:s18] =	ssyncadd.s32 $0xFFFFF380  }
0x26: {  	[tilespmem:s20], [sflag:$0x1] =	stream.linear.gather [hbm4b:s7+s29], $0xC80, $0x38;
	[tilespmem:$0x19660] =	vst v63  }
.Ltmp2:
0x27: {  	_ =	swait.ge [sflag:s18], $0xC80;
	(pc) =	sbr.rel .LBB2_6-.Ltmp2, $3  }
0x28: {  	[sflag:s18] =	ssyncset.done $0x0  }
0x29: {  	[sflag:s18] =	ssyncadd.s32 $0xFFFFF380  }
0x2a: {  	[bflag:$0x0] =	sbarrier.arrive $0xFFFF;
	_ =	sdelay $0x1  }
.LBB2_12:
0x2b: {  	s29 =	sadd.s32 $0x1, s29  }
0x2c: {  	p0 =	sne.s32 s29, $0xC8  }
.Ltmp3:
0x2d: {  	_ = 	snop;
	(pc) =	sbr.rel @!p0 .LBB2_13-.Ltmp3, $1  }
0x2e: {  	_ =	sdelay $0x3  }
.LBB2_6:
0x2f: {  	s30 =	sshll.u32 s29, $0x4  }
0x30: {  	s30 =	sor.u32 s4, s30  }
0x31: {  	v12 =	vld [tilespmem:s30+$0x9C40]  }
0x32: {  	v13 =	vld [tilespmem:s30+$0xA8D0];
	_ =	sdelay $0x3  }
0x33: {  	(v2sf) =	vpush v12, $0x0  }
0x34: {  	(v2sf) =	vpush v13, $0x0;
	_ =	sdelay $0xd  }
0x35: {  	s31 =	spop (v2sf)  }
0x36: {  	s0 =	spop (v2sf);
	p0 =	sge.s32 s31, s9  }
0x37: {  	p1 =	slt.s32 @!p0 s0, s8  }
0x38: {  	p0 =	por p0, p1  }
.Ltmp4:
0x39: {  	_ = 	snop;
	(pc) =	sbr.rel @p0 .LBB2_12-.Ltmp4, $1  }
0x3a: {  	_ =	sdelay $0x3  }
0x3b: {  	s0 =	smul.u32 $0xFA, s30;
	_ =	sdelay $0x1  }
0x3c: {  	s31 =	simm.s32 $0x0;
	s0 =	sadd.s32 s1, s0  }
0x3d: {  	[tilespmem:s31], [sflag:$0x2] =	stream.linear.gather [hbm4b:s0+s31], $0x7D0, $0x38;
	[tilespmem:$0x19660] =	vst v63  }
0x3e: {  	s3 =	smul.u32 $0x1F4, s30;
	_ =	swait.ge [sflag:s21], $0x7D0  }
0x3f: {  	[sflag:s21] =	ssyncset.done $0x0  }
0x40: {  	s0 =	sadd.s32 s5, s3;
	[sflag:s21] =	ssyncadd.s32 $0xFFFFF830  }
0x41: {  	[tilespmem:s22], [sflag:$0x2] =	stream.linear.gather [hbm4b:s0+s31], $0xFA0, $0x38;
	[tilespmem:$0x19660] =	vst v63  }
0x42: {  	_ =	swait.ge [sflag:s21], $0xFA0  }
0x43: {  	[sflag:s21] =	ssyncset.done $0x0  }
0x44: {  	s30 =	simm.s32 $0x0;
	[sflag:s21] =	ssyncadd.s32 $0xFFFFF060  }
0x45: {  	s31 =	simm.s32 $0x40;
	v12 =	vld [tilespmem:s30+$0x0]  }
.LBB2_8:
0x46: {  	_ =	sdelay $0x1  }
0x47: {  	p0 =	sne.s32 s31, $0x1F00  }
.Ltmp5:
0x48: {  	_ = 	snop;
	(pc) =	sbr.rel @p0 .LBB2_8-.Ltmp5, $4  }
0x49: {  	v13 =	vsub.s32 v12, v3  }
0x4a: {  	vm0 =	vlt.u32 v13, $0x61A8  }
0x4b: {  	s0 =	sshra.s32 s31, $0x2;
	v13 =	vnsel vm0, $0x63FF, v13  }
0x4c: {  	s31 =	sadd.s32 $0x40, s31;
	v12 =	vld [tilespmem:s0+$0x0];
	[tilespmem:s30+$0x7D0] =	vst v13;
	s30 =	smov.u32 s0  }
0x4d: {  	_ =	sdelay $0x3  }
0x4e: {  	v12 =	vsub.s32 v12, v3  }
0x4f: {  	vm0 =	vlt.u32 v12, $0x61A8  }
0x50: {  	v12 =	vnsel vm0, $0x63FF, v12  }
0x51: {  	[tilespmem:s30+$0x7D0] =	vst v12;
	s30 =	simm.s32 $0xFB0  }
0x52: {  	v12 =	vld [tilespmem:s30+$0xFFFFFFF0];
	_ =	sdelay $0x1  }
0x53: {  	s0 =	simm.s32 $0x0  }
0x54: {  	v13 =	vmov s0  }
0x55: {  	v13 =	vshll.u32 v13, $0x4  }
0x56: {  	v13 =	vor.u32 v5, v13;
	v14 =	vmul.f32 v12, v12  }
0x57: {  	v15 =	vor.u32 v2, v13  }
0x58: {  	v16 =	vor.u32 v6, v13;
	v17 =	vmul.f32 v14, v12  }
0x59: {  	v18 =	vor.u32 v7, v13  }
0x5a: {  	v20 =	vor.u32 v8, v13;
	v19 =	vmul.f32 v17, v12  }
0x5b: {  	v21 =	vor.u32 v9, v13  }
0x5c: {  	v22 =	vor.u32 v10, v13;
	[tilespmem:v15+s17+$0x0] =	vst.idx.msk $0xffff, v12;
	v15 =	vmul.f32 v19, v12  }
0x5d: {  	v13 =	vor.u32 v11, v13;
	[tilespmem:v16+s17+$0x0] =	vst.idx.msk $0xffff, v14  }
0x5e: {  	[tilespmem:v18+s17+$0x0] =	vst.idx.msk $0xffff, v17;
	v14 =	vmul.f32 v15, v12  }
0x5f: {  	[tilespmem:v20+s17+$0x0] =	vst.idx.msk $0xffff, v19  }
0x60: {  	[tilespmem:v21+s17+$0x0] =	vst.idx.msk $0xffff, v15;
	v12 =	vmul.f32 v14, v12  }
0x61: {  	[tilespmem:v22+s17+$0x0] =	vst.idx.msk $0xffff, v14  }
0x62: {  	[tilespmem:v13+s17+$0x0] =	vst.idx.msk $0xffff, v12  }
0x63: {  	v13 =	vld [tilespmem:s30+$0x0]  }
0x64: {  	s3 =	simm.s32 $0x8  }
0x65: {  	v12 =	vmov s3  }
0x66: {  	v12 =	vshll.u32 v12, $0x4  }
0x67: {  	v12 =	vor.u32 v5, v12  }
0x68: {  	v14 =	vor.u32 v2, v12;
	v15 =	vmul.f32 v13, v13  }
0x69: {  	v57 =	vor.u32 v6, v12  }
0x6a: {  	v58 =	vor.u32 v7, v12;
	v59 =	vmul.f32 v15, v13  }
0x6b: {  	v60 =	vor.u32 v8, v12  }
0x6c: {  	v61 =	vor.u32 v9, v12;
	v62 =	vmul.f32 v59, v13  }
0x6d: {  	[tilespmem:v14+s17+$0x0] =	vst.idx.msk $0xffff, v13;
	v14 =	vor.u32 v10, v12  }
0x6e: {  	[tilespmem:v57+s17+$0x0] =	vst.idx.msk $0xffff, v15;
	v15 =	vmul.f32 v62, v13  }
0x6f: {  	v12 =	vor.u32 v11, v12;
	[tilespmem:v58+s17+$0x0] =	vst.idx.msk $0xffff, v59  }
0x70: {  	[tilespmem:v60+s17+$0x0] =	vst.idx.msk $0xffff, v62;
	v63 =	vmul.f32 v15, v13  }
0x71: {  	[tilespmem:v61+s17+$0x0] =	vst.idx.msk $0xffff, v15  }
0x72: {  	s31 =	simm.s32 $0x18;
	[tilespmem:v14+s17+$0x0] =	vst.idx.msk $0xffff, v63;
	v13 =	vmul.f32 v63, v13  }
.LBB2_10:
0x73: {  	p0 =	sne.s32 s31, $0x7C8  }
0x74: {  	s30 =	sadd.s32 $0x20, s30;
	s0 =	smov.u32 s31;
	s31 =	sadd.s32 $0x10, s31;
	[tilespmem:v12+s17+$0x0] =	vst.idx.msk $0xffff, v13  }
0x75: {  	v12 =	vld [tilespmem:s30+$0xFFFFFFF0];
	_ =	sdelay $0x1  }
0x76: {  	s3 =	sadd.s32 $0xFFFFFFF8, s0  }
0x77: {  	v13 =	vmov s3  }
0x78: {  	v13 =	vshll.u32 v13, $0x4  }
0x79: {  	v13 =	vor.u32 v5, v13;
	v14 =	vmul.f32 v12, v12  }
0x7a: {  	v15 =	vor.u32 v2, v13  }
0x7b: {  	v16 =	vor.u32 v6, v13;
	v17 =	vmul.f32 v14, v12  }
0x7c: {  	v18 =	vor.u32 v7, v13  }
0x7d: {  	v20 =	vor.u32 v8, v13;
	v19 =	vmul.f32 v17, v12  }
0x7e: {  	v21 =	vor.u32 v9, v13  }
0x7f: {  	v22 =	vor.u32 v10, v13;
	[tilespmem:v15+s17+$0x0] =	vst.idx.msk $0xffff, v12;
	v15 =	vmul.f32 v19, v12  }
0x80: {  	v13 =	vor.u32 v11, v13;
	[tilespmem:v16+s17+$0x0] =	vst.idx.msk $0xffff, v14  }
0x81: {  	[tilespmem:v18+s17+$0x0] =	vst.idx.msk $0xffff, v17;
	v14 =	vmul.f32 v15, v12  }
0x82: {  	[tilespmem:v20+s17+$0x0] =	vst.idx.msk $0xffff, v19  }
0x83: {  	[tilespmem:v21+s17+$0x0] =	vst.idx.msk $0xffff, v15;
	v12 =	vmul.f32 v14, v12;
	v15 =	vmov s0  }
0x84: {  	[tilespmem:v22+s17+$0x0] =	vst.idx.msk $0xffff, v14;
	v14 =	vshll.u32 v15, $0x4  }
0x85: {  	[tilespmem:v13+s17+$0x0] =	vst.idx.msk $0xffff, v12;
	v12 =	vor.u32 v5, v14  }
0x86: {  	v13 =	vld [tilespmem:s30+$0x0];
	v14 =	vor.u32 v2, v12;
	_ =	sdelay $0x1  }
0x87: {  	v15 =	vor.u32 v6, v12;
	_ =	sdelay $0x1  }
0x88: {  	v16 =	vor.u32 v7, v12  }
0x89: {  	[tilespmem:v14+s17+$0x0] =	vst.idx.msk $0xffff, v13;
	v14 =	vmul.f32 v13, v13  }
0x8a: {  	v17 =	vor.u32 v8, v12  }
0x8b: {  	[tilespmem:v15+s17+$0x0] =	vst.idx.msk $0xffff, v14;
	v14 =	vmul.f32 v14, v13  }
0x8c: {  	v15 =	vor.u32 v9, v12  }
0x8d: {  	[tilespmem:v16+s17+$0x0] =	vst.idx.msk $0xffff, v14;
	v14 =	vmul.f32 v14, v13  }
0x8e: {  	v16 =	vor.u32 v10, v12  }
.Ltmp6:
0x8f: {  	[tilespmem:v17+s17+$0x0] =	vst.idx.msk $0xffff, v14;
	v14 =	vmul.f32 v14, v13;
	(pc) =	sbr.rel @p0 .LBB2_10-.Ltmp6, $3  }
0x90: {  	v12 =	vor.u32 v11, v12  }
0x91: {  	[tilespmem:v15+s17+$0x0] =	vst.idx.msk $0xffff, v14;
	v14 =	vmul.f32 v14, v13;
	_ =	sdelay $0x1  }
0x92: {  	[tilespmem:v16+s17+$0x0] =	vst.idx.msk $0xffff, v14;
	v13 =	vmul.f32 v14, v13  }
0x93: {  	_ =	sdelay $0x3  }
.Ltmp7:
0x94: {  	[tilespmem:v12+s17+$0x0] =	vst.idx.msk $0xffff, v13;
	(pc) =	sbr.rel .LBB2_12-.Ltmp7, $4  }
0x95: {  	[spmem:s2] =	stream.indirect.scatter.add.f32 [tilespmem:s17], [sflag:$0x1], $0x10, s23, s23, $0xb8;
	[tilespmem:$0x19660] =	vst v63  }
0x96: {  	_ =	swait.ge [sflag:s18], $0x7D00  }
0x97: {  	[sflag:s18] =	ssyncset.done $0x0  }
0x98: {  	[sflag:s18] =	ssyncadd.s32 $0xFFFF8300  }
.LBB2_13:
0x99: {  	[bflag:$0x0] =	sbarrier.arrive $0xFFFF  }
0x9a: {  	[tilespmem:s24], [sflag:$0x1] =	stream.linear.gather [spmem:s10], $0x3200, $0x38;
	[tilespmem:$0x19660] =	vst v63  }
0x9b: {  	s0 =	simm.s32 $0x0;
	_ =	swait.ge [sflag:s18], $0x3200  }
0x9c: {  	v12 =	vor.u32 s0, v0;
	[sflag:s18] =	ssyncset.done $0x0  }
0x9d: {  	v13 =	vshll.u32 v12, $0x3;
	[sflag:s18] =	ssyncadd.s32 $0xFFFFCE00  }
0x9e: {  	v24 =	vshll.u32 v12, $0x4;
	v14 =	vor.u32 $0x1, v13;
	[tilespmem:s25], [sflag:$0x1] =	stream.linear.gather [hbm4b:s11+s0], $0x1900, $0x38;
	[tilespmem:$0x19660] =	vst v63  }
0x9f: {  	v12 =	vor.u32 $0xE, v24;
	_ =	swait.ge [sflag:s18], $0x1900  }
0xa0: {  	v18 =	vor.u32 $0x7, v24;
	[sflag:s18] =	ssyncset.done $0x0  }
0xa1: {  	[sflag:s18] =	ssyncadd.s32 $0xFFFFE700  }
0xa2: {  	v20 =	vor.u32 $0x9, v24;
	v16 =	vld.idx.msk [tilespmem:v13+s25+$0x0], $0xffff  }
0xa3: {  	v38 =	vor.u32 $0x4, v24;
	v17 =	vld.idx.msk [tilespmem:v14+s25+$0x0], $0xffff  }
0xa4: {  	v25 =	vor.u32 $0x1, v24;
	v13 =	vld.idx.msk [tilespmem:v12+s24+$0x0], $0xffff  }
0xa5: {  	v19 =	vor.u32 $0x8, v24;
	v23 =	vld.idx.msk [tilespmem:v18+s24+$0x0], $0xffff  }
0xa6: {  	v21 =	vor.u32 $0xA, v24;
	v22 =	vld.idx.msk [tilespmem:v24+s24+$0x0], $0xffff  }
0xa7: {  	v26 =	vor.u32 $0x2, v24;
	v36 =	vld.idx.msk [tilespmem:v20+s24+$0x0], $0xffff  }
0xa8: {  	v45 =	vld.idx.msk [tilespmem:v38+s24+$0x0], $0xffff  }
0xa9: {  	v31 =	vor.u32 $0x6, v24;
	v33 =	vor.u32 $0x3, v24;
	v27 =	vld.idx.msk [tilespmem:v25+s24+$0x0], $0xffff  }
0xaa: {  	v15 =	vor.u32 $0xC, v24;
	v43 =	vor.u32 $0x5, v24;
	v28 =	vld.idx.msk [tilespmem:v19+s24+$0x0], $0xffff;
	v30 =	vmul.f32 v16, v13  }
0xab: {  	v14 =	vor.u32 $0xD, v24;
	v39 =	vld.idx.msk [tilespmem:v21+s24+$0x0], $0xffff;
	v34 =	vmul.f32 v17, v13;
	v35 =	vmul.f32 v17, v23  }
0xac: {  	v32 =	vld.idx.msk [tilespmem:v26+s24+$0x0], $0xffff;
	v29 =	vmax.f32 v13, $1.000000000e+00;
	v37 =	vmul.f32 v16, v22;
	v41 =	vmul.f32 v17, v36  }
0xad: {  	v50 =	vmul.f32 v16, v45;
	(erf) = vrcp.f32 v29;
	v30 =	vsub.f32 v22, v30  }
0xae: {  	v40 =	vld.idx.msk [tilespmem:v33+s24+$0x0], $0xffff;
	v22 =	vor.u32 $0xB, v24;
	v29 =	vsub.f32 v23, v34;
	v23 =	vsub.f32 v27, v37  }
0xaf: {  	v63 =	vld.idx.msk [tilespmem:v43+s24+$0x0], $0xffff;
	v27 =	vmul.f32 v16, v27;
	v35 =	vsub.f32 v28, v35;
	v28 =	vmul.f32 v17, v28  }
0xb0: {  	v41 =	vsub.f32 v39, v41;
	v39 =	vmul.f32 v17, v39;
	v60 =	vmul.f32 v30, v16  }
0xb1: {  	v61 =	vmul.f32 v29, v17;
	v27 =	vsub.f32 v32, v27;
	v32 =	vmul.f32 v16, v32  }
0xb2: {  	v28 =	vsub.f32 v36, v28;
	v34 =	vsub.f32 v23, v60;
	v23 =	vmul.f32 v23, v16  }
0xb3: {  	v37 =	vsub.f32 v35, v61;
	v35 =	vmul.f32 v35, v17;
	v32 =	vsub.f32 v40, v32  }
0xb4: {  	v40 =	vmul.f32 v16, v40;
	v60 =	vmul.f32 v16, v63;
	v23 =	vsub.f32 v27, v23  }
0xb5: {  	v62 =	vld.idx.msk [tilespmem:v22+s24+$0x0], $0xffff;
	v42 =	vmul.f32 v34, v16;
	v44 =	vmul.f32 v37, v17;
	v35 =	vsub.f32 v28, v35  }
0xb6: {  	v27 =	vmul.f32 v27, v16;
	v28 =	vmul.f32 v28, v17;
	v40 =	vsub.f32 v45, v40  }
0xb7: {  	v42 =	vsub.f32 v23, v42;
	v46 =	vmul.f32 v23, v16;
	v44 =	vsub.f32 v35, v44  }
0xb8: {  	v27 =	vsub.f32 v32, v27;
	v35 =	vmul.f32 v35, v17;
	v36 =	vmul.f32 v40, v16  }
0xb9: {  	v28 =	vsub.f32 v41, v28;
	v32 =	vmul.f32 v32, v16;
	v47 =	vmul.f32 v42, v16  }
0xba: {  	v48 =	vld.idx.msk [tilespmem:v15+s24+$0x0], $0xffff;
	v46 =	vsub.f32 v27, v46;
	v52 =	vmul.f32 v27, v16;
	v27 =	vmul.f32 v17, v62  }
0xbb: {  	v23 =	vpop (erf);
	v53 =	vmul.f32 v44, v17;
	v54 =	vmul.f32 v28, v17  }
0xbc: {  	v39 =	vsub.f32 v62, v39;
	v34 =	vmul.f32 v34, v23;
	v30 =	vmul.f32 v30, v23  }
0xbd: {  	v49 =	vld.idx.msk [tilespmem:v14+s24+$0x0], $0xffff;
	v35 =	vsub.f32 v28, v35;
	v37 =	vmul.f32 v37, v23;
	v29 =	vmul.f32 v29, v23  }
0xbe: {  	v51 =	vld.idx.msk [tilespmem:v31+s24+$0x0], $0xffff;
	v58 =	vmul.f32 v42, v23;
	v59 =	vmul.f32 v44, v23;
	[tilespmem:v24+s26+$0x0] =	vst.idx.msk $0xffff, v30  }
0xbf: {  	v24 =	vmul.f32 v17, v48;
	v30 =	vsub.f32 v48, v27;
	v27 =	vmul.f32 v39, v17  }
0xc0: {  	[tilespmem:v25+s26+$0x0] =	vst.idx.msk $0xffff, v29;
	v25 =	vmul.f32 v46, v16;
	v29 =	vsub.f32 v63, v50  }
0xc1: {  	v63 =	vsub.f32 v40, v32;
	[tilespmem:v26+s26+$0x0] =	vst.idx.msk $0xffff, v34;
	v26 =	vsub.f32 v46, v47  }
0xc2: {  	v57 =	vsub.f32 v49, v24;
	v24 =	vmul.f32 v41, v17;
	v27 =	vsub.f32 v30, v27  }
0xc3: {  	v62 =	vmul.f32 v30, v17;
	v30 =	vsub.f32 v51, v60;
	[tilespmem:v33+s26+$0x0] =	vst.idx.msk $0xffff, v37  }
0xc4: {  	v33 =	vmul.f32 v35, v17;
	v32 =	vsub.f32 v29, v36;
	v36 =	vsub.f32 v63, v52  }
0xc5: {  	v37 =	vmul.f32 v63, v16;
	v28 =	vsub.f32 v39, v24;
	[tilespmem:v38+s26+$0x0] =	vst.idx.msk $0xffff, v58  }
0xc6: {  	v61 =	vmul.f32 v26, v23;
	v24 =	vsub.f32 v35, v53;
	v26 =	vmul.f32 v26, v16  }
0xc7: {  	v34 =	vsub.f32 v57, v62;
	v38 =	vmul.f32 v27, v17;
	[tilespmem:v43+s26+$0x0] =	vst.idx.msk $0xffff, v59  }
0xc8: {  	s29 =	simm.s32 $0x10;
	[tilespmem:v31+s26+$0x0] =	vst.idx.msk $0xffff, v61;
	v31 =	vmul.f32 v24, v17;
	v35 =	vsub.f32 v28, v54  }
.LBB2_14:
0xc9: {  	p0 =	sne.s32 s29, $0x310;
	v29 =	vmul.f32 v29, v16;
	v25 =	vsub.f32 v36, v25;
	v36 =	vmul.f32 v36, v16;
	s30 =	smov.u32 s29;
	s29 =	sadd.s32 $0x10, s29  }
0xca: {  	v28 =	vmul.f32 v28, v17;
	v37 =	vsub.f32 v32, v37;
	v34 =	vsub.f32 v34, v38  }
0xcb: {  	v29 =	vsub.f32 v30, v29;
	v30 =	vsub.f32 v35, v33;
	v33 =	vmul.f32 v35, v17  }
0xcc: {  	v32 =	vmul.f32 v32, v16;
	v27 =	vsub.f32 v27, v28;
	v35 =	vsub.f32 v37, v36  }
0xcd: {  	v28 =	vmul.f32 v37, v16;
	v36 =	vmul.f32 v25, v16;
	v31 =	vsub.f32 v30, v31  }
0xce: {  	v29 =	vsub.f32 v29, v32;
	v30 =	vmul.f32 v30, v17;
	v32 =	vmul.f32 v35, v16  }
0xcf: {  	v25 =	vsub.f32 v25, v26;
	v26 =	vmul.f32 v31, v17;
	v31 =	vmul.f32 v31, v23  }
0xd0: {  	v24 =	vmul.f32 v24, v23;
	v28 =	vsub.f32 v29, v28;
	v29 =	vmul.f32 v27, v17  }
0xd1: {  	v35 =	vsub.f32 v35, v36;
	v36 =	vmul.f32 v25, v16;
	v27 =	vsub.f32 v27, v33  }
0xd2: {  	v29 =	vsub.f32 v34, v29;
	[tilespmem:v18+s26+$0x0] =	vst.idx.msk $0xffff, v24;
	v18 =	vmul.f32 v25, v23  }
0xd3: {  	v24 =	vsub.f32 v35, v36;
	v25 =	vsub.f32 v27, v30;
	v27 =	vmul.f32 v27, v17  }
0xd4: {  	v28 =	vsub.f32 v28, v32;
	[tilespmem:v19+s26+$0x0] =	vst.idx.msk $0xffff, v18  }
0xd5: {  	v18 =	vmul.f32 v35, v16;
	v19 =	vsub.f32 v29, v27;
	v26 =	vsub.f32 v25, v26  }
0xd6: {  	v25 =	vmul.f32 v25, v17;
	[tilespmem:v20+s26+$0x0] =	vst.idx.msk $0xffff, v31;
	v20 =	vmul.f32 v24, v23  }
0xd7: {  	v16 =	vmul.f32 v24, v16;
	v18 =	vsub.f32 v28, v18;
	v17 =	vmul.f32 v26, v17  }
0xd8: {  	v19 =	vsub.f32 v19, v25;
	[tilespmem:v21+s26+$0x0] =	vst.idx.msk $0xffff, v20;
	v20 =	vmul.f32 v26, v23  }
0xd9: {  	v16 =	vsub.f32 v18, v16  }
0xda: {  	v18 =	vor.u32 s30, v0;
	v17 =	vsub.f32 v19, v17;
	[tilespmem:v22+s26+$0x0] =	vst.idx.msk $0xffff, v20  }
0xdb: {  	v24 =	vshll.u32 v18, $0x4;
	v19 =	vshll.u32 v18, $0x3;
	v16 =	vmul.f32 v16, v23  }
0xdc: {  	v20 =	vor.u32 $0xE, v24;
	v21 =	vor.u32 $0x1, v19;
	v17 =	vmul.f32 v17, v23  }
0xdd: {  	v13 =	vmul.f32 $2.499999940e-03, v13;
	[tilespmem:v15+s26+$0x0] =	vst.idx.msk $0xffff, v16  }
0xde: {  	v18 =	vor.u32 $0x7, v24;
	[tilespmem:v14+s26+$0x0] =	vst.idx.msk $0xffff, v17  }
0xdf: {  	[tilespmem:v12+s26+$0x0] =	vst.idx.msk $0xffff, v13;
	v12 =	vmov v20  }
0xe0: {  	v16 =	vld.idx.msk [tilespmem:v19+s25+$0x0], $0xffff  }
0xe1: {  	v25 =	vor.u32 $0x1, v24;
	v17 =	vld.idx.msk [tilespmem:v21+s25+$0x0], $0xffff  }
0xe2: {  	v19 =	vor.u32 $0x8, v24;
	v13 =	vld.idx.msk [tilespmem:v20+s24+$0x0], $0xffff  }
0xe3: {  	v26 =	vor.u32 $0x2, v24;
	v23 =	vld.idx.msk [tilespmem:v18+s24+$0x0], $0xffff  }
0xe4: {  	v20 =	vor.u32 $0x9, v24;
	v22 =	vld.idx.msk [tilespmem:v24+s24+$0x0], $0xffff;
	_ =	sdelay $0x1  }
0xe5: {  	v27 =	vld.idx.msk [tilespmem:v25+s24+$0x0], $0xffff  }
0xe6: {  	v31 =	vor.u32 $0x6, v24;
	v15 =	vor.u32 $0xC, v24;
	v14 =	vor.u32 $0xD, v24;
	v28 =	vld.idx.msk [tilespmem:v19+s24+$0x0], $0xffff  }
0xe7: {  	v21 =	vor.u32 $0xA, v24;
	v30 =	vmax.f32 v13, $1.000000000e+00;
	v32 =	vmul.f32 v16, v13;
	v29 =	vld.idx.msk [tilespmem:v26+s24+$0x0], $0xffff  }
0xe8: {  	v33 =	vor.u32 $0x3, v24;
	v35 =	vmul.f32 v17, v13;
	v36 =	vmul.f32 v17, v23;
	v34 =	vld.idx.msk [tilespmem:v20+s24+$0x0], $0xffff  }
0xe9: {  	v32 =	vsub.f32 v22, v32;
	v37 =	vmul.f32 v16, v22;
	(erf) = vrcp.f32 v30  }
0xea: {  	v22 =	vor.u32 $0xB, v24;
	v35 =	vsub.f32 v23, v35;
	v30 =	vor.u32 $0x4, v24  }
0xeb: {  	v23 =	vsub.f32 v27, v37;
	v27 =	vmul.f32 v16, v27;
	v37 =	vmul.f32 v32, v16  }
0xec: {  	v39 =	vmul.f32 v35, v17;
	v36 =	vsub.f32 v28, v36;
	v28 =	vmul.f32 v17, v28;
	v38 =	vld.idx.msk [tilespmem:v21+s24+$0x0], $0xffff  }
0xed: {  	v27 =	vsub.f32 v29, v27;
	v37 =	vsub.f32 v23, v37;
	v23 =	vmul.f32 v23, v16;
	v40 =	vld.idx.msk [tilespmem:v33+s24+$0x0], $0xffff  }
0xee: {  	v41 =	vmul.f32 v17, v34;
	v39 =	vsub.f32 v36, v39;
	v36 =	vmul.f32 v36, v17  }
0xef: {  	v28 =	vsub.f32 v34, v28;
	v47 =	vsub.f32 v27, v23;
	v43 =	vmul.f32 v37, v16;
	v42 =	vld.idx.msk [tilespmem:v22+s24+$0x0], $0xffff  }
0xf0: {  	v44 =	vor.u32 $0x5, v24;
	v27 =	vmul.f32 v27, v16;
	v45 =	vmul.f32 v39, v17;
	v34 =	vld.idx.msk [tilespmem:v30+s24+$0x0], $0xffff  }
0xf1: {  	v29 =	vmul.f32 v16, v29;
	v43 =	vsub.f32 v47, v43;
	v46 =	vmul.f32 v47, v16  }
0xf2: {  	v36 =	vsub.f32 v28, v36;
	v28 =	vmul.f32 v28, v17;
	v41 =	vsub.f32 v38, v41;
	v23 =	vpop (erf)  }
0xf3: {  	v29 =	vsub.f32 v40, v29;
	v40 =	vmul.f32 v16, v40;
	v47 =	vmul.f32 v43, v16  }
0xf4: {  	v38 =	vmul.f32 v17, v38;
	v45 =	vsub.f32 v36, v45;
	v28 =	vsub.f32 v41, v28;
	v48 =	vld.idx.msk [tilespmem:v15+s24+$0x0], $0xffff  }
0xf5: {  	v37 =	vmul.f32 v37, v23;
	v39 =	vmul.f32 v39, v23;
	v27 =	vsub.f32 v29, v27  }
0xf6: {  	v35 =	vmul.f32 v35, v23;
	v38 =	vsub.f32 v42, v38;
	v50 =	vmul.f32 v16, v34;
	v49 =	vld.idx.msk [tilespmem:v14+s24+$0x0], $0xffff  }
0xf7: {  	v36 =	vmul.f32 v36, v17;
	v32 =	vmul.f32 v32, v23;
	v34 =	vsub.f32 v34, v40;
	v51 =	vld.idx.msk [tilespmem:v31+s24+$0x0], $0xffff  }
0xf8: {  	v46 =	vsub.f32 v27, v46;
	v52 =	vmul.f32 v27, v16;
	v27 =	vmul.f32 v17, v42;
	v40 =	vld.idx.msk [tilespmem:v44+s24+$0x0], $0xffff  }
0xf9: {  	v53 =	vmul.f32 v45, v17;
	v42 =	vmul.f32 v34, v16;
	[tilespmem:v24+s26+$0x0] =	vst.idx.msk $0xffff, v32  }
0xfa: {  	v54 =	vmul.f32 v28, v17;
	v24 =	vmul.f32 v17, v48;
	[tilespmem:v25+s26+$0x0] =	vst.idx.msk $0xffff, v35  }
0xfb: {  	v32 =	vsub.f32 v48, v27;
	v25 =	vmul.f32 v46, v16;
	[tilespmem:v26+s26+$0x0] =	vst.idx.msk $0xffff, v37  }
0xfc: {  	v27 =	vmul.f32 v38, v17;
	v26 =	vsub.f32 v46, v47;
	[tilespmem:v33+s26+$0x0] =	vst.idx.msk $0xffff, v39  }
0xfd: {  	v35 =	vmul.f32 v43, v23;
	v33 =	vsub.f32 v49, v24;
	v24 =	vmul.f32 v41, v17  }
0xfe: {  	v36 =	vsub.f32 v28, v36;
	v37 =	vmul.f32 v29, v16;
	v39 =	vmul.f32 v45, v23  }
0xff: {  	v29 =	vsub.f32 v40, v50;
	v28 =	vsub.f32 v38, v24;
	[tilespmem:v30+s26+$0x0] =	vst.idx.msk $0xffff, v35  }
0x100: {  	v30 =	vmul.f32 v16, v40;
	v35 =	vmul.f32 v26, v23;
	[tilespmem:v44+s26+$0x0] =	vst.idx.msk $0xffff, v39  }
.Ltmp8:
0x101: {  	v27 =	vsub.f32 v32, v27;
	v32 =	vmul.f32 v32, v17;
	v24 =	vsub.f32 v36, v53;
	(pc) =	sbr.rel @p0 .LBB2_14-.Ltmp8, $4  }
0x102: {  	v37 =	vsub.f32 v34, v37;
	v30 =	vsub.f32 v51, v30;
	[tilespmem:v31+s26+$0x0] =	vst.idx.msk $0xffff, v35  }
0x103: {  	v34 =	vsub.f32 v33, v32;
	v33 =	vmul.f32 v36, v17;
	v26 =	vmul.f32 v26, v16  }
0x104: {  	v32 =	vsub.f32 v29, v42;
	v36 =	vsub.f32 v37, v52;
	v31 =	vmul.f32 v24, v17  }
0x105: {  	v38 =	vmul.f32 v27, v17;
	v37 =	vmul.f32 v37, v16;
	v35 =	vsub.f32 v28, v54  }
0x106: {  	v29 =	vmul.f32 v29, v16;
	v25 =	vsub.f32 v36, v25;
	v45 =	vmul.f32 v36, v16  }
0x107: {  	v28 =	vmul.f32 v28, v17;
	v47 =	vmul.f32 v32, v16;
	v37 =	vsub.f32 v32, v37  }
0x108: {  	v24 =	vmul.f32 v24, v23;
	v34 =	vsub.f32 v34, v38;
	v29 =	vsub.f32 v30, v29  }
0x109: {  	v46 =	vmul.f32 v35, v17;
	v30 =	vsub.f32 v35, v33;
	v27 =	vsub.f32 v27, v28  }
0x10a: {  	v49 =	vmul.f32 v25, v16;
	v25 =	vsub.f32 v25, v26;
	[tilespmem:v18+s26+$0x0] =	vst.idx.msk $0xffff, v24  }
0x10b: {  	v48 =	vsub.f32 v37, v45;
	v28 =	vmul.f32 v37, v16;
	v29 =	vsub.f32 v29, v47  }
0x10c: {  	v31 =	vsub.f32 v30, v31;
	v30 =	vmul.f32 v30, v17;
	v52 =	vmul.f32 v25, v16  }
0x10d: {  	v28 =	vsub.f32 v29, v28;
	v29 =	vmul.f32 v27, v17;
	v27 =	vsub.f32 v27, v46  }
0x10e: {  	v50 =	vmul.f32 v48, v16;
	v51 =	vsub.f32 v48, v49;
	v26 =	vmul.f32 v31, v17  }
0x10f: {  	v29 =	vsub.f32 v34, v29;
	v30 =	vsub.f32 v27, v30;
	v27 =	vmul.f32 v27, v17  }
0x110: {  	v53 =	vsub.f32 v51, v52;
	v54 =	vmul.f32 v51, v16;
	v28 =	vsub.f32 v28, v50  }
0x111: {  	v27 =	vsub.f32 v29, v27;
	v26 =	vsub.f32 v30, v26;
	v29 =	vmul.f32 v30, v17  }
0x112: {  	v25 =	vmul.f32 v25, v23;
	v16 =	vmul.f32 v53, v16;
	v28 =	vsub.f32 v28, v54  }
0x113: {  	v31 =	vmul.f32 v31, v23;
	v17 =	vmul.f32 v26, v17;
	v18 =	vsub.f32 v27, v29  }
0x114: {  	[tilespmem:v19+s26+$0x0] =	vst.idx.msk $0xffff, v25;
	v19 =	vmul.f32 v53, v23;
	v16 =	vsub.f32 v28, v16  }
0x115: {  	[tilespmem:v20+s26+$0x0] =	vst.idx.msk $0xffff, v31;
	v20 =	vmul.f32 v26, v23;
	v17 =	vsub.f32 v18, v17  }
0x116: {  	[tilespmem:v21+s26+$0x0] =	vst.idx.msk $0xffff, v19;
	v16 =	vmul.f32 v16, v23  }
0x117: {  	[tilespmem:v22+s26+$0x0] =	vst.idx.msk $0xffff, v20;
	v17 =	vmul.f32 v17, v23  }
0x118: {  	v13 =	vmul.f32 $2.499999940e-03, v13;
	[tilespmem:v15+s26+$0x0] =	vst.idx.msk $0xffff, v16  }
0x119: {  	[tilespmem:v14+s26+$0x0] =	vst.idx.msk $0xffff, v17  }
0x11a: {  	s0 =	simm.s32 $0x0;
	[tilespmem:v12+s26+$0x0] =	vst.idx.msk $0xffff, v13  }
0x11b: {  	[hbm4b:s12+s0] =	stream.linear.scatter [tilespmem:s26], [sflag:$0x1], $0x3200, $0x38;
	[tilespmem:$0x19660] =	vst v63  }
0x11c: {  	_ =	swait.ge [sflag:s18], $0x3200  }
0x11d: {  	[sflag:s18] =	ssyncset.done $0x0  }
0x11e: {  	[sflag:s18] =	ssyncadd.s32 $0xFFFFCE00  }
0x11f: {  	[tilespmem:s24], [sflag:$0x1] =	stream.linear.gather [spmem:s13], $0x3200, $0x38;
	[tilespmem:$0x19660] =	vst v63  }
0x120: {  	_ =	swait.ge [sflag:s18], $0x3200  }
0x121: {  	v12 =	vor.u32 s0, v0;
	[sflag:s18] =	ssyncset.done $0x0  }
0x122: {  	v13 =	vshll.u32 v12, $0x3;
	[sflag:s18] =	ssyncadd.s32 $0xFFFFCE00  }
0x123: {  	v24 =	vshll.u32 v12, $0x4;
	v14 =	vor.u32 $0x1, v13;
	[tilespmem:s25], [sflag:$0x1] =	stream.linear.gather [hbm4b:s14+s0], $0x1900, $0x38;
	[tilespmem:$0x19660] =	vst v63  }
0x124: {  	v12 =	vor.u32 $0xE, v24;
	_ =	swait.ge [sflag:s18], $0x1900  }
0x125: {  	v18 =	vor.u32 $0x7, v24;
	[sflag:s18] =	ssyncset.done $0x0  }
0x126: {  	[sflag:s18] =	ssyncadd.s32 $0xFFFFE700  }
0x127: {  	v26 =	vor.u32 $0x2, v24;
	v16 =	vld.idx.msk [tilespmem:v13+s25+$0x0], $0xffff  }
0x128: {  	v20 =	vor.u32 $0x9, v24;
	v17 =	vld.idx.msk [tilespmem:v14+s25+$0x0], $0xffff  }
0x129: {  	v38 =	vor.u32 $0x4, v24;
	v13 =	vld.idx.msk [tilespmem:v12+s24+$0x0], $0xffff  }
0x12a: {  	v25 =	vor.u32 $0x1, v24;
	v23 =	vld.idx.msk [tilespmem:v18+s24+$0x0], $0xffff  }
0x12b: {  	v19 =	vor.u32 $0x8, v24;
	v22 =	vld.idx.msk [tilespmem:v24+s24+$0x0], $0xffff  }
0x12c: {  	v33 =	vor.u32 $0x3, v24;
	v55 =	vld.idx.msk [tilespmem:v26+s24+$0x0], $0xffff  }
0x12d: {  	v21 =	vor.u32 $0xA, v24;
	v58 =	vld.idx.msk [tilespmem:v20+s24+$0x0], $0xffff  }
0x12e: {  	v45 =	vld.idx.msk [tilespmem:v38+s24+$0x0], $0xffff  }
0x12f: {  	v31 =	vor.u32 $0x6, v24;
	v27 =	vld.idx.msk [tilespmem:v25+s24+$0x0], $0xffff  }
0x130: {  	v15 =	vor.u32 $0xC, v24;
	v28 =	vld.idx.msk [tilespmem:v19+s24+$0x0], $0xffff;
	v30 =	vmul.f32 v16, v13;
	v56 =	vmul.f32 v17, v13  }
0x131: {  	v43 =	vor.u32 $0x5, v24;
	v40 =	vld.idx.msk [tilespmem:v33+s24+$0x0], $0xffff;
	v57 =	vmul.f32 v17, v23;
	v59 =	vmul.f32 v16, v22  }
0x132: {  	v39 =	vld.idx.msk [tilespmem:v21+s24+$0x0], $0xffff;
	v29 =	vmax.f32 v13, $1.000000000e+00;
	v41 =	vmul.f32 v17, v58;
	v32 =	vmul.f32 v16, v55  }
0x133: {  	v14 =	vor.u32 $0xD, v24;
	v50 =	vmul.f32 v16, v45;
	(erf) = vrcp.f32 v29  }
0x134: {  	v30 =	vsub.f32 v22, v30;
	v22 =	vor.u32 $0xB, v24;
	v29 =	vsub.f32 v23, v56  }
0x135: {  	v23 =	vsub.f32 v27, v59;
	v27 =	vmul.f32 v16, v27;
	v35 =	vsub.f32 v28, v57  }
0x136: {  	v63 =	vld.idx.msk [tilespmem:v43+s24+$0x0], $0xffff;
	v28 =	vmul.f32 v17, v28;
	v32 =	vsub.f32 v40, v32;
	v40 =	vmul.f32 v16, v40  }
0x137: {  	v41 =	vsub.f32 v39, v41;
	v39 =	vmul.f32 v17, v39;
	v60 =	vmul.f32 v30, v16  }
0x138: {  	v61 =	vmul.f32 v29, v17;
	v27 =	vsub.f32 v55, v27;
	v40 =	vsub.f32 v45, v40  }
0x139: {  	v28 =	vsub.f32 v58, v28;
	v34 =	vsub.f32 v23, v60;
	v23 =	vmul.f32 v23, v16  }
0x13a: {  	v37 =	vsub.f32 v35, v61;
	v35 =	vmul.f32 v35, v17;
	v36 =	vmul.f32 v40, v16  }
0x13b: {  	v60 =	vmul.f32 v16, v63;
	v62 =	vld.idx.msk [tilespmem:v22+s24+$0x0], $0xffff;
	v23 =	vsub.f32 v27, v23;
	v42 =	vmul.f32 v34, v16  }
0x13c: {  	v27 =	vmul.f32 v27, v16;
	v44 =	vmul.f32 v37, v17;
	v35 =	vsub.f32 v28, v35  }
0x13d: {  	v28 =	vmul.f32 v28, v17;
	v42 =	vsub.f32 v23, v42;
	v46 =	vmul.f32 v23, v16  }
0x13e: {  	v44 =	vsub.f32 v35, v44;
	v27 =	vsub.f32 v32, v27;
	v35 =	vmul.f32 v35, v17  }
0x13f: {  	v28 =	vsub.f32 v41, v28;
	v32 =	vmul.f32 v32, v16;
	v47 =	vmul.f32 v42, v16  }
0x140: {  	v48 =	vld.idx.msk [tilespmem:v15+s24+$0x0], $0xffff;
	v46 =	vsub.f32 v27, v46;
	v52 =	vmul.f32 v27, v16;
	v27 =	vmul.f32 v17, v62  }
0x141: {  	v23 =	vpop (erf);
	v53 =	vmul.f32 v44, v17;
	v54 =	vmul.f32 v28, v17  }
0x142: {  	v39 =	vsub.f32 v62, v39;
	v34 =	vmul.f32 v34, v23;
	v30 =	vmul.f32 v30, v23  }
0x143: {  	v49 =	vld.idx.msk [tilespmem:v14+s24+$0x0], $0xffff;
	v35 =	vsub.f32 v28, v35;
	v37 =	vmul.f32 v37, v23;
	v29 =	vmul.f32 v29, v23  }
0x144: {  	v51 =	vld.idx.msk [tilespmem:v31+s24+$0x0], $0xffff;
	v58 =	vmul.f32 v42, v23;
	v59 =	vmul.f32 v44, v23;
	[tilespmem:v24+s26+$0x0] =	vst.idx.msk $0xffff, v30  }
0x145: {  	v24 =	vmul.f32 v17, v48;
	v30 =	vsub.f32 v48, v27;
	v27 =	vmul.f32 v39, v17  }
0x146: {  	[tilespmem:v25+s26+$0x0] =	vst.idx.msk $0xffff, v29;
	v25 =	vmul.f32 v46, v16;
	v29 =	vsub.f32 v63, v50  }
0x147: {  	v63 =	vsub.f32 v40, v32;
	[tilespmem:v26+s26+$0x0] =	vst.idx.msk $0xffff, v34;
	v26 =	vsub.f32 v46, v47  }
0x148: {  	v57 =	vsub.f32 v49, v24;
	v24 =	vmul.f32 v41, v17;
	v27 =	vsub.f32 v30, v27  }
0x149: {  	v62 =	vmul.f32 v30, v17;
	v30 =	vsub.f32 v51, v60;
	[tilespmem:v33+s26+$0x0] =	vst.idx.msk $0xffff, v37  }
0x14a: {  	v33 =	vmul.f32 v35, v17;
	v32 =	vsub.f32 v29, v36;
	v36 =	vsub.f32 v63, v52  }
0x14b: {  	v37 =	vmul.f32 v63, v16;
	v28 =	vsub.f32 v39, v24;
	[tilespmem:v38+s26+$0x0] =	vst.idx.msk $0xffff, v58  }
0x14c: {  	v61 =	vmul.f32 v26, v23;
	v24 =	vsub.f32 v35, v53;
	v26 =	vmul.f32 v26, v16  }
0x14d: {  	v34 =	vsub.f32 v57, v62;
	v38 =	vmul.f32 v27, v17;
	[tilespmem:v43+s26+$0x0] =	vst.idx.msk $0xffff, v59  }
0x14e: {  	s29 =	simm.s32 $0x10;
	[tilespmem:v31+s26+$0x0] =	vst.idx.msk $0xffff, v61;
	v31 =	vmul.f32 v24, v17;
	v35 =	vsub.f32 v28, v54  }
.LBB2_16:
0x14f: {  	p0 =	sne.s32 s29, $0x310;
	v29 =	vmul.f32 v29, v16;
	v25 =	vsub.f32 v36, v25;
	v36 =	vmul.f32 v36, v16;
	s30 =	smov.u32 s29;
	s29 =	sadd.s32 $0x10, s29  }
0x150: {  	v28 =	vmul.f32 v28, v17;
	v37 =	vsub.f32 v32, v37;
	v34 =	vsub.f32 v34, v38  }
0x151: {  	v29 =	vsub.f32 v30, v29;
	v30 =	vsub.f32 v35, v33;
	v33 =	vmul.f32 v35, v17  }
0x152: {  	v32 =	vmul.f32 v32, v16;
	v27 =	vsub.f32 v27, v28;
	v35 =	vsub.f32 v37, v36  }
0x153: {  	v28 =	vmul.f32 v37, v16;
	v36 =	vmul.f32 v25, v16;
	v31 =	vsub.f32 v30, v31  }
0x154: {  	v29 =	vsub.f32 v29, v32;
	v30 =	vmul.f32 v30, v17;
	v32 =	vmul.f32 v35, v16  }
0x155: {  	v25 =	vsub.f32 v25, v26;
	v26 =	vmul.f32 v31, v17;
	v31 =	vmul.f32 v31, v23  }
0x156: {  	v24 =	vmul.f32 v24, v23;
	v28 =	vsub.f32 v29, v28;
	v29 =	vmul.f32 v27, v17  }
0x157: {  	v35 =	vsub.f32 v35, v36;
	v36 =	vmul.f32 v25, v16;
	v27 =	vsub.f32 v27, v33  }
0x158: {  	v29 =	vsub.f32 v34, v29;
	[tilespmem:v18+s26+$0x0] =	vst.idx.msk $0xffff, v24;
	v18 =	vmul.f32 v25, v23  }
0x159: {  	v24 =	vsub.f32 v35, v36;
	v25 =	vsub.f32 v27, v30;
	v27 =	vmul.f32 v27, v17  }
0x15a: {  	v28 =	vsub.f32 v28, v32;
	[tilespmem:v19+s26+$0x0] =	vst.idx.msk $0xffff, v18  }
0x15b: {  	v18 =	vmul.f32 v35, v16;
	v19 =	vsub.f32 v29, v27;
	v26 =	vsub.f32 v25, v26  }
0x15c: {  	v25 =	vmul.f32 v25, v17;
	[tilespmem:v20+s26+$0x0] =	vst.idx.msk $0xffff, v31;
	v20 =	vmul.f32 v24, v23  }
0x15d: {  	v16 =	vmul.f32 v24, v16;
	v18 =	vsub.f32 v28, v18;
	v17 =	vmul.f32 v26, v17  }
0x15e: {  	v19 =	vsub.f32 v19, v25;
	[tilespmem:v21+s26+$0x0] =	vst.idx.msk $0xffff, v20;
	v20 =	vmul.f32 v26, v23  }
0x15f: {  	v16 =	vsub.f32 v18, v16  }
0x160: {  	v18 =	vor.u32 s30, v0;
	v17 =	vsub.f32 v19, v17;
	[tilespmem:v22+s26+$0x0] =	vst.idx.msk $0xffff, v20  }
0x161: {  	v24 =	vshll.u32 v18, $0x4;
	v19 =	vshll.u32 v18, $0x3;
	v16 =	vmul.f32 v16, v23  }
0x162: {  	v20 =	vor.u32 $0xE, v24;
	v21 =	vor.u32 $0x1, v19;
	v17 =	vmul.f32 v17, v23  }
0x163: {  	v13 =	vmul.f32 $2.499999940e-03, v13;
	[tilespmem:v15+s26+$0x0] =	vst.idx.msk $0xffff, v16  }
0x164: {  	v18 =	vor.u32 $0x7, v24;
	[tilespmem:v14+s26+$0x0] =	vst.idx.msk $0xffff, v17  }
0x165: {  	[tilespmem:v12+s26+$0x0] =	vst.idx.msk $0xffff, v13;
	v12 =	vmov v20  }
0x166: {  	v16 =	vld.idx.msk [tilespmem:v19+s25+$0x0], $0xffff  }
0x167: {  	v25 =	vor.u32 $0x1, v24;
	v17 =	vld.idx.msk [tilespmem:v21+s25+$0x0], $0xffff  }
0x168: {  	v19 =	vor.u32 $0x8, v24;
	v13 =	vld.idx.msk [tilespmem:v20+s24+$0x0], $0xffff  }
0x169: {  	v26 =	vor.u32 $0x2, v24;
	v23 =	vld.idx.msk [tilespmem:v18+s24+$0x0], $0xffff  }
0x16a: {  	v20 =	vor.u32 $0x9, v24;
	v22 =	vld.idx.msk [tilespmem:v24+s24+$0x0], $0xffff;
	_ =	sdelay $0x1  }
0x16b: {  	v27 =	vld.idx.msk [tilespmem:v25+s24+$0x0], $0xffff  }
0x16c: {  	v31 =	vor.u32 $0x6, v24;
	v15 =	vor.u32 $0xC, v24;
	v14 =	vor.u32 $0xD, v24;
	v28 =	vld.idx.msk [tilespmem:v19+s24+$0x0], $0xffff  }
0x16d: {  	v21 =	vor.u32 $0xA, v24;
	v30 =	vmax.f32 v13, $1.000000000e+00;
	v32 =	vmul.f32 v16, v13;
	v29 =	vld.idx.msk [tilespmem:v26+s24+$0x0], $0xffff  }
0x16e: {  	v33 =	vor.u32 $0x3, v24;
	v35 =	vmul.f32 v17, v13;
	v36 =	vmul.f32 v17, v23;
	v34 =	vld.idx.msk [tilespmem:v20+s24+$0x0], $0xffff  }
0x16f: {  	v32 =	vsub.f32 v22, v32;
	v37 =	vmul.f32 v16, v22;
	(erf) = vrcp.f32 v30  }
0x170: {  	v22 =	vor.u32 $0xB, v24;
	v35 =	vsub.f32 v23, v35;
	v30 =	vor.u32 $0x4, v24  }
0x171: {  	v23 =	vsub.f32 v27, v37;
	v27 =	vmul.f32 v16, v27;
	v37 =	vmul.f32 v32, v16  }
0x172: {  	v39 =	vmul.f32 v35, v17;
	v36 =	vsub.f32 v28, v36;
	v28 =	vmul.f32 v17, v28;
	v38 =	vld.idx.msk [tilespmem:v21+s24+$0x0], $0xffff  }
0x173: {  	v27 =	vsub.f32 v29, v27;
	v37 =	vsub.f32 v23, v37;
	v23 =	vmul.f32 v23, v16;
	v40 =	vld.idx.msk [tilespmem:v33+s24+$0x0], $0xffff  }
0x174: {  	v41 =	vmul.f32 v17, v34;
	v39 =	vsub.f32 v36, v39;
	v36 =	vmul.f32 v36, v17  }
0x175: {  	v28 =	vsub.f32 v34, v28;
	v47 =	vsub.f32 v27, v23;
	v43 =	vmul.f32 v37, v16;
	v42 =	vld.idx.msk [tilespmem:v22+s24+$0x0], $0xffff  }
0x176: {  	v44 =	vor.u32 $0x5, v24;
	v27 =	vmul.f32 v27, v16;
	v45 =	vmul.f32 v39, v17;
	v34 =	vld.idx.msk [tilespmem:v30+s24+$0x0], $0xffff  }
0x177: {  	v29 =	vmul.f32 v16, v29;
	v43 =	vsub.f32 v47, v43;
	v46 =	vmul.f32 v47, v16  }
0x178: {  	v36 =	vsub.f32 v28, v36;
	v28 =	vmul.f32 v28, v17;
	v41 =	vsub.f32 v38, v41;
	v23 =	vpop (erf)  }
0x179: {  	v29 =	vsub.f32 v40, v29;
	v40 =	vmul.f32 v16, v40;
	v47 =	vmul.f32 v43, v16  }
0x17a: {  	v38 =	vmul.f32 v17, v38;
	v45 =	vsub.f32 v36, v45;
	v28 =	vsub.f32 v41, v28;
	v48 =	vld.idx.msk [tilespmem:v15+s24+$0x0], $0xffff  }
0x17b: {  	v37 =	vmul.f32 v37, v23;
	v39 =	vmul.f32 v39, v23;
	v27 =	vsub.f32 v29, v27  }
0x17c: {  	v35 =	vmul.f32 v35, v23;
	v38 =	vsub.f32 v42, v38;
	v50 =	vmul.f32 v16, v34;
	v49 =	vld.idx.msk [tilespmem:v14+s24+$0x0], $0xffff  }
0x17d: {  	v36 =	vmul.f32 v36, v17;
	v32 =	vmul.f32 v32, v23;
	v34 =	vsub.f32 v34, v40;
	v51 =	vld.idx.msk [tilespmem:v31+s24+$0x0], $0xffff  }
0x17e: {  	v46 =	vsub.f32 v27, v46;
	v52 =	vmul.f32 v27, v16;
	v27 =	vmul.f32 v17, v42;
	v40 =	vld.idx.msk [tilespmem:v44+s24+$0x0], $0xffff  }
0x17f: {  	v53 =	vmul.f32 v45, v17;
	v42 =	vmul.f32 v34, v16;
	[tilespmem:v24+s26+$0x0] =	vst.idx.msk $0xffff, v32  }
0x180: {  	v54 =	vmul.f32 v28, v17;
	v24 =	vmul.f32 v17, v48;
	[tilespmem:v25+s26+$0x0] =	vst.idx.msk $0xffff, v35  }
0x181: {  	v32 =	vsub.f32 v48, v27;
	v25 =	vmul.f32 v46, v16;
	[tilespmem:v26+s26+$0x0] =	vst.idx.msk $0xffff, v37  }
0x182: {  	v27 =	vmul.f32 v38, v17;
	v26 =	vsub.f32 v46, v47;
	[tilespmem:v33+s26+$0x0] =	vst.idx.msk $0xffff, v39  }
0x183: {  	v35 =	vmul.f32 v43, v23;
	v33 =	vsub.f32 v49, v24;
	v24 =	vmul.f32 v41, v17  }
0x184: {  	v36 =	vsub.f32 v28, v36;
	v37 =	vmul.f32 v29, v16;
	v39 =	vmul.f32 v45, v23  }
0x185: {  	v29 =	vsub.f32 v40, v50;
	v28 =	vsub.f32 v38, v24;
	[tilespmem:v30+s26+$0x0] =	vst.idx.msk $0xffff, v35  }
0x186: {  	v30 =	vmul.f32 v16, v40;
	v35 =	vmul.f32 v26, v23;
	[tilespmem:v44+s26+$0x0] =	vst.idx.msk $0xffff, v39  }
.Ltmp9:
0x187: {  	v27 =	vsub.f32 v32, v27;
	v32 =	vmul.f32 v32, v17;
	v24 =	vsub.f32 v36, v53;
	(pc) =	sbr.rel @p0 .LBB2_16-.Ltmp9, $4  }
0x188: {  	v37 =	vsub.f32 v34, v37;
	v30 =	vsub.f32 v51, v30;
	[tilespmem:v31+s26+$0x0] =	vst.idx.msk $0xffff, v35  }
0x189: {  	v34 =	vsub.f32 v33, v32;
	v33 =	vmul.f32 v36, v17;
	v26 =	vmul.f32 v26, v16  }
0x18a: {  	v32 =	vsub.f32 v29, v42;
	v36 =	vsub.f32 v37, v52;
	v31 =	vmul.f32 v24, v17  }
0x18b: {  	v38 =	vmul.f32 v27, v17;
	v37 =	vmul.f32 v37, v16;
	v35 =	vsub.f32 v28, v54  }
0x18c: {  	v29 =	vmul.f32 v29, v16;
	v25 =	vsub.f32 v36, v25;
	v44 =	vmul.f32 v36, v16  }
0x18d: {  	v28 =	vmul.f32 v28, v17;
	v47 =	vmul.f32 v32, v16;
	v37 =	vsub.f32 v32, v37  }
0x18e: {  	v24 =	vmul.f32 v24, v23;
	v34 =	vsub.f32 v34, v38;
	v45 =	vsub.f32 v35, v33  }
0x18f: {  	v46 =	vmul.f32 v35, v17;
	v29 =	vsub.f32 v30, v29;
	v27 =	vsub.f32 v27, v28  }
0x190: {  	v50 =	vmul.f32 v25, v16;
	v25 =	vsub.f32 v25, v26;
	[tilespmem:v18+s26+$0x0] =	vst.idx.msk $0xffff, v24  }
0x191: {  	v48 =	vsub.f32 v37, v44;
	v49 =	vmul.f32 v37, v16;
	v31 =	vsub.f32 v45, v31  }
0x192: {  	v30 =	vmul.f32 v45, v17;
	v29 =	vsub.f32 v29, v47;
	v53 =	vmul.f32 v27, v17  }
0x193: {  	v27 =	vsub.f32 v27, v46;
	v55 =	vmul.f32 v25, v16;
	v51 =	vmul.f32 v48, v16  }
0x194: {  	v52 =	vmul.f32 v31, v17;
	v54 =	vsub.f32 v48, v50;
	v28 =	vsub.f32 v29, v49  }
0x195: {  	v29 =	vsub.f32 v34, v53;
	v30 =	vsub.f32 v27, v30;
	v27 =	vmul.f32 v27, v17  }
0x196: {  	v56 =	vsub.f32 v54, v55;
	v57 =	vmul.f32 v54, v16;
	v28 =	vsub.f32 v28, v51  }
0x197: {  	v27 =	vsub.f32 v29, v27;
	v26 =	vsub.f32 v30, v52;
	v58 =	vmul.f32 v30, v17  }
0x198: {  	v25 =	vmul.f32 v25, v23;
	v59 =	vmul.f32 v56, v16;
	v28 =	vsub.f32 v28, v57  }
0x199: {  	v31 =	vmul.f32 v31, v23;
	v60 =	vmul.f32 v26, v17;
	v61 =	vsub.f32 v27, v58  }
0x19a: {  	[tilespmem:v19+s26+$0x0] =	vst.idx.msk $0xffff, v25;
	v62 =	vmul.f32 v56, v23;
	v16 =	vsub.f32 v28, v59  }
0x19b: {  	[tilespmem:v20+s26+$0x0] =	vst.idx.msk $0xffff, v31;
	v63 =	vmul.f32 v26, v23;
	v17 =	vsub.f32 v61, v60  }
0x19c: {  	[tilespmem:v21+s26+$0x0] =	vst.idx.msk $0xffff, v62;
	v16 =	vmul.f32 v16, v23  }
0x19d: {  	[tilespmem:v22+s26+$0x0] =	vst.idx.msk $0xffff, v63;
	v17 =	vmul.f32 v17, v23  }
0x19e: {  	v13 =	vmul.f32 $2.499999940e-03, v13;
	s28 =	sadd.s32 $0x1, s28;
	[tilespmem:v15+s26+$0x0] =	vst.idx.msk $0xffff, v16  }
0x19f: {  	p0 =	sne.s32 s28, s16;
	[tilespmem:v14+s26+$0x0] =	vst.idx.msk $0xffff, v17  }
.Ltmp10:
0x1a0: {  	s0 =	simm.s32 $0x0;
	[tilespmem:v12+s26+$0x0] =	vst.idx.msk $0xffff, v13;
	(pc) =	sbr.rel @p0 .LBB2_1-.Ltmp10, $4  }
0x1a1: {  	[hbm4b:s15+s0] =	stream.linear.scatter [tilespmem:s26], [sflag:$0x1], $0x3200, $0x38;
	[tilespmem:$0x19660] =	vst v63  }
0x1a2: {  	_ =	swait.ge [sflag:s18], $0x3200  }
0x1a3: {  	[sflag:s18] =	ssyncset.done $0x0  }
0x1a4: {  	[sflag:s18] =	ssyncadd.s32 $0xFFFFCE00  }
0x1a5: {  	_ =	sfence.sel $0x180000  }
0x1a6: {  	[bflag:$0x0] =	sbarrier.arrive $0xFFFF  }
0x1a7: {  	_ =	strace $0x90000047  }
0x1a8: {  	[bflag:$0x2] =	sbarrier.arrive $0xFFFF  }
0x1a9: {  	p0 =	sne.s32 s4, $0x0;
	s0 =	rddreg [dreg:$0x3]  }
0x1aa: {  	s0 =	sadd.s32 @!p0 $0x100000, s0  }
0x1ab: {  	[sflag:s0] =	ssyncadd.tile.s32 @!p0 $0x1;
	_ =	shalt  }
.Lfunc_end2:
_tile_overlayer_lowered:
.L_overlay_start_2:
0x1ac: {  	(tag) =	ssettag $0x2  }
0x1ad: {  	s0 =	rddreg [dreg:$0x0];
	s2 =	stileid.u32  }
0x1ae: {  	s1 =	rddreg [dreg:$0x1];
	p0 =	sne.s32 s2, $0x0  }
0x1af: {  	s3 =	rddreg [dreg:$0x2];
	[bflag:$0x3] =	sbarrier.arrive $0xFFFF;
	s2 =	simm.s32 @!p0 $0x1C01  }
0x1b0: {  	[timem:s3], [sflag:s2] =	dma.local @!p0 [hbm:s0], s1  }
0x1b1: {  	s0 =	simm.s32 @!p0 $0x1  }
0x1b2: {  	_ =	swait.ge @!p0 [sflag:s0], s1  }
0x1b3: {  	s1 =	ssub.s32 @!p0 $0x0, s1;
	[sflag:s0] =	ssyncset.done @!p0 $0x0  }
0x1b4: {  	[sflag:s0] =	ssyncadd.s32 @!p0 s1  }
0x1b5: {  	[bflag:$0x3] =	sbarrier.arrive $0xFFFF  }
0x1b6: {  	_ =	shalt  }

// kernel: kernel.7.cloned.1.call-start
scs
__scs_entry_jumppad:
0x0: {  	(pc) =	sbr.rel $0x88, $3  }
0x1: {  	(tag) =	ssettag $0x0;
	lr =	simm.s32 $0x1  }
0x2: {  	[smem:$0x3F9E] =	sst lr;
	_ =	strace $0xD0000000  }
0x3: {  	_ = 	snop  }
0x4: {  	_ = 	snop  }
0x5: {  	_ = 	snop  }
0x6: {  	_ = 	snop  }
0x7: {  	_ = 	snop  }
__scs_overlays_trampoline_lowered:
0x8: {  	[smem:$0x3FAD] =	sst s0  }
0x9: {  	[smem:$0x3FAE] =	sst s1  }
0xa: {  	[smem:$0x3FAF] =	sst s2  }
0xb: {  	[smem:$0x3FB0] =	sst s3  }
0xc: {  	[smem:$0x3FB1] =	sst s4  }
0xd: {  	[smem:$0x3FB2] =	sst s5  }
0xe: {  	[smem:$0x3FB3] =	sst s6  }
0xf: {  	[smem:$0x3FB4] =	sst s7  }
0x10: {  	[smem:$0x3FB5] =	sst s8  }
0x11: {  	[smem:$0x3FB6] =	sst s9;
	s0 =	simm.s32 @!p0 $0x0  }
0x12: {  	s1 =	sld [smem:$0x3F9C];
	s0 =	simm.s32 @p0 $0x1  }
0x13: {  	[smem:$0x3FB7] =	sst s0;
	s0 =	simm.s32 @!p1 $0x0  }
0x14: {  	s2 =	sld [smem:$0x3F9B];
	s0 =	simm.s32 @p1 $0x1  }
0x15: {  	[smem:$0x3FB8] =	sst s0;
	s0 =	simm.s32 @!p2 $0x0  }
0x16: {  	s3 =	sld [smem:$0x3FDB];
	s0 =	simm.s32 @p2 $0x1  }
0x17: {  	s4 =	simm.s32 $0x1BF5;
	[smem:$0x3FBA] =	sst s0  }
0x18: {  	s0 =	sld [smem:$0x3F9D];
	_ =	swait.ge [sflag:s4], $0x0  }
0x19: {  	s7 =	sld [smem:$0x3F9E]  }
0x1a: {  	s8 =	sadd.s32 $0xFFFFE003, lr  }
0x1b: {  	s9 =	sadd.s32 $0xFFFFFEF7, lr;
	s5 =	simm.s32 $0xFFFFFFFF;
	p2 =	slt.u32 s8, $0xFFFFF086  }
0x1c: {  	p1 =	slt.u32 s9, $0xF7A;
	s5 =	simm.s32 @!p2 $0x0  }
0x1d: {  	s5 =	simm.s32 @p1 $0x1;
	p0 =	seq.s32 s7, s2  }
0x1e: {  	s7 =	smul.u32 @!p0 $0xF7A, s2;
	p2 =	seq.s32 @!p0 s5, $0x0  }
0x1f: {  	s9 =	smul.u32 $0xF7A, s1;
	s8 =	simm.s32 @!p0 $0x1BF5;
	p2 =	por !p2, p0  }
0x20: {  	[sflag:s8] =	ssyncset.s32 @!p0 $0xFFFFF086;
	s6 =	sadd.s32 @!p0 s3, s7;
	s7 =	simm.s32 @!p0 $0x108  }
0x21: {  	s3 =	sadd.s32 s3, s9;
	s6 =	sadd.s32 @!p0 $0x88, s6;
	s7 =	simm.s32 @p2 $0x1082  }
0x22: {  	[simem:s7], [sflag:s8] =	dma.local @!p0 [hbm:s6], $0xF7A  }
0x23: {  	s9 =	sor.u32 $0xD0000000, s2;
	s6 =	simm.s32 $0x108;
	_ =	swait.ge @!p0 [sflag:s8], $0x0  }
0x24: {  	s3 =	sadd.s32 $0x88, s3;
	s6 =	simm.s32 @!p1 $0x1082;
	[sflag:s4] =	ssyncset.s32 $0xFFFFF086  }
0x25: {  	[simem:s6], [sflag:s4] =	dma.local [hbm:s3], $0xF7A  }
0x26: {  	[smem:$0x3F9E] =	sst s1;
	(tag) =	ssettag s2;
	_ =	strace s9  }
0x27: {  	s1 =	sld [smem:$0x3FAE]  }
0x28: {  	s2 =	sld [smem:$0x3FAF]  }
0x29: {  	s4 =	sld [smem:$0x3FB1]  }
0x2a: {  	p0 =	seq.s32 s5, $0x0;
	s5 =	sld [smem:$0x3FB2]  }
0x2b: {  	s6 =	sld [smem:$0x3FB3]  }
0x2c: {  	s7 =	sld [smem:$0x3FB4]  }
0x2d: {  	s3 =	simm.s32 $0x108;
	s8 =	sld [smem:$0x3FB5]  }
0x2e: {  	s3 =	simm.s32 @!p0 $0x1082;
	s9 =	sld [smem:$0x3FB6]  }
0x2f: {  	lr =	sadd.s32 s0, s3;
	s0 =	sld [smem:$0x3FAD]  }
0x30: {  	s3 =	sld [smem:$0x3FB0]  }
0x31: {  	[smem:$0x3FB9] =	sst s10  }
0x32: {  	s10 =	sld [smem:$0x3FB7];
	_ =	sdelay $0x3  }
0x33: {  	p0 =	seq.s32 s10, $0x1;
	s10 =	sld [smem:$0x3FB9];
	_ =	sdelay $0x3  }
0x34: {  	[smem:$0x3FB9] =	sst s10  }
0x35: {  	s10 =	sld [smem:$0x3FB8];
	_ =	sdelay $0x3  }
0x36: {  	p1 =	seq.s32 s10, $0x1;
	s10 =	sld [smem:$0x3FB9];
	_ =	sdelay $0x3  }
0x37: {  	[smem:$0x3FB9] =	sst s10  }
0x38: {  	s10 =	sld [smem:$0x3FBA]  }
0x39: {  	_ = 	snop;
	(pc) =	sbr.ind lr, $3  }
0x3a: {  	_ = 	snop  }
0x3b: {  	_ = 	snop  }
0x3c: {  	p2 =	seq.s32 s10, $0x1;
	s10 =	sld [smem:$0x3FB9]  }
0x3d: {  	_ =	shalt  }
0x3e: {  	_ =	shalt  }
0x3f: {  	_ =	shalt  }
0x40: {  	_ =	shalt  }
0x41: {  	_ =	shalt  }
0x42: {  	_ =	shalt  }
0x43: {  	_ =	shalt  }
0x44: {  	_ =	shalt  }
0x45: {  	_ =	shalt  }
0x46: {  	_ =	shalt  }
0x47: {  	_ =	shalt  }
0x48: {  	_ =	shalt  }
0x49: {  	_ =	shalt  }
0x4a: {  	_ =	shalt  }
0x4b: {  	_ =	shalt  }
0x4c: {  	_ =	shalt  }
0x4d: {  	_ =	shalt  }
0x4e: {  	_ =	shalt  }
0x4f: {  	_ =	shalt  }
0x50: {  	_ =	shalt  }
0x51: {  	_ =	shalt  }
0x52: {  	_ =	shalt  }
0x53: {  	_ =	shalt  }
0x54: {  	_ =	shalt  }
0x55: {  	_ =	shalt  }
0x56: {  	_ =	shalt  }
0x57: {  	_ =	shalt  }
0x58: {  	_ =	shalt  }
0x59: {  	_ =	shalt  }
0x5a: {  	_ =	shalt  }
0x5b: {  	_ =	shalt  }
0x5c: {  	_ =	shalt  }
0x5d: {  	_ =	shalt  }
0x5e: {  	_ =	shalt  }
0x5f: {  	_ =	shalt  }
0x60: {  	_ =	shalt  }
0x61: {  	_ =	shalt  }
0x62: {  	_ =	shalt  }
0x63: {  	_ =	shalt  }
0x64: {  	_ =	shalt  }
0x65: {  	_ =	shalt  }
0x66: {  	_ =	shalt  }
0x67: {  	_ =	shalt  }
0x68: {  	_ =	shalt  }
0x69: {  	_ =	shalt  }
0x6a: {  	_ =	shalt  }
0x6b: {  	_ =	shalt  }
0x6c: {  	_ =	shalt  }
0x6d: {  	_ =	shalt  }
0x6e: {  	_ =	shalt  }
0x6f: {  	_ =	shalt  }
0x70: {  	_ =	shalt  }
0x71: {  	_ =	shalt  }
0x72: {  	_ =	shalt  }
0x73: {  	_ =	shalt  }
0x74: {  	_ =	shalt  }
0x75: {  	_ =	shalt  }
0x76: {  	_ =	shalt  }
0x77: {  	_ =	shalt  }
0x78: {  	_ =	shalt  }
0x79: {  	_ =	shalt  }
0x7a: {  	_ =	shalt  }
0x7b: {  	_ =	shalt  }
0x7c: {  	_ =	shalt  }
0x7d: {  	_ =	shalt  }
0x7e: {  	_ =	shalt  }
0x7f: {  	_ =	shalt  }
0x80: {  	_ =	shalt  }
0x81: {  	_ =	shalt  }
0x82: {  	_ =	shalt  }
0x83: {  	_ =	shalt  }
0x84: {  	_ =	shalt  }
0x85: {  	_ =	shalt  }
0x86: {  	_ =	shalt  }
0x87: {  	_ =	shalt  }
.Lfunc_end0:
.L_simem_size_0:
called_computation.1_lowered:
.L_overlay_start_0:
0x88: {  	s2 =	sld [smem:$0x3FD9]  }
0x89: {  	s3 =	sld [smem:$0x3FFE];
	_ =	sdelay $0x1  }
0x8a: {  	s1 =	srdreg.scid  }
0x8b: {  	s0 =	sand.u32 $0x1, s1  }
0x8c: {  	s17 =	sshll.u32 s0, $0xA;
	s2 =	sadd.s32 s3, s2  }
0x8d: {  	s2 =	sadd.s32 s2, s17  }
0x8e: {  	[smem:$0x3FC5] =	sst s2  }
0x8f: {  	_ = 	snop  }
0x90: {  	s18 =	sld [smem:$0x3FC7];
	(tm) =	ssettm $0x1  }
0x91: {  	s19 =	sld [smem:$0x3FFB];
	_ =	sdelay $0x3  }
0x92: {  	_ =	strace s19  }
0x93: {  	s2 =	sld [smem:$0x3FFC];
	_ =	sdelay $0x3  }
0x94: {  	_ =	strace s2  }
0x95: {  	s2 =	sld [smem:$0x3FFD];
	_ =	sdelay $0x3  }
0x96: {  	_ =	strace s2  }
0x97: {  	_ =	strace $0x8FFFFFFF  }
0x98: {  	s20 =	sld [smem:$0x3FDB];
	_ =	sdelay $0x1  }
0x99: {  	s4 =	simm.s32 $_scs_section_size  }
0x9a: {  	s5 =	simm.s32 $_size__tile_overlayer_lowered;
	s6 =	simm.s32 $_tile_overlayer_lowered  }
0x9b: {  	s7 =	simm.s32 $0x1BFF;
	s21 =	sshll.u32 s6, $0x1;
	s4 =	sadd.s32 s4, s20  }
0x9c: {  	s22 =	simm.s32 $0x0;
	s5 =	sshll.u32 s5, $0x1;
	s6 =	sadd.s32 s21, s4  }
0x9d: {  	[timem:s22], [sflag:s7] =	dma.local [hbm:s6], s5  }
0x9e: {  	_ =	swait.ge [sflag:s7], s5  }
0x9f: {  	s5 =	ssub.s32 $0x0, s5;
	[sflag:s7] =	ssyncset.done $0x0  }
0xa0: {  	[sflag:s7] =	ssyncadd.s32 s5;
	_ =	sdelay $0x1  }
0xa1: {  	s23 =	simm.s32 $0x1B8B  }
0xa2: {  	_ =	swait.ge [sflag:s23], $0x1  }
0xa3: {  	[sflag:s23] =	ssyncset.done $0x0  }
0xa4: {  	[sflag:s23] =	ssyncadd.s32 $0xFFFFFFFF  }
0xa5: {  	s5 =	sld [smem:$0x0]  }
0xa6: {  	s6 =	sand.u32 $0xFFFFFFFE, s1  }
0xa7: {  	p0 =	sne.s32 s1, s6  }
0xa8: {  	s6 =	sshll.u32 @p0 s6, $0xE  }
0xa9: {  	s6 =	sadd.s32 @p0 $0x11B8D, s6;
	s7 =	sshll.u32 @p0 s5, $0x11  }
0xaa: {  	s6 =	sor.u32 @p0 s7, s6  }
0xab: {  	[sflag:s6] =	ssyncadd.remote.s32 @p0 $0x1;
	_ =	sdelay $0x1  }
0xac: {  	s6 =	simm.s32 @p0 $0x1B8D  }
0xad: {  	_ =	swait.eq @p0 [sflag:s6], $0x1  }
0xae: {  	[sflag:s6] =	ssyncadd.s32 @p0 $0xFFFFFFFF  }
0xaf: {  	s7 =	sshll.u32 @!p0 s1, $0xE  }
0xb0: {  	s7 =	sor.u32 @!p0 $0x4000, s7;
	s6 =	simm.s32 @!p0 $0x1B8D  }
0xb1: {  	s5 =	sshll.u32 @!p0 s5, $0x11;
	s7 =	sadd.s32 @!p0 $0x11B8D, s7;
	_ =	swait.eq @!p0 [sflag:s6], $0x1  }
0xb2: {  	s5 =	sor.u32 @!p0 s5, s7;
	[sflag:s6] =	ssyncadd.s32 @!p0 $0xFFFFFFFF  }
0xb3: {  	s25 =	simm.s32 $0x1B8E;
	s24 =	sld [smem:$0x3FFE];
	[sflag:s5] =	ssyncadd.remote.s32 @!p0 $0x1  }
0xb4: {  	s26 =	simm.s32 $execute0_lowered;
	[smem:$0x3FD2] =	sst s25  }
0xb5: {  	s6 =	sshll.u32 s26, $0x1;
	_ =	strace $0x80000049;
	[dreg:$0x1] =	wrdreg $0xFFFFFFFF  }
0xb6: {  	s28 =	simm.s32 $_size_execute0_lowered;
	s4 =	sadd.s32 s4, s6;
	[dreg:$0x0] =	wrdreg $0x0  }
0xb7: {  	s6 =	sshll.u32 s28, $0x1;
	[dreg:$0x2] =	wrdreg s4  }
0xb8: {  	[dreg:$0x3] =	wrdreg s6  }
0xb9: {  	[dreg:$0x4] =	wrdreg $0xC0  }
0xba: {  	_ =	task [dreg:s22], $0x5FFFF  }
0xbb: {  	[dreg:$0x1] =	wrdreg $0xFFFFFFFF  }
0xbc: {  	[dreg:$0x0] =	wrdreg $0x60  }
0xbd: {  	[dreg:$0x2] =	wrdreg s24  }
0xbe: {  	[dreg:$0x3] =	wrdreg s18  }
0xbf: {  	[dreg:$0x4] =	wrdreg $0x132600  }
0xc0: {  	[dreg:$0x5] =	wrdreg $0xA  }
0xc1: {  	_ =	task.clear_ibuf [dreg:s22], $0x6FFFF;
	_ =	strace $0x90000049  }
0xc2: {  	s29 =	simm.s32 $0xA;
	_ =	strace $0x8000004B  }
0xc3: {  	_ =	swait.ge [sflag:s29], $0x1  }
0xc4: {  	[sflag:s29] =	ssyncadd.s32 $0xFFFFFFFF  }
0xc5: {  	_ =	strace $0x9000004B  }
0xc6: {  	_ =	sfence  }
0xc7: {  	s30 =	sld [smem:$0x0];
	_ =	sdelay $0x2  }
0xc8: {  	s31 =	sshll.u32 s1, $0xD;
	s1 =	sshrl.u32 s1, $0x2  }
0xc9: {  	s4 =	sand.u32 $0x4000, s31;
	s1 =	sadd.s32 s1, s30  }
0xca: {  	s0 =	sor.u32 s4, s0;
	s1 =	sshll.u32 s1, $0x11  }
0xcb: {  	s0 =	sor.u32 s1, s0  }
0xcc: {  	s0 =	sadd.s32 $0x8F2B, s0  }
0xcd: {  	[sflag:s0] =	ssyncadd.remote.s32 $0x1  }
0xce: {  	_ =	sfence.sel $0xFFFF  }
0xcf: {  	[dreg:$0x0] =	wrdreg $0xFFFFFFFF;
	(pc) =	sbr.abs _section_cstart, $3  }
0xd0: {  	[dreg:$0x1] =	wrdreg $0xFFFFFFFF  }
0xd1: {  	_ =	task.clear_ibuf [dreg:s22], $0x2FFFF;
	_ =	strace $0x9FFFFFFF  }
0xd2: {  	(tm) =	ssettm $0x7FFFFFFF  }
0xd3: {  	_ =	shalt  }
tec
execute0_lowered:
.L_overlay_start_1:
0x0: {  	(tag) =	ssettag $0x1  }
0x1: {  	s8 =	rddreg [dreg:$0x0]  }
0x2: {  	s1 =	rddreg [dreg:$0x1]  }
0x3: {  	s2 =	rddreg [dreg:$0x2];
	s0 =	simm.s32 $0x0  }
0x4: {  	s4 =	srdreg.scid;
	s18 =	simm.s32 $0x1;
	s19 =	simm.s32 $0x9C40  }
0x5: {  	s20 =	simm.s32 $0xA8D0;
	s21 =	simm.s32 $0x2;
	s22 =	simm.s32 $0xFA0  }
0x6: {  	s23 =	simm.s32 $0x7D0;
	s24 =	simm.s32 $0xB560;
	s9 =	sand.u32 $0x1, s4  }
0x7: {  	s25 =	simm.s32 $0x11960;
	s4 =	stileid.u32;
	s10 =	smul.u32 $0x64000, s9  }
0x8: {  	s28 =	simm.s32 $0x0;
	[smem:$0x7FF] =	sst s0;
	s11 =	smul.u32 $0x6400, s4  }
0x9: {  	s5 =	sadd.s32 $0x61A9800, s8;
	s6 =	sadd.s32 $0x1600, s8;
	s12 =	smul.u32 $0x61A8, s9  }
0xa: {  	s7 =	sadd.s32 $0x1400, s8;
	s9 =	ssub.s32 $0x2, s9;
	s14 =	smul.u32 $0x640, s4  }
0xb: {  	s13 =	sadd.s32 $0x1800, s8;
	s15 =	smul.u32 $0x19000, s4;
	s26 =	sshrl.u32 s9, $0x1  }
0xc: {  	v0 =	vlaneseq.u32;
	_ =	strace $0x8000004A;
	s10 =	sadd.s32 s11, s10;
	s17 =	ssub.s32 s9, s26  }
0xd: {  	v2 =	vand.u32 $0x1, v0;
	s9 =	sadd.s32 $0x124F8, s12;
	s29 =	sshrl.u32 s15, $0x2;
	s30 =	sadd.s32 s13, s14  }
0xe: {  	v2 =	vmul.u32 $0x7, v2;
	s14 =	sadd.s32 $0x320, s14;
	s26 =	simm.s32 $0xE760;
	s10 =	sshrl.u32 s10, $0x3  }
0xf: {  	v1 =	vimm.f32 $0.0e+00;
	vm0 =	vcmask $0x3B38;
	v5 =	vshrl.u32 v0, $0x1;
	s31 =	sshll.u32 s14, $0x4;
	s14 =	sadd.s32 s13, s14;
	s16 =	sadd.s32 s10, s8  }
0x10: {  	v4 =	vsel vm0, $0x3F800000, v1;
	v5 =	vmul.u32 $0x10, v5;
	v6 =	vadd.s32 $0x1, v2;
	s8 =	sadd.s32 $0xC350, s12;
	s10 =	sadd.s32 s29, s2;
	s13 =	sadd.s32 s31, s2  }
0x11: {  	v7 =	vadd.s32 $0x2, v2;
	v8 =	vadd.s32 $0x3, v2;
	v9 =	vadd.s32 $0x4, v2;
	s11 =	sadd.s32 s8, s30;
	s12 =	sadd.s32 $0x33800, s16;
	s14 =	sadd.s32 s8, s14  }
0x12: {  	v10 =	vadd.s32 $0x5, v2;
	v11 =	vadd.s32 $0x6, v2;
	s15 =	sadd.s32 $0x33E40, s16;
	s16 =	smax.u32 s17, $0x1;
	s17 =	simm.s32 $0x1F40;
	v3 =	vmov s8  }
.LBB2_1:
0x13: {  	s29 =	simm.s32 $0x40;
	s30 =	simm.s32 $0x0  }
.LBB2_2:
0x14: {  	p0 =	sne.s32 s29, $0x1F3C0;
	[tilespmem:s30+$0x1F40] =	vst v1;
	s30 =	smov.u32 s29;
	s29 =	sadd.s32 $0x40, s29  }
.Ltmp0:
0x15: {  	(pc) =	sbr.rel @p0 .LBB2_2-.Ltmp0, $2  }
0x16: {  	_ =	sdelay $0x2  }
0x17: {  	s30 =	sshra.s32 s30, $0x2  }
0x18: {  	[tilespmem:s30+$0x1F40] =	vst v1  }
0x19: {  	[spmem:s10] =	stream.linear.scatter [tilespmem:s17], [sflag:$0x1], $0x6400, $0x38;
	[tilespmem:$0x19660] =	vst v63  }
0x1a: {  	_ =	swait.ge [sflag:s18], $0x6400  }
0x1b: {  	[sflag:s18] =	ssyncset.done $0x0  }
0x1c: {  	s29 =	simm.s32 $0x40;
	s30 =	simm.s32 $0x0;
	[sflag:s18] =	ssyncadd.s32 $0xFFFF9C00  }
.LBB2_4:
0x1d: {  	p0 =	sne.s32 s29, $0x1F3C0;
	[tilespmem:s30+$0x1F40] =	vst v4;
	s30 =	smov.u32 s29;
	s29 =	sadd.s32 $0x40, s29  }
.Ltmp1:
0x1e: {  	(pc) =	sbr.rel @p0 .LBB2_4-.Ltmp1, $2  }
0x1f: {  	_ =	sdelay $0x2  }
0x20: {  	s30 =	sshra.s32 s30, $0x2  }
0x21: {  	[tilespmem:s30+$0x1F40] =	vst v4;
	s29 =	simm.s32 $0x0  }
0x22: {  	[tilespmem:s19], [sflag:$0x1] =	stream.linear.gather [hbm4b:s6+s29], $0xC80, $0x38;
	[tilespmem:$0x19660] =	vst v63  }
0x23: {  	_ =	swait.ge [sflag:s18], $0xC80  }
0x24: {  	[sflag:s18] =	ssyncset.done $0x0  }
0x25: {  	[sflag:s18] =	ssyncadd.s32 $0xFFFFF380  }
0x26: {  	[tilespmem:s20], [sflag:$0x1] =	stream.linear.gather [hbm4b:s7+s29], $0xC80, $0x38;
	[tilespmem:$0x19660] =	vst v63  }
.Ltmp2:
0x27: {  	_ =	swait.ge [sflag:s18], $0xC80;
	(pc) =	sbr.rel .LBB2_6-.Ltmp2, $3  }
0x28: {  	[sflag:s18] =	ssyncset.done $0x0  }
0x29: {  	[sflag:s18] =	ssyncadd.s32 $0xFFFFF380  }
0x2a: {  	[bflag:$0x0] =	sbarrier.arrive $0xFFFF;
	_ =	sdelay $0x1  }
.LBB2_12:
0x2b: {  	s29 =	sadd.s32 $0x1, s29  }
0x2c: {  	p0 =	sne.s32 s29, $0xC8  }
.Ltmp3:
0x2d: {  	_ = 	snop;
	(pc) =	sbr.rel @!p0 .LBB2_13-.Ltmp3, $1  }
0x2e: {  	_ =	sdelay $0x3  }
.LBB2_6:
0x2f: {  	s30 =	sshll.u32 s29, $0x4  }
0x30: {  	s30 =	sor.u32 s4, s30  }
0x31: {  	v12 =	vld [tilespmem:s30+$0x9C40]  }
0x32: {  	v13 =	vld [tilespmem:s30+$0xA8D0];
	_ =	sdelay $0x3  }
0x33: {  	(v2sf) =	vpush v12, $0x0  }
0x34: {  	(v2sf) =	vpush v13, $0x0;
	_ =	sdelay $0xd  }
0x35: {  	s31 =	spop (v2sf)  }
0x36: {  	s0 =	spop (v2sf);
	p0 =	sge.s32 s31, s9  }
0x37: {  	p1 =	slt.s32 @!p0 s0, s8  }
0x38: {  	p0 =	por p0, p1  }
.Ltmp4:
0x39: {  	_ = 	snop;
	(pc) =	sbr.rel @p0 .LBB2_12-.Ltmp4, $1  }
0x3a: {  	_ =	sdelay $0x3  }
0x3b: {  	s0 =	smul.u32 $0xFA, s30;
	_ =	sdelay $0x1  }
0x3c: {  	s31 =	simm.s32 $0x0;
	s0 =	sadd.s32 s1, s0  }
0x3d: {  	[tilespmem:s31], [sflag:$0x2] =	stream.linear.gather [hbm4b:s0+s31], $0x7D0, $0x38;
	[tilespmem:$0x19660] =	vst v63  }
0x3e: {  	s3 =	smul.u32 $0x1F4, s30;
	_ =	swait.ge [sflag:s21], $0x7D0  }
0x3f: {  	[sflag:s21] =	ssyncset.done $0x0  }
0x40: {  	s0 =	sadd.s32 s5, s3;
	[sflag:s21] =	ssyncadd.s32 $0xFFFFF830  }
0x41: {  	[tilespmem:s22], [sflag:$0x2] =	stream.linear.gather [hbm4b:s0+s31], $0xFA0, $0x38;
	[tilespmem:$0x19660] =	vst v63  }
0x42: {  	_ =	swait.ge [sflag:s21], $0xFA0  }
0x43: {  	[sflag:s21] =	ssyncset.done $0x0  }
0x44: {  	s30 =	simm.s32 $0x0;
	[sflag:s21] =	ssyncadd.s32 $0xFFFFF060  }
0x45: {  	s31 =	simm.s32 $0x40;
	v12 =	vld [tilespmem:s30+$0x0]  }
.LBB2_8:
0x46: {  	_ =	sdelay $0x1  }
0x47: {  	p0 =	sne.s32 s31, $0x1F00  }
.Ltmp5:
0x48: {  	_ = 	snop;
	(pc) =	sbr.rel @p0 .LBB2_8-.Ltmp5, $4  }
0x49: {  	v13 =	vsub.s32 v12, v3  }
0x4a: {  	vm0 =	vlt.u32 v13, $0x61A8  }
0x4b: {  	s0 =	sshra.s32 s31, $0x2;
	v13 =	vnsel vm0, $0x63FF, v13  }
0x4c: {  	s31 =	sadd.s32 $0x40, s31;
	v12 =	vld [tilespmem:s0+$0x0];
	[tilespmem:s30+$0x7D0] =	vst v13;
	s30 =	smov.u32 s0  }
0x4d: {  	_ =	sdelay $0x3  }
0x4e: {  	v12 =	vsub.s32 v12, v3  }
0x4f: {  	vm0 =	vlt.u32 v12, $0x61A8  }
0x50: {  	v12 =	vnsel vm0, $0x63FF, v12  }
0x51: {  	[tilespmem:s30+$0x7D0] =	vst v12;
	s30 =	simm.s32 $0xFB0  }
0x52: {  	v12 =	vld [tilespmem:s30+$0xFFFFFFF0];
	_ =	sdelay $0x1  }
0x53: {  	s0 =	simm.s32 $0x0  }
0x54: {  	v13 =	vmov s0  }
0x55: {  	v13 =	vshll.u32 v13, $0x4  }
0x56: {  	v13 =	vor.u32 v5, v13;
	v14 =	vmul.f32 v12, v12  }
0x57: {  	v15 =	vor.u32 v2, v13  }
0x58: {  	v16 =	vor.u32 v6, v13;
	v17 =	vmul.f32 v14, v12  }
0x59: {  	v18 =	vor.u32 v7, v13  }
0x5a: {  	v20 =	vor.u32 v8, v13;
	v19 =	vmul.f32 v17, v12  }
0x5b: {  	v21 =	vor.u32 v9, v13  }
0x5c: {  	v22 =	vor.u32 v10, v13;
	[tilespmem:v15+s17+$0x0] =	vst.idx.msk $0xffff, v12;
	v15 =	vmul.f32 v19, v12  }
0x5d: {  	v13 =	vor.u32 v11, v13;
	[tilespmem:v16+s17+$0x0] =	vst.idx.msk $0xffff, v14  }
0x5e: {  	[tilespmem:v18+s17+$0x0] =	vst.idx.msk $0xffff, v17;
	v14 =	vmul.f32 v15, v12  }
0x5f: {  	[tilespmem:v20+s17+$0x0] =	vst.idx.msk $0xffff, v19  }
0x60: {  	[tilespmem:v21+s17+$0x0] =	vst.idx.msk $0xffff, v15;
	v12 =	vmul.f32 v14, v12  }
0x61: {  	[tilespmem:v22+s17+$0x0] =	vst.idx.msk $0xffff, v14  }
0x62: {  	[tilespmem:v13+s17+$0x0] =	vst.idx.msk $0xffff, v12  }
0x63: {  	v13 =	vld [tilespmem:s30+$0x0]  }
0x64: {  	s3 =	simm.s32 $0x8  }
0x65: {  	v12 =	vmov s3  }
0x66: {  	v12 =	vshll.u32 v12, $0x4  }
0x67: {  	v12 =	vor.u32 v5, v12  }
0x68: {  	v14 =	vor.u32 v2, v12;
	v15 =	vmul.f32 v13, v13  }
0x69: {  	v57 =	vor.u32 v6, v12  }
0x6a: {  	v58 =	vor.u32 v7, v12;
	v59 =	vmul.f32 v15, v13  }
0x6b: {  	v60 =	vor.u32 v8, v12  }
0x6c: {  	v61 =	vor.u32 v9, v12;
	v62 =	vmul.f32 v59, v13  }
0x6d: {  	[tilespmem:v14+s17+$0x0] =	vst.idx.msk $0xffff, v13;
	v14 =	vor.u32 v10, v12  }
0x6e: {  	[tilespmem:v57+s17+$0x0] =	vst.idx.msk $0xffff, v15;
	v15 =	vmul.f32 v62, v13  }
0x6f: {  	v12 =	vor.u32 v11, v12;
	[tilespmem:v58+s17+$0x0] =	vst.idx.msk $0xffff, v59  }
0x70: {  	[tilespmem:v60+s17+$0x0] =	vst.idx.msk $0xffff, v62;
	v63 =	vmul.f32 v15, v13  }
0x71: {  	[tilespmem:v61+s17+$0x0] =	vst.idx.msk $0xffff, v15  }
0x72: {  	s31 =	simm.s32 $0x18;
	[tilespmem:v14+s17+$0x0] =	vst.idx.msk $0xffff, v63;
	v13 =	vmul.f32 v63, v13  }
.LBB2_10:
0x73: {  	p0 =	sne.s32 s31, $0x7C8  }
0x74: {  	s30 =	sadd.s32 $0x20, s30;
	s0 =	smov.u32 s31;
	s31 =	sadd.s32 $0x10, s31;
	[tilespmem:v12+s17+$0x0] =	vst.idx.msk $0xffff, v13  }
0x75: {  	v12 =	vld [tilespmem:s30+$0xFFFFFFF0];
	_ =	sdelay $0x1  }
0x76: {  	s3 =	sadd.s32 $0xFFFFFFF8, s0  }
0x77: {  	v13 =	vmov s3  }
0x78: {  	v13 =	vshll.u32 v13, $0x4  }
0x79: {  	v13 =	vor.u32 v5, v13;
	v14 =	vmul.f32 v12, v12  }
0x7a: {  	v15 =	vor.u32 v2, v13  }
0x7b: {  	v16 =	vor.u32 v6, v13;
	v17 =	vmul.f32 v14, v12  }
0x7c: {  	v18 =	vor.u32 v7, v13  }
0x7d: {  	v20 =	vor.u32 v8, v13;
	v19 =	vmul.f32 v17, v12  }
0x7e: {  	v21 =	vor.u32 v9, v13  }
0x7f: {  	v22 =	vor.u32 v10, v13;
	[tilespmem:v15+s17+$0x0] =	vst.idx.msk $0xffff, v12;
	v15 =	vmul.f32 v19, v12  }
0x80: {  	v13 =	vor.u32 v11, v13;
	[tilespmem:v16+s17+$0x0] =	vst.idx.msk $0xffff, v14  }
0x81: {  	[tilespmem:v18+s17+$0x0] =	vst.idx.msk $0xffff, v17;
	v14 =	vmul.f32 v15, v12  }
0x82: {  	[tilespmem:v20+s17+$0x0] =	vst.idx.msk $0xffff, v19  }
0x83: {  	[tilespmem:v21+s17+$0x0] =	vst.idx.msk $0xffff, v15;
	v12 =	vmul.f32 v14, v12;
	v15 =	vmov s0  }
0x84: {  	[tilespmem:v22+s17+$0x0] =	vst.idx.msk $0xffff, v14;
	v14 =	vshll.u32 v15, $0x4  }
0x85: {  	[tilespmem:v13+s17+$0x0] =	vst.idx.msk $0xffff, v12;
	v12 =	vor.u32 v5, v14  }
0x86: {  	v13 =	vld [tilespmem:s30+$0x0];
	v14 =	vor.u32 v2, v12;
	_ =	sdelay $0x1  }
0x87: {  	v15 =	vor.u32 v6, v12;
	_ =	sdelay $0x1  }
0x88: {  	v16 =	vor.u32 v7, v12  }
0x89: {  	[tilespmem:v14+s17+$0x0] =	vst.idx.msk $0xffff, v13;
	v14 =	vmul.f32 v13, v13  }
0x8a: {  	v17 =	vor.u32 v8, v12  }
0x8b: {  	[tilespmem:v15+s17+$0x0] =	vst.idx.msk $0xffff, v14;
	v14 =	vmul.f32 v14, v13  }
0x8c: {  	v15 =	vor.u32 v9, v12  }
0x8d: {  	[tilespmem:v16+s17+$0x0] =	vst.idx.msk $0xffff, v14;
	v14 =	vmul.f32 v14, v13  }
0x8e: {  	v16 =	vor.u32 v10, v12  }
.Ltmp6:
0x8f: {  	[tilespmem:v17+s17+$0x0] =	vst.idx.msk $0xffff, v14;
	v14 =	vmul.f32 v14, v13;
	(pc) =	sbr.rel @p0 .LBB2_10-.Ltmp6, $3  }
0x90: {  	v12 =	vor.u32 v11, v12  }
0x91: {  	[tilespmem:v15+s17+$0x0] =	vst.idx.msk $0xffff, v14;
	v14 =	vmul.f32 v14, v13;
	_ =	sdelay $0x1  }
0x92: {  	[tilespmem:v16+s17+$0x0] =	vst.idx.msk $0xffff, v14;
	v13 =	vmul.f32 v14, v13  }
0x93: {  	_ =	sdelay $0x3  }
.Ltmp7:
0x94: {  	[tilespmem:v12+s17+$0x0] =	vst.idx.msk $0xffff, v13;
	(pc) =	sbr.rel .LBB2_12-.Ltmp7, $4  }
0x95: {  	[spmem:s2] =	stream.indirect.scatter.add.f32 [tilespmem:s17], [sflag:$0x1], $0x10, s23, s23, $0xb8;
	[tilespmem:$0x19660] =	vst v63  }
0x96: {  	_ =	swait.ge [sflag:s18], $0x7D00  }
0x97: {  	[sflag:s18] =	ssyncset.done $0x0  }
0x98: {  	[sflag:s18] =	ssyncadd.s32 $0xFFFF8300  }
.LBB2_13:
0x99: {  	[bflag:$0x0] =	sbarrier.arrive $0xFFFF  }
0x9a: {  	[tilespmem:s24], [sflag:$0x1] =	stream.linear.gather [spmem:s10], $0x3200, $0x38;
	[tilespmem:$0x19660] =	vst v63  }
0x9b: {  	s0 =	simm.s32 $0x0;
	_ =	swait.ge [sflag:s18], $0x3200  }
0x9c: {  	v12 =	vor.u32 s0, v0;
	[sflag:s18] =	ssyncset.done $0x0  }
0x9d: {  	v13 =	vshll.u32 v12, $0x3;
	[sflag:s18] =	ssyncadd.s32 $0xFFFFCE00  }
0x9e: {  	v24 =	vshll.u32 v12, $0x4;
	v14 =	vor.u32 $0x1, v13;
	[tilespmem:s25], [sflag:$0x1] =	stream.linear.gather [hbm4b:s11+s0], $0x1900, $0x38;
	[tilespmem:$0x19660] =	vst v63  }
0x9f: {  	v12 =	vor.u32 $0xE, v24;
	_ =	swait.ge [sflag:s18], $0x1900  }
0xa0: {  	v18 =	vor.u32 $0x7, v24;
	[sflag:s18] =	ssyncset.done $0x0  }
0xa1: {  	[sflag:s18] =	ssyncadd.s32 $0xFFFFE700  }
0xa2: {  	v20 =	vor.u32 $0x9, v24;
	v16 =	vld.idx.msk [tilespmem:v13+s25+$0x0], $0xffff  }
0xa3: {  	v38 =	vor.u32 $0x4, v24;
	v17 =	vld.idx.msk [tilespmem:v14+s25+$0x0], $0xffff  }
0xa4: {  	v25 =	vor.u32 $0x1, v24;
	v13 =	vld.idx.msk [tilespmem:v12+s24+$0x0], $0xffff  }
0xa5: {  	v19 =	vor.u32 $0x8, v24;
	v23 =	vld.idx.msk [tilespmem:v18+s24+$0x0], $0xffff  }
0xa6: {  	v21 =	vor.u32 $0xA, v24;
	v22 =	vld.idx.msk [tilespmem:v24+s24+$0x0], $0xffff  }
0xa7: {  	v26 =	vor.u32 $0x2, v24;
	v36 =	vld.idx.msk [tilespmem:v20+s24+$0x0], $0xffff  }
0xa8: {  	v45 =	vld.idx.msk [tilespmem:v38+s24+$0x0], $0xffff  }
0xa9: {  	v31 =	vor.u32 $0x6, v24;
	v33 =	vor.u32 $0x3, v24;
	v27 =	vld.idx.msk [tilespmem:v25+s24+$0x0], $0xffff  }
0xaa: {  	v15 =	vor.u32 $0xC, v24;
	v43 =	vor.u32 $0x5, v24;
	v28 =	vld.idx.msk [tilespmem:v19+s24+$0x0], $0xffff;
	v30 =	vmul.f32 v16, v13  }
0xab: {  	v14 =	vor.u32 $0xD, v24;
	v39 =	vld.idx.msk [tilespmem:v21+s24+$0x0], $0xffff;
	v34 =	vmul.f32 v17, v13;
	v35 =	vmul.f32 v17, v23  }
0xac: {  	v32 =	vld.idx.msk [tilespmem:v26+s24+$0x0], $0xffff;
	v29 =	vmax.f32 v13, $1.000000000e+00;
	v37 =	vmul.f32 v16, v22;
	v41 =	vmul.f32 v17, v36  }
0xad: {  	v50 =	vmul.f32 v16, v45;
	(erf) = vrcp.f32 v29;
	v30 =	vsub.f32 v22, v30  }
0xae: {  	v40 =	vld.idx.msk [tilespmem:v33+s24+$0x0], $0xffff;
	v22 =	vor.u32 $0xB, v24;
	v29 =	vsub.f32 v23, v34;
	v23 =	vsub.f32 v27, v37  }
0xaf: {  	v63 =	vld.idx.msk [tilespmem:v43+s24+$0x0], $0xffff;
	v27 =	vmul.f32 v16, v27;
	v35 =	vsub.f32 v28, v35;
	v28 =	vmul.f32 v17, v28  }
0xb0: {  	v41 =	vsub.f32 v39, v41;
	v39 =	vmul.f32 v17, v39;
	v60 =	vmul.f32 v30, v16  }
0xb1: {  	v61 =	vmul.f32 v29, v17;
	v27 =	vsub.f32 v32, v27;
	v32 =	vmul.f32 v16, v32  }
0xb2: {  	v28 =	vsub.f32 v36, v28;
	v34 =	vsub.f32 v23, v60;
	v23 =	vmul.f32 v23, v16  }
0xb3: {  	v37 =	vsub.f32 v35, v61;
	v35 =	vmul.f32 v35, v17;
	v32 =	vsub.f32 v40, v32  }
0xb4: {  	v40 =	vmul.f32 v16, v40;
	v60 =	vmul.f32 v16, v63;
	v23 =	vsub.f32 v27, v23  }
0xb5: {  	v62 =	vld.idx.msk [tilespmem:v22+s24+$0x0], $0xffff;
	v42 =	vmul.f32 v34, v16;
	v44 =	vmul.f32 v37, v17;
	v35 =	vsub.f32 v28, v35  }
0xb6: {  	v27 =	vmul.f32 v27, v16;
	v28 =	vmul.f32 v28, v17;
	v40 =	vsub.f32 v45, v40  }
0xb7: {  	v42 =	vsub.f32 v23, v42;
	v46 =	vmul.f32 v23, v16;
	v44 =	vsub.f32 v35, v44  }
0xb8: {  	v27 =	vsub.f32 v32, v27;
	v35 =	vmul.f32 v35, v17;
	v36 =	vmul.f32 v40, v16  }
0xb9: {  	v28 =	vsub.f32 v41, v28;
	v32 =	vmul.f32 v32, v16;
	v47 =	vmul.f32 v42, v16  }
0xba: {  	v48 =	vld.idx.msk [tilespmem:v15+s24+$0x0], $0xffff;
	v46 =	vsub.f32 v27, v46;
	v52 =	vmul.f32 v27, v16;
	v27 =	vmul.f32 v17, v62  }
0xbb: {  	v23 =	vpop (erf);
	v53 =	vmul.f32 v44, v17;
	v54 =	vmul.f32 v28, v17  }
0xbc: {  	v39 =	vsub.f32 v62, v39;
	v34 =	vmul.f32 v34, v23;
	v30 =	vmul.f32 v30, v23  }
0xbd: {  	v49 =	vld.idx.msk [tilespmem:v14+s24+$0x0], $0xffff;
	v35 =	vsub.f32 v28, v35;
	v37 =	vmul.f32 v37, v23;
	v29 =	vmul.f32 v29, v23  }
0xbe: {  	v51 =	vld.idx.msk [tilespmem:v31+s24+$0x0], $0xffff;
	v58 =	vmul.f32 v42, v23;
	v59 =	vmul.f32 v44, v23;
	[tilespmem:v24+s26+$0x0] =	vst.idx.msk $0xffff, v30  }
0xbf: {  	v24 =	vmul.f32 v17, v48;
	v30 =	vsub.f32 v48, v27;
	v27 =	vmul.f32 v39, v17  }
0xc0: {  	[tilespmem:v25+s26+$0x0] =	vst.idx.msk $0xffff, v29;
	v25 =	vmul.f32 v46, v16;
	v29 =	vsub.f32 v63, v50  }
0xc1: {  	v63 =	vsub.f32 v40, v32;
	[tilespmem:v26+s26+$0x0] =	vst.idx.msk $0xffff, v34;
	v26 =	vsub.f32 v46, v47  }
0xc2: {  	v57 =	vsub.f32 v49, v24;
	v24 =	vmul.f32 v41, v17;
	v27 =	vsub.f32 v30, v27  }
0xc3: {  	v62 =	vmul.f32 v30, v17;
	v30 =	vsub.f32 v51, v60;
	[tilespmem:v33+s26+$0x0] =	vst.idx.msk $0xffff, v37  }
0xc4: {  	v33 =	vmul.f32 v35, v17;
	v32 =	vsub.f32 v29, v36;
	v36 =	vsub.f32 v63, v52  }
0xc5: {  	v37 =	vmul.f32 v63, v16;
	v28 =	vsub.f32 v39, v24;
	[tilespmem:v38+s26+$0x0] =	vst.idx.msk $0xffff, v58  }
0xc6: {  	v61 =	vmul.f32 v26, v23;
	v24 =	vsub.f32 v35, v53;
	v26 =	vmul.f32 v26, v16  }
0xc7: {  	v34 =	vsub.f32 v57, v62;
	v38 =	vmul.f32 v27, v17;
	[tilespmem:v43+s26+$0x0] =	vst.idx.msk $0xffff, v59  }
0xc8: {  	s29 =	simm.s32 $0x10;
	[tilespmem:v31+s26+$0x0] =	vst.idx.msk $0xffff, v61;
	v31 =	vmul.f32 v24, v17;
	v35 =	vsub.f32 v28, v54  }
.LBB2_14:
0xc9: {  	p0 =	sne.s32 s29, $0x310;
	v29 =	vmul.f32 v29, v16;
	v25 =	vsub.f32 v36, v25;
	v36 =	vmul.f32 v36, v16;
	s30 =	smov.u32 s29;
	s29 =	sadd.s32 $0x10, s29  }
0xca: {  	v28 =	vmul.f32 v28, v17;
	v37 =	vsub.f32 v32, v37;
	v34 =	vsub.f32 v34, v38  }
0xcb: {  	v29 =	vsub.f32 v30, v29;
	v30 =	vsub.f32 v35, v33;
	v33 =	vmul.f32 v35, v17  }
0xcc: {  	v32 =	vmul.f32 v32, v16;
	v27 =	vsub.f32 v27, v28;
	v35 =	vsub.f32 v37, v36  }
0xcd: {  	v28 =	vmul.f32 v37, v16;
	v36 =	vmul.f32 v25, v16;
	v31 =	vsub.f32 v30, v31  }
0xce: {  	v29 =	vsub.f32 v29, v32;
	v30 =	vmul.f32 v30, v17;
	v32 =	vmul.f32 v35, v16  }
0xcf: {  	v25 =	vsub.f32 v25, v26;
	v26 =	vmul.f32 v31, v17;
	v31 =	vmul.f32 v31, v23  }
0xd0: {  	v24 =	vmul.f32 v24, v23;
	v28 =	vsub.f32 v29, v28;
	v29 =	vmul.f32 v27, v17  }
0xd1: {  	v35 =	vsub.f32 v35, v36;
	v36 =	vmul.f32 v25, v16;
	v27 =	vsub.f32 v27, v33  }
0xd2: {  	v29 =	vsub.f32 v34, v29;
	[tilespmem:v18+s26+$0x0] =	vst.idx.msk $0xffff, v24;
	v18 =	vmul.f32 v25, v23  }
0xd3: {  	v24 =	vsub.f32 v35, v36;
	v25 =	vsub.f32 v27, v30;
	v27 =	vmul.f32 v27, v17  }
0xd4: {  	v28 =	vsub.f32 v28, v32;
	[tilespmem:v19+s26+$0x0] =	vst.idx.msk $0xffff, v18  }
0xd5: {  	v18 =	vmul.f32 v35, v16;
	v19 =	vsub.f32 v29, v27;
	v26 =	vsub.f32 v25, v26  }
0xd6: {  	v25 =	vmul.f32 v25, v17;
	[tilespmem:v20+s26+$0x0] =	vst.idx.msk $0xffff, v31;
	v20 =	vmul.f32 v24, v23  }
0xd7: {  	v16 =	vmul.f32 v24, v16;
	v18 =	vsub.f32 v28, v18;
	v17 =	vmul.f32 v26, v17  }
0xd8: {  	v19 =	vsub.f32 v19, v25;
	[tilespmem:v21+s26+$0x0] =	vst.idx.msk $0xffff, v20;
	v20 =	vmul.f32 v26, v23  }
0xd9: {  	v16 =	vsub.f32 v18, v16  }
0xda: {  	v18 =	vor.u32 s30, v0;
	v17 =	vsub.f32 v19, v17;
	[tilespmem:v22+s26+$0x0] =	vst.idx.msk $0xffff, v20  }
0xdb: {  	v24 =	vshll.u32 v18, $0x4;
	v19 =	vshll.u32 v18, $0x3;
	v16 =	vmul.f32 v16, v23  }
0xdc: {  	v20 =	vor.u32 $0xE, v24;
	v21 =	vor.u32 $0x1, v19;
	v17 =	vmul.f32 v17, v23  }
0xdd: {  	v13 =	vmul.f32 $2.499999940e-03, v13;
	[tilespmem:v15+s26+$0x0] =	vst.idx.msk $0xffff, v16  }
0xde: {  	v18 =	vor.u32 $0x7, v24;
	[tilespmem:v14+s26+$0x0] =	vst.idx.msk $0xffff, v17  }
0xdf: {  	[tilespmem:v12+s26+$0x0] =	vst.idx.msk $0xffff, v13;
	v12 =	vmov v20  }
0xe0: {  	v16 =	vld.idx.msk [tilespmem:v19+s25+$0x0], $0xffff  }
0xe1: {  	v25 =	vor.u32 $0x1, v24;
	v17 =	vld.idx.msk [tilespmem:v21+s25+$0x0], $0xffff  }
0xe2: {  	v19 =	vor.u32 $0x8, v24;
	v13 =	vld.idx.msk [tilespmem:v20+s24+$0x0], $0xffff  }
0xe3: {  	v26 =	vor.u32 $0x2, v24;
	v23 =	vld.idx.msk [tilespmem:v18+s24+$0x0], $0xffff  }
0xe4: {  	v20 =	vor.u32 $0x9, v24;
	v22 =	vld.idx.msk [tilespmem:v24+s24+$0x0], $0xffff;
	_ =	sdelay $0x1  }
0xe5: {  	v27 =	vld.idx.msk [tilespmem:v25+s24+$0x0], $0xffff  }
0xe6: {  	v31 =	vor.u32 $0x6, v24;
	v15 =	vor.u32 $0xC, v24;
	v14 =	vor.u32 $0xD, v24;
	v28 =	vld.idx.msk [tilespmem:v19+s24+$0x0], $0xffff  }
0xe7: {  	v21 =	vor.u32 $0xA, v24;
	v30 =	vmax.f32 v13, $1.000000000e+00;
	v32 =	vmul.f32 v16, v13;
	v29 =	vld.idx.msk [tilespmem:v26+s24+$0x0], $0xffff  }
0xe8: {  	v33 =	vor.u32 $0x3, v24;
	v35 =	vmul.f32 v17, v13;
	v36 =	vmul.f32 v17, v23;
	v34 =	vld.idx.msk [tilespmem:v20+s24+$0x0], $0xffff  }
0xe9: {  	v32 =	vsub.f32 v22, v32;
	v37 =	vmul.f32 v16, v22;
	(erf) = vrcp.f32 v30  }
0xea: {  	v22 =	vor.u32 $0xB, v24;
	v35 =	vsub.f32 v23, v35;
	v30 =	vor.u32 $0x4, v24  }
0xeb: {  	v23 =	vsub.f32 v27, v37;
	v27 =	vmul.f32 v16, v27;
	v37 =	vmul.f32 v32, v16  }
0xec: {  	v39 =	vmul.f32 v35, v17;
	v36 =	vsub.f32 v28, v36;
	v28 =	vmul.f32 v17, v28;
	v38 =	vld.idx.msk [tilespmem:v21+s24+$0x0], $0xffff  }
0xed: {  	v27 =	vsub.f32 v29, v27;
	v37 =	vsub.f32 v23, v37;
	v23 =	vmul.f32 v23, v16;
	v40 =	vld.idx.msk [tilespmem:v33+s24+$0x0], $0xffff  }
0xee: {  	v41 =	vmul.f32 v17, v34;
	v39 =	vsub.f32 v36, v39;
	v36 =	vmul.f32 v36, v17  }
0xef: {  	v28 =	vsub.f32 v34, v28;
	v47 =	vsub.f32 v27, v23;
	v43 =	vmul.f32 v37, v16;
	v42 =	vld.idx.msk [tilespmem:v22+s24+$0x0], $0xffff  }
0xf0: {  	v44 =	vor.u32 $0x5, v24;
	v27 =	vmul.f32 v27, v16;
	v45 =	vmul.f32 v39, v17;
	v34 =	vld.idx.msk [tilespmem:v30+s24+$0x0], $0xffff  }
0xf1: {  	v29 =	vmul.f32 v16, v29;
	v43 =	vsub.f32 v47, v43;
	v46 =	vmul.f32 v47, v16  }
0xf2: {  	v36 =	vsub.f32 v28, v36;
	v28 =	vmul.f32 v28, v17;
	v41 =	vsub.f32 v38, v41;
	v23 =	vpop (erf)  }
0xf3: {  	v29 =	vsub.f32 v40, v29;
	v40 =	vmul.f32 v16, v40;
	v47 =	vmul.f32 v43, v16  }
0xf4: {  	v38 =	vmul.f32 v17, v38;
	v45 =	vsub.f32 v36, v45;
	v28 =	vsub.f32 v41, v28;
	v48 =	vld.idx.msk [tilespmem:v15+s24+$0x0], $0xffff  }
0xf5: {  	v37 =	vmul.f32 v37, v23;
	v39 =	vmul.f32 v39, v23;
	v27 =	vsub.f32 v29, v27  }
0xf6: {  	v35 =	vmul.f32 v35, v23;
	v38 =	vsub.f32 v42, v38;
	v50 =	vmul.f32 v16, v34;
	v49 =	vld.idx.msk [tilespmem:v14+s24+$0x0], $0xffff  }
0xf7: {  	v36 =	vmul.f32 v36, v17;
	v32 =	vmul.f32 v32, v23;
	v34 =	vsub.f32 v34, v40;
	v51 =	vld.idx.msk [tilespmem:v31+s24+$0x0], $0xffff  }
0xf8: {  	v46 =	vsub.f32 v27, v46;
	v52 =	vmul.f32 v27, v16;
	v27 =	vmul.f32 v17, v42;
	v40 =	vld.idx.msk [tilespmem:v44+s24+$0x0], $0xffff  }
0xf9: {  	v53 =	vmul.f32 v45, v17;
	v42 =	vmul.f32 v34, v16;
	[tilespmem:v24+s26+$0x0] =	vst.idx.msk $0xffff, v32  }
0xfa: {  	v54 =	vmul.f32 v28, v17;
	v24 =	vmul.f32 v17, v48;
	[tilespmem:v25+s26+$0x0] =	vst.idx.msk $0xffff, v35  }
0xfb: {  	v32 =	vsub.f32 v48, v27;
	v25 =	vmul.f32 v46, v16;
	[tilespmem:v26+s26+$0x0] =	vst.idx.msk $0xffff, v37  }
0xfc: {  	v27 =	vmul.f32 v38, v17;
	v26 =	vsub.f32 v46, v47;
	[tilespmem:v33+s26+$0x0] =	vst.idx.msk $0xffff, v39  }
0xfd: {  	v35 =	vmul.f32 v43, v23;
	v33 =	vsub.f32 v49, v24;
	v24 =	vmul.f32 v41, v17  }
0xfe: {  	v36 =	vsub.f32 v28, v36;
	v37 =	vmul.f32 v29, v16;
	v39 =	vmul.f32 v45, v23  }
0xff: {  	v29 =	vsub.f32 v40, v50;
	v28 =	vsub.f32 v38, v24;
	[tilespmem:v30+s26+$0x0] =	vst.idx.msk $0xffff, v35  }
0x100: {  	v30 =	vmul.f32 v16, v40;
	v35 =	vmul.f32 v26, v23;
	[tilespmem:v44+s26+$0x0] =	vst.idx.msk $0xffff, v39  }
.Ltmp8:
0x101: {  	v27 =	vsub.f32 v32, v27;
	v32 =	vmul.f32 v32, v17;
	v24 =	vsub.f32 v36, v53;
	(pc) =	sbr.rel @p0 .LBB2_14-.Ltmp8, $4  }
0x102: {  	v37 =	vsub.f32 v34, v37;
	v30 =	vsub.f32 v51, v30;
	[tilespmem:v31+s26+$0x0] =	vst.idx.msk $0xffff, v35  }
0x103: {  	v34 =	vsub.f32 v33, v32;
	v33 =	vmul.f32 v36, v17;
	v26 =	vmul.f32 v26, v16  }
0x104: {  	v32 =	vsub.f32 v29, v42;
	v36 =	vsub.f32 v37, v52;
	v31 =	vmul.f32 v24, v17  }
0x105: {  	v38 =	vmul.f32 v27, v17;
	v37 =	vmul.f32 v37, v16;
	v35 =	vsub.f32 v28, v54  }
0x106: {  	v29 =	vmul.f32 v29, v16;
	v25 =	vsub.f32 v36, v25;
	v45 =	vmul.f32 v36, v16  }
0x107: {  	v28 =	vmul.f32 v28, v17;
	v47 =	vmul.f32 v32, v16;
	v37 =	vsub.f32 v32, v37  }
0x108: {  	v24 =	vmul.f32 v24, v23;
	v34 =	vsub.f32 v34, v38;
	v29 =	vsub.f32 v30, v29  }
0x109: {  	v46 =	vmul.f32 v35, v17;
	v30 =	vsub.f32 v35, v33;
	v27 =	vsub.f32 v27, v28  }
0x10a: {  	v49 =	vmul.f32 v25, v16;
	v25 =	vsub.f32 v25, v26;
	[tilespmem:v18+s26+$0x0] =	vst.idx.msk $0xffff, v24  }
0x10b: {  	v48 =	vsub.f32 v37, v45;
	v28 =	vmul.f32 v37, v16;
	v29 =	vsub.f32 v29, v47  }
0x10c: {  	v31 =	vsub.f32 v30, v31;
	v30 =	vmul.f32 v30, v17;
	v52 =	vmul.f32 v25, v16  }
0x10d: {  	v28 =	vsub.f32 v29, v28;
	v29 =	vmul.f32 v27, v17;
	v27 =	vsub.f32 v27, v46  }
0x10e: {  	v50 =	vmul.f32 v48, v16;
	v51 =	vsub.f32 v48, v49;
	v26 =	vmul.f32 v31, v17  }
0x10f: {  	v29 =	vsub.f32 v34, v29;
	v30 =	vsub.f32 v27, v30;
	v27 =	vmul.f32 v27, v17  }
0x110: {  	v53 =	vsub.f32 v51, v52;
	v54 =	vmul.f32 v51, v16;
	v28 =	vsub.f32 v28, v50  }
0x111: {  	v27 =	vsub.f32 v29, v27;
	v26 =	vsub.f32 v30, v26;
	v29 =	vmul.f32 v30, v17  }
0x112: {  	v25 =	vmul.f32 v25, v23;
	v16 =	vmul.f32 v53, v16;
	v28 =	vsub.f32 v28, v54  }
0x113: {  	v31 =	vmul.f32 v31, v23;
	v17 =	vmul.f32 v26, v17;
	v18 =	vsub.f32 v27, v29  }
0x114: {  	[tilespmem:v19+s26+$0x0] =	vst.idx.msk $0xffff, v25;
	v19 =	vmul.f32 v53, v23;
	v16 =	vsub.f32 v28, v16  }
0x115: {  	[tilespmem:v20+s26+$0x0] =	vst.idx.msk $0xffff, v31;
	v20 =	vmul.f32 v26, v23;
	v17 =	vsub.f32 v18, v17  }
0x116: {  	[tilespmem:v21+s26+$0x0] =	vst.idx.msk $0xffff, v19;
	v16 =	vmul.f32 v16, v23  }
0x117: {  	[tilespmem:v22+s26+$0x0] =	vst.idx.msk $0xffff, v20;
	v17 =	vmul.f32 v17, v23  }
0x118: {  	v13 =	vmul.f32 $2.499999940e-03, v13;
	[tilespmem:v15+s26+$0x0] =	vst.idx.msk $0xffff, v16  }
0x119: {  	[tilespmem:v14+s26+$0x0] =	vst.idx.msk $0xffff, v17  }
0x11a: {  	s0 =	simm.s32 $0x0;
	[tilespmem:v12+s26+$0x0] =	vst.idx.msk $0xffff, v13  }
0x11b: {  	[hbm4b:s12+s0] =	stream.linear.scatter [tilespmem:s26], [sflag:$0x1], $0x3200, $0x38;
	[tilespmem:$0x19660] =	vst v63  }
0x11c: {  	_ =	swait.ge [sflag:s18], $0x3200  }
0x11d: {  	[sflag:s18] =	ssyncset.done $0x0  }
0x11e: {  	[sflag:s18] =	ssyncadd.s32 $0xFFFFCE00  }
0x11f: {  	[tilespmem:s24], [sflag:$0x1] =	stream.linear.gather [spmem:s13], $0x3200, $0x38;
	[tilespmem:$0x19660] =	vst v63  }
0x120: {  	_ =	swait.ge [sflag:s18], $0x3200  }
0x121: {  	v12 =	vor.u32 s0, v0;
	[sflag:s18] =	ssyncset.done $0x0  }
0x122: {  	v13 =	vshll.u32 v12, $0x3;
	[sflag:s18] =	ssyncadd.s32 $0xFFFFCE00  }
0x123: {  	v24 =	vshll.u32 v12, $0x4;
	v14 =	vor.u32 $0x1, v13;
	[tilespmem:s25], [sflag:$0x1] =	stream.linear.gather [hbm4b:s14+s0], $0x1900, $0x38;
	[tilespmem:$0x19660] =	vst v63  }
0x124: {  	v12 =	vor.u32 $0xE, v24;
	_ =	swait.ge [sflag:s18], $0x1900  }
0x125: {  	v18 =	vor.u32 $0x7, v24;
	[sflag:s18] =	ssyncset.done $0x0  }
0x126: {  	[sflag:s18] =	ssyncadd.s32 $0xFFFFE700  }
0x127: {  	v26 =	vor.u32 $0x2, v24;
	v16 =	vld.idx.msk [tilespmem:v13+s25+$0x0], $0xffff  }
0x128: {  	v20 =	vor.u32 $0x9, v24;
	v17 =	vld.idx.msk [tilespmem:v14+s25+$0x0], $0xffff  }
0x129: {  	v38 =	vor.u32 $0x4, v24;
	v13 =	vld.idx.msk [tilespmem:v12+s24+$0x0], $0xffff  }
0x12a: {  	v25 =	vor.u32 $0x1, v24;
	v23 =	vld.idx.msk [tilespmem:v18+s24+$0x0], $0xffff  }
0x12b: {  	v19 =	vor.u32 $0x8, v24;
	v22 =	vld.idx.msk [tilespmem:v24+s24+$0x0], $0xffff  }
0x12c: {  	v33 =	vor.u32 $0x3, v24;
	v55 =	vld.idx.msk [tilespmem:v26+s24+$0x0], $0xffff  }
0x12d: {  	v21 =	vor.u32 $0xA, v24;
	v58 =	vld.idx.msk [tilespmem:v20+s24+$0x0], $0xffff  }
0x12e: {  	v45 =	vld.idx.msk [tilespmem:v38+s24+$0x0], $0xffff  }
0x12f: {  	v31 =	vor.u32 $0x6, v24;
	v27 =	vld.idx.msk [tilespmem:v25+s24+$0x0], $0xffff  }
0x130: {  	v15 =	vor.u32 $0xC, v24;
	v28 =	vld.idx.msk [tilespmem:v19+s24+$0x0], $0xffff;
	v30 =	vmul.f32 v16, v13;
	v56 =	vmul.f32 v17, v13  }
0x131: {  	v43 =	vor.u32 $0x5, v24;
	v40 =	vld.idx.msk [tilespmem:v33+s24+$0x0], $0xffff;
	v57 =	vmul.f32 v17, v23;
	v59 =	vmul.f32 v16, v22  }
0x132: {  	v39 =	vld.idx.msk [tilespmem:v21+s24+$0x0], $0xffff;
	v29 =	vmax.f32 v13, $1.000000000e+00;
	v41 =	vmul.f32 v17, v58;
	v32 =	vmul.f32 v16, v55  }
0x133: {  	v14 =	vor.u32 $0xD, v24;
	v50 =	vmul.f32 v16, v45;
	(erf) = vrcp.f32 v29  }
0x134: {  	v30 =	vsub.f32 v22, v30;
	v22 =	vor.u32 $0xB, v24;
	v29 =	vsub.f32 v23, v56  }
0x135: {  	v23 =	vsub.f32 v27, v59;
	v27 =	vmul.f32 v16, v27;
	v35 =	vsub.f32 v28, v57  }
0x136: {  	v63 =	vld.idx.msk [tilespmem:v43+s24+$0x0], $0xffff;
	v28 =	vmul.f32 v17, v28;
	v32 =	vsub.f32 v40, v32;
	v40 =	vmul.f32 v16, v40  }
0x137: {  	v41 =	vsub.f32 v39, v41;
	v39 =	vmul.f32 v17, v39;
	v60 =	vmul.f32 v30, v16  }
0x138: {  	v61 =	vmul.f32 v29, v17;
	v27 =	vsub.f32 v55, v27;
	v40 =	vsub.f32 v45, v40  }
0x139: {  	v28 =	vsub.f32 v58, v28;
	v34 =	vsub.f32 v23, v60;
	v23 =	vmul.f32 v23, v16  }
0x13a: {  	v37 =	vsub.f32 v35, v61;
	v35 =	vmul.f32 v35, v17;
	v36 =	vmul.f32 v40, v16  }
0x13b: {  	v60 =	vmul.f32 v16, v63;
	v62 =	vld.idx.msk [tilespmem:v22+s24+$0x0], $0xffff;
	v23 =	vsub.f32 v27, v23;
	v42 =	vmul.f32 v34, v16  }
0x13c: {  	v27 =	vmul.f32 v27, v16;
	v44 =	vmul.f32 v37, v17;
	v35 =	vsub.f32 v28, v35  }
0x13d: {  	v28 =	vmul.f32 v28, v17;
	v42 =	vsub.f32 v23, v42;
	v46 =	vmul.f32 v23, v16  }
0x13e: {  	v44 =	vsub.f32 v35, v44;
	v27 =	vsub.f32 v32, v27;
	v35 =	vmul.f32 v35, v17  }
0x13f: {  	v28 =	vsub.f32 v41, v28;
	v32 =	vmul.f32 v32, v16;
	v47 =	vmul.f32 v42, v16  }
0x140: {  	v48 =	vld.idx.msk [tilespmem:v15+s24+$0x0], $0xffff;
	v46 =	vsub.f32 v27, v46;
	v52 =	vmul.f32 v27, v16;
	v27 =	vmul.f32 v17, v62  }
0x141: {  	v23 =	vpop (erf);
	v53 =	vmul.f32 v44, v17;
	v54 =	vmul.f32 v28, v17  }
0x142: {  	v39 =	vsub.f32 v62, v39;
	v34 =	vmul.f32 v34, v23;
	v30 =	vmul.f32 v30, v23  }
0x143: {  	v49 =	vld.idx.msk [tilespmem:v14+s24+$0x0], $0xffff;
	v35 =	vsub.f32 v28, v35;
	v37 =	vmul.f32 v37, v23;
	v29 =	vmul.f32 v29, v23  }
0x144: {  	v51 =	vld.idx.msk [tilespmem:v31+s24+$0x0], $0xffff;
	v58 =	vmul.f32 v42, v23;
	v59 =	vmul.f32 v44, v23;
	[tilespmem:v24+s26+$0x0] =	vst.idx.msk $0xffff, v30  }
0x145: {  	v24 =	vmul.f32 v17, v48;
	v30 =	vsub.f32 v48, v27;
	v27 =	vmul.f32 v39, v17  }
0x146: {  	[tilespmem:v25+s26+$0x0] =	vst.idx.msk $0xffff, v29;
	v25 =	vmul.f32 v46, v16;
	v29 =	vsub.f32 v63, v50  }
0x147: {  	v63 =	vsub.f32 v40, v32;
	[tilespmem:v26+s26+$0x0] =	vst.idx.msk $0xffff, v34;
	v26 =	vsub.f32 v46, v47  }
0x148: {  	v57 =	vsub.f32 v49, v24;
	v24 =	vmul.f32 v41, v17;
	v27 =	vsub.f32 v30, v27  }
0x149: {  	v62 =	vmul.f32 v30, v17;
	v30 =	vsub.f32 v51, v60;
	[tilespmem:v33+s26+$0x0] =	vst.idx.msk $0xffff, v37  }
0x14a: {  	v33 =	vmul.f32 v35, v17;
	v32 =	vsub.f32 v29, v36;
	v36 =	vsub.f32 v63, v52  }
0x14b: {  	v37 =	vmul.f32 v63, v16;
	v28 =	vsub.f32 v39, v24;
	[tilespmem:v38+s26+$0x0] =	vst.idx.msk $0xffff, v58  }
0x14c: {  	v61 =	vmul.f32 v26, v23;
	v24 =	vsub.f32 v35, v53;
	v26 =	vmul.f32 v26, v16  }
0x14d: {  	v34 =	vsub.f32 v57, v62;
	v38 =	vmul.f32 v27, v17;
	[tilespmem:v43+s26+$0x0] =	vst.idx.msk $0xffff, v59  }
0x14e: {  	s29 =	simm.s32 $0x10;
	[tilespmem:v31+s26+$0x0] =	vst.idx.msk $0xffff, v61;
	v31 =	vmul.f32 v24, v17;
	v35 =	vsub.f32 v28, v54  }
.LBB2_16:
0x14f: {  	p0 =	sne.s32 s29, $0x310;
	v29 =	vmul.f32 v29, v16;
	v25 =	vsub.f32 v36, v25;
	v36 =	vmul.f32 v36, v16;
	s30 =	smov.u32 s29;
	s29 =	sadd.s32 $0x10, s29  }
0x150: {  	v28 =	vmul.f32 v28, v17;
	v37 =	vsub.f32 v32, v37;
	v34 =	vsub.f32 v34, v38  }
0x151: {  	v29 =	vsub.f32 v30, v29;
	v30 =	vsub.f32 v35, v33;
	v33 =	vmul.f32 v35, v17  }
0x152: {  	v32 =	vmul.f32 v32, v16;
	v27 =	vsub.f32 v27, v28;
	v35 =	vsub.f32 v37, v36  }
0x153: {  	v28 =	vmul.f32 v37, v16;
	v36 =	vmul.f32 v25, v16;
	v31 =	vsub.f32 v30, v31  }
0x154: {  	v29 =	vsub.f32 v29, v32;
	v30 =	vmul.f32 v30, v17;
	v32 =	vmul.f32 v35, v16  }
0x155: {  	v25 =	vsub.f32 v25, v26;
	v26 =	vmul.f32 v31, v17;
	v31 =	vmul.f32 v31, v23  }
0x156: {  	v24 =	vmul.f32 v24, v23;
	v28 =	vsub.f32 v29, v28;
	v29 =	vmul.f32 v27, v17  }
0x157: {  	v35 =	vsub.f32 v35, v36;
	v36 =	vmul.f32 v25, v16;
	v27 =	vsub.f32 v27, v33  }
0x158: {  	v29 =	vsub.f32 v34, v29;
	[tilespmem:v18+s26+$0x0] =	vst.idx.msk $0xffff, v24;
	v18 =	vmul.f32 v25, v23  }
0x159: {  	v24 =	vsub.f32 v35, v36;
	v25 =	vsub.f32 v27, v30;
	v27 =	vmul.f32 v27, v17  }
0x15a: {  	v28 =	vsub.f32 v28, v32;
	[tilespmem:v19+s26+$0x0] =	vst.idx.msk $0xffff, v18  }
0x15b: {  	v18 =	vmul.f32 v35, v16;
	v19 =	vsub.f32 v29, v27;
	v26 =	vsub.f32 v25, v26  }
0x15c: {  	v25 =	vmul.f32 v25, v17;
	[tilespmem:v20+s26+$0x0] =	vst.idx.msk $0xffff, v31;
	v20 =	vmul.f32 v24, v23  }
0x15d: {  	v16 =	vmul.f32 v24, v16;
	v18 =	vsub.f32 v28, v18;
	v17 =	vmul.f32 v26, v17  }
0x15e: {  	v19 =	vsub.f32 v19, v25;
	[tilespmem:v21+s26+$0x0] =	vst.idx.msk $0xffff, v20;
	v20 =	vmul.f32 v26, v23  }
0x15f: {  	v16 =	vsub.f32 v18, v16  }
0x160: {  	v18 =	vor.u32 s30, v0;
	v17 =	vsub.f32 v19, v17;
	[tilespmem:v22+s26+$0x0] =	vst.idx.msk $0xffff, v20  }
0x161: {  	v24 =	vshll.u32 v18, $0x4;
	v19 =	vshll.u32 v18, $0x3;
	v16 =	vmul.f32 v16, v23  }
0x162: {  	v20 =	vor.u32 $0xE, v24;
	v21 =	vor.u32 $0x1, v19;
	v17 =	vmul.f32 v17, v23  }
0x163: {  	v13 =	vmul.f32 $2.499999940e-03, v13;
	[tilespmem:v15+s26+$0x0] =	vst.idx.msk $0xffff, v16  }
0x164: {  	v18 =	vor.u32 $0x7, v24;
	[tilespmem:v14+s26+$0x0] =	vst.idx.msk $0xffff, v17  }
0x165: {  	[tilespmem:v12+s26+$0x0] =	vst.idx.msk $0xffff, v13;
	v12 =	vmov v20  }
0x166: {  	v16 =	vld.idx.msk [tilespmem:v19+s25+$0x0], $0xffff  }
0x167: {  	v25 =	vor.u32 $0x1, v24;
	v17 =	vld.idx.msk [tilespmem:v21+s25+$0x0], $0xffff  }
0x168: {  	v19 =	vor.u32 $0x8, v24;
	v13 =	vld.idx.msk [tilespmem:v20+s24+$0x0], $0xffff  }
0x169: {  	v26 =	vor.u32 $0x2, v24;
	v23 =	vld.idx.msk [tilespmem:v18+s24+$0x0], $0xffff  }
0x16a: {  	v20 =	vor.u32 $0x9, v24;
	v22 =	vld.idx.msk [tilespmem:v24+s24+$0x0], $0xffff;
	_ =	sdelay $0x1  }
0x16b: {  	v27 =	vld.idx.msk [tilespmem:v25+s24+$0x0], $0xffff  }
0x16c: {  	v31 =	vor.u32 $0x6, v24;
	v15 =	vor.u32 $0xC, v24;
	v14 =	vor.u32 $0xD, v24;
	v28 =	vld.idx.msk [tilespmem:v19+s24+$0x0], $0xffff  }
0x16d: {  	v21 =	vor.u32 $0xA, v24;
	v30 =	vmax.f32 v13, $1.000000000e+00;
	v32 =	vmul.f32 v16, v13;
	v29 =	vld.idx.msk [tilespmem:v26+s24+$0x0], $0xffff  }
0x16e: {  	v33 =	vor.u32 $0x3, v24;
	v35 =	vmul.f32 v17, v13;
	v36 =	vmul.f32 v17, v23;
	v34 =	vld.idx.msk [tilespmem:v20+s24+$0x0], $0xffff  }
0x16f: {  	v32 =	vsub.f32 v22, v32;
	v37 =	vmul.f32 v16, v22;
	(erf) = vrcp.f32 v30  }
0x170: {  	v22 =	vor.u32 $0xB, v24;
	v35 =	vsub.f32 v23, v35;
	v30 =	vor.u32 $0x4, v24  }
0x171: {  	v23 =	vsub.f32 v27, v37;
	v27 =	vmul.f32 v16, v27;
	v37 =	vmul.f32 v32, v16  }
0x172: {  	v39 =	vmul.f32 v35, v17;
	v36 =	vsub.f32 v28, v36;
	v28 =	vmul.f32 v17, v28;
	v38 =	vld.idx.msk [tilespmem:v21+s24+$0x0], $0xffff  }
0x173: {  	v27 =	vsub.f32 v29, v27;
	v37 =	vsub.f32 v23, v37;
	v23 =	vmul.f32 v23, v16;
	v40 =	vld.idx.msk [tilespmem:v33+s24+$0x0], $0xffff  }
0x174: {  	v41 =	vmul.f32 v17, v34;
	v39 =	vsub.f32 v36, v39;
	v36 =	vmul.f32 v36, v17  }
0x175: {  	v28 =	vsub.f32 v34, v28;
	v47 =	vsub.f32 v27, v23;
	v43 =	vmul.f32 v37, v16;
	v42 =	vld.idx.msk [tilespmem:v22+s24+$0x0], $0xffff  }
0x176: {  	v44 =	vor.u32 $0x5, v24;
	v27 =	vmul.f32 v27, v16;
	v45 =	vmul.f32 v39, v17;
	v34 =	vld.idx.msk [tilespmem:v30+s24+$0x0], $0xffff  }
0x177: {  	v29 =	vmul.f32 v16, v29;
	v43 =	vsub.f32 v47, v43;
	v46 =	vmul.f32 v47, v16  }
0x178: {  	v36 =	vsub.f32 v28, v36;
	v28 =	vmul.f32 v28, v17;
	v41 =	vsub.f32 v38, v41;
	v23 =	vpop (erf)  }
0x179: {  	v29 =	vsub.f32 v40, v29;
	v40 =	vmul.f32 v16, v40;
	v47 =	vmul.f32 v43, v16  }
0x17a: {  	v38 =	vmul.f32 v17, v38;
	v45 =	vsub.f32 v36, v45;
	v28 =	vsub.f32 v41, v28;
	v48 =	vld.idx.msk [tilespmem:v15+s24+$0x0], $0xffff  }
0x17b: {  	v37 =	vmul.f32 v37, v23;
	v39 =	vmul.f32 v39, v23;
	v27 =	vsub.f32 v29, v27  }
0x17c: {  	v35 =	vmul.f32 v35, v23;
	v38 =	vsub.f32 v42, v38;
	v50 =	vmul.f32 v16, v34;
	v49 =	vld.idx.msk [tilespmem:v14+s24+$0x0], $0xffff  }
0x17d: {  	v36 =	vmul.f32 v36, v17;
	v32 =	vmul.f32 v32, v23;
	v34 =	vsub.f32 v34, v40;
	v51 =	vld.idx.msk [tilespmem:v31+s24+$0x0], $0xffff  }
0x17e: {  	v46 =	vsub.f32 v27, v46;
	v52 =	vmul.f32 v27, v16;
	v27 =	vmul.f32 v17, v42;
	v40 =	vld.idx.msk [tilespmem:v44+s24+$0x0], $0xffff  }
0x17f: {  	v53 =	vmul.f32 v45, v17;
	v42 =	vmul.f32 v34, v16;
	[tilespmem:v24+s26+$0x0] =	vst.idx.msk $0xffff, v32  }
0x180: {  	v54 =	vmul.f32 v28, v17;
	v24 =	vmul.f32 v17, v48;
	[tilespmem:v25+s26+$0x0] =	vst.idx.msk $0xffff, v35  }
0x181: {  	v32 =	vsub.f32 v48, v27;
	v25 =	vmul.f32 v46, v16;
	[tilespmem:v26+s26+$0x0] =	vst.idx.msk $0xffff, v37  }
0x182: {  	v27 =	vmul.f32 v38, v17;
	v26 =	vsub.f32 v46, v47;
	[tilespmem:v33+s26+$0x0] =	vst.idx.msk $0xffff, v39  }
0x183: {  	v35 =	vmul.f32 v43, v23;
	v33 =	vsub.f32 v49, v24;
	v24 =	vmul.f32 v41, v17  }
0x184: {  	v36 =	vsub.f32 v28, v36;
	v37 =	vmul.f32 v29, v16;
	v39 =	vmul.f32 v45, v23  }
0x185: {  	v29 =	vsub.f32 v40, v50;
	v28 =	vsub.f32 v38, v24;
	[tilespmem:v30+s26+$0x0] =	vst.idx.msk $0xffff, v35  }
0x186: {  	v30 =	vmul.f32 v16, v40;
	v35 =	vmul.f32 v26, v23;
	[tilespmem:v44+s26+$0x0] =	vst.idx.msk $0xffff, v39  }
.Ltmp9:
0x187: {  	v27 =	vsub.f32 v32, v27;
	v32 =	vmul.f32 v32, v17;
	v24 =	vsub.f32 v36, v53;
	(pc) =	sbr.rel @p0 .LBB2_16-.Ltmp9, $4  }
0x188: {  	v37 =	vsub.f32 v34, v37;
	v30 =	vsub.f32 v51, v30;
	[tilespmem:v31+s26+$0x0] =	vst.idx.msk $0xffff, v35  }
0x189: {  	v34 =	vsub.f32 v33, v32;
	v33 =	vmul.f32 v36, v17;
	v26 =	vmul.f32 v26, v16  }
0x18a: {  	v32 =	vsub.f32 v29, v42;
	v36 =	vsub.f32 v37, v52;
	v31 =	vmul.f32 v24, v17  }
0x18b: {  	v38 =	vmul.f32 v27, v17;
	v37 =	vmul.f32 v37, v16;
	v35 =	vsub.f32 v28, v54  }
0x18c: {  	v29 =	vmul.f32 v29, v16;
	v25 =	vsub.f32 v36, v25;
	v44 =	vmul.f32 v36, v16  }
0x18d: {  	v28 =	vmul.f32 v28, v17;
	v47 =	vmul.f32 v32, v16;
	v37 =	vsub.f32 v32, v37  }
0x18e: {  	v24 =	vmul.f32 v24, v23;
	v34 =	vsub.f32 v34, v38;
	v45 =	vsub.f32 v35, v33  }
0x18f: {  	v46 =	vmul.f32 v35, v17;
	v29 =	vsub.f32 v30, v29;
	v27 =	vsub.f32 v27, v28  }
0x190: {  	v50 =	vmul.f32 v25, v16;
	v25 =	vsub.f32 v25, v26;
	[tilespmem:v18+s26+$0x0] =	vst.idx.msk $0xffff, v24  }
0x191: {  	v48 =	vsub.f32 v37, v44;
	v49 =	vmul.f32 v37, v16;
	v31 =	vsub.f32 v45, v31  }
0x192: {  	v30 =	vmul.f32 v45, v17;
	v29 =	vsub.f32 v29, v47;
	v53 =	vmul.f32 v27, v17  }
0x193: {  	v27 =	vsub.f32 v27, v46;
	v55 =	vmul.f32 v25, v16;
	v51 =	vmul.f32 v48, v16  }
0x194: {  	v52 =	vmul.f32 v31, v17;
	v54 =	vsub.f32 v48, v50;
	v28 =	vsub.f32 v29, v49  }
0x195: {  	v29 =	vsub.f32 v34, v53;
	v30 =	vsub.f32 v27, v30;
	v27 =	vmul.f32 v27, v17  }
0x196: {  	v56 =	vsub.f32 v54, v55;
	v57 =	vmul.f32 v54, v16;
	v28 =	vsub.f32 v28, v51  }
0x197: {  	v27 =	vsub.f32 v29, v27;
	v26 =	vsub.f32 v30, v52;
	v58 =	vmul.f32 v30, v17  }
0x198: {  	v25 =	vmul.f32 v25, v23;
	v59 =	vmul.f32 v56, v16;
	v28 =	vsub.f32 v28, v57  }
0x199: {  	v31 =	vmul.f32 v31, v23;
	v60 =	vmul.f32 v26, v17;
	v61 =	vsub.f32 v27, v58  }
0x19a: {  	[tilespmem:v19+s26+$0x0] =	vst.idx.msk $0xffff, v25;
	v62 =	vmul.f32 v56, v23;
	v16 =	vsub.f32 v28, v59  }
0x19b: {  	[tilespmem:v20+s26+$0x0] =	vst.idx.msk $0xffff, v31;
	v63 =	vmul.f32 v26, v23;
	v17 =	vsub.f32 v61, v60  }
0x19c: {  	[tilespmem:v21+s26+$0x0] =	vst.idx.msk $0xffff, v62;
	v16 =	vmul.f32 v16, v23  }
0x19d: {  	[tilespmem:v22+s26+$0x0] =	vst.idx.msk $0xffff, v63;
	v17 =	vmul.f32 v17, v23  }
0x19e: {  	v13 =	vmul.f32 $2.499999940e-03, v13;
	s28 =	sadd.s32 $0x1, s28;
	[tilespmem:v15+s26+$0x0] =	vst.idx.msk $0xffff, v16  }
0x19f: {  	p0 =	sne.s32 s28, s16;
	[tilespmem:v14+s26+$0x0] =	vst.idx.msk $0xffff, v17  }
.Ltmp10:
0x1a0: {  	s0 =	simm.s32 $0x0;
	[tilespmem:v12+s26+$0x0] =	vst.idx.msk $0xffff, v13;
	(pc) =	sbr.rel @p0 .LBB2_1-.Ltmp10, $4  }
0x1a1: {  	[hbm4b:s15+s0] =	stream.linear.scatter [tilespmem:s26], [sflag:$0x1], $0x3200, $0x38;
	[tilespmem:$0x19660] =	vst v63  }
0x1a2: {  	_ =	swait.ge [sflag:s18], $0x3200  }
0x1a3: {  	[sflag:s18] =	ssyncset.done $0x0  }
0x1a4: {  	[sflag:s18] =	ssyncadd.s32 $0xFFFFCE00  }
0x1a5: {  	_ =	sfence.sel $0x180000  }
0x1a6: {  	[bflag:$0x0] =	sbarrier.arrive $0xFFFF  }
0x1a7: {  	_ =	strace $0x9000004A  }
0x1a8: {  	[bflag:$0x2] =	sbarrier.arrive $0xFFFF  }
0x1a9: {  	p0 =	sne.s32 s4, $0x0;
	s0 =	rddreg [dreg:$0x3]  }
0x1aa: {  	s0 =	sadd.s32 @!p0 $0x100000, s0  }
0x1ab: {  	[sflag:s0] =	ssyncadd.tile.s32 @!p0 $0x1;
	_ =	shalt  }
.Lfunc_end2:
_tile_overlayer_lowered:
.L_overlay_start_2:
0x1ac: {  	(tag) =	ssettag $0x2  }
0x1ad: {  	s0 =	rddreg [dreg:$0x0];
	s2 =	stileid.u32  }
0x1ae: {  	s1 =	rddreg [dreg:$0x1];
	p0 =	sne.s32 s2, $0x0  }
0x1af: {  	s3 =	rddreg [dreg:$0x2];
	[bflag:$0x3] =	sbarrier.arrive $0xFFFF;
	s2 =	simm.s32 @!p0 $0x1C01  }
0x1b0: {  	[timem:s3], [sflag:s2] =	dma.local @!p0 [hbm:s0], s1  }
0x1b1: {  	s0 =	simm.s32 @!p0 $0x1  }
0x1b2: {  	_ =	swait.ge @!p0 [sflag:s0], s1  }
0x1b3: {  	s1 =	ssub.s32 @!p0 $0x0, s1;
	[sflag:s0] =	ssyncset.done @!p0 $0x0  }
0x1b4: {  	[sflag:s0] =	ssyncadd.s32 @!p0 s1  }
0x1b5: {  	[bflag:$0x3] =	sbarrier.arrive $0xFFFF  }
0x1b6: {  	_ =	shalt  }

</sc_bundles>
